<compile_context>
chip_gen: v7x
topology: tpu7x:2x2x1
jax: 0.10.2.dev20260603
libtpu: 0.0.44.dev20260713+nightly
codegen_flags: <defaults>
</compile_context>

<pallas_src>
import math

import jax
import jax.numpy as jnp
from jax import lax
from jax.experimental import pallas as pl
from jax.experimental.pallas import tpu as pltpu
from jax.experimental.pallas import tpu_sc as plsc

D_OUT = 128
SEQ = (4096, 50)
N_TOK = SEQ[0] * SEQ[1]
NH = N_TOK // 2
NC, NS, L = 2, 16, 16
NW = NC * NS
BPW = N_TOK // NW
CHUNK = 128
CAP = BPW + CHUNK
NPAD = NW * CHUNK
NSTG = N_TOK + NPAD
SCALE = math.sqrt(float(D_OUT))

C0_HI = 20000
C1_HI = 100000

B = 2048
GRID = NH // B


def _sc_body(ids_hbm, emb0_hbm, emb1_hbm, emb2_hbm, s1_hbm, s2_hbm,
             ids_v, p0_v, x0_v, p1_v, x1_v, p2_v, x2_v,
             idx2_s, pos2_s, r0_v, r1_v, r2_v, r0a_v, r0b_v, r1w_v, r2w_v,
             sem, sem_s):
    wid = lax.axis_index("s") * NC + lax.axis_index("c")
    base = wid * BPW
    pltpu.sync_copy(ids_hbm.at[pl.ds(base, BPW)], ids_v)
    iota = lax.iota(jnp.int32, L)

    def zero_body(i, carry):
        r2w_v[i, pl.ds(32, L)] = jnp.zeros((L,), jnp.float32)
        r2w_v[i, pl.ds(48, L)] = jnp.zeros((L,), jnp.float32)
        return carry

    lax.fori_loop(0, CHUNK, zero_body, 0)

    dump_base = jnp.int32(N_TOK) + wid * CHUNK

    def init_body(i, carry):
        c = (i * L) % CHUNK
        dpos = dump_base + c + iota
        didx = c + iota
        for pv in (p0_v, p1_v, p2_v):
            pv[pl.ds(i * L, L)] = dpos
        for xv in (x0_v, x1_v, x2_v):
            xv[pl.ds(i * L, L)] = didx
        return carry

    lax.fori_loop(0, CAP // L, init_body, 0)

    trash = jnp.int32(CAP - L) + iota

    def scan_body(i, wps):
        w0, w1, w2 = wps
        v = ids_v[pl.ds(i * L, L)]
        r = jnp.int32(base) + i * L + iota
        q = r * 2 - jnp.where(r < NH, jnp.int32(0), jnp.int32(N_TOK - 1))
        m0 = v < C0_HI
        m1 = jnp.logical_and(v >= C0_HI, v < C1_HI)
        m2 = v >= C1_HI

        def emit(m, w, pv, xv, val):
            s = plsc.cumsum(jnp.where(m, jnp.int32(1), jnp.int32(0)))
            offs = jnp.where(m, w + s - 1, trash)
            plsc.store_scatter(pv, [offs], q)
            plsc.store_scatter(xv, [offs], val)
            return w + plsc.all_reduce_population_count(m)

        w0 = emit(m0, w0, p0_v, x0_v, v)
        w1 = emit(m1, w1, p1_v, x1_v, v - C0_HI)
        w2 = emit(m2, w2, p2_v, x2_v, v - C1_HI)
        return (w0, w1, w2)

    z = jnp.zeros((L,), jnp.int32)
    w0_v, w1_v, w2_v = lax.fori_loop(0, BPW // L, scan_body, (z, z, z))
    w0 = jnp.max(w0_v)
    w1 = jnp.max(w1_v)
    w2 = jnp.max(w2_v)

    def prestage(n, pos_arr, idx_arr):
        def body(c, carry):
            o = c * CHUNK
            for k in range(CHUNK // L):
                idx2_s[c, pl.ds(k * L, L)] = idx_arr[pl.ds(o + k * L, L)]
                pos2_s[c, pl.ds(k * L, L)] = pos_arr[pl.ds(o + k * L, L)]
            return carry

        lax.fori_loop(0, n, body, 0)

    def pipelined(n, table_hbm, row_buf, repack, scatters):
        def fire_gather(c):
            pltpu.async_copy(table_hbm.at[idx2_s.at[c]], row_buf, sem)

        def wait_gather():
            pltpu.make_async_copy(
                table_hbm.at[idx2_s.at[0]], row_buf, sem).wait()

        def body(c, carry):
            wait_gather()

            @pl.when(c > 0)
            def _():
                for src, dst in scatters:
                    pltpu.make_async_copy(
                        src, dst.at[pos2_s.at[0]], sem_s).wait()

            repack()

            @pl.when(c + 1 < n)
            def _():
                fire_gather(c + 1)

            for src, dst in scatters:
                pltpu.async_copy(src, dst.at[pos2_s.at[c]], sem_s)
            return carry

        @pl.when(n > 0)
        def _():
            fire_gather(jnp.int32(0))
            lax.fori_loop(0, n, body, 0)
            for src, dst in scatters:
                pltpu.make_async_copy(
                    src, dst.at[pos2_s.at[0]], sem_s).wait()

    def repack1():
        def body(rr, rc):
            for k in range(4):
                r1w_v[rr, pl.ds(k * L, L)] = r1_v[rr, pl.ds(k * L, L)]
            return rc

        lax.fori_loop(0, CHUNK, body, 0)

    n1 = (w1 + CHUNK - 1) // CHUNK
    prestage(n1, p1_v, x1_v)
    pipelined(n1, emb1_hbm, r1_v, repack1, [(r1w_v, s1_hbm)])

    def repack2():
        def body(rr, rc):
            r2w_v[rr, pl.ds(0, L)] = r2_v[rr, pl.ds(0, L)]
            r2w_v[rr, pl.ds(L, L)] = r2_v[rr, pl.ds(L, L)]
            return rc

        lax.fori_loop(0, CHUNK, body, 0)

    n2 = (w2 + CHUNK - 1) // CHUNK
    prestage(n2, p2_v, x2_v)
    pipelined(n2, emb2_hbm, r2_v, repack2, [(r2w_v, s2_hbm)])

    def repack0():
        def body(rr, rc):
            for k in range(4):
                r0a_v[rr, pl.ds(k * L, L)] = r0_v[rr, pl.ds(k * L, L)]
            for k in range(4):
                r0b_v[rr, pl.ds(k * L, L)] = r0_v[rr, pl.ds(64 + k * L, L)]
            return rc

        lax.fori_loop(0, CHUNK, body, 0)

    n0 = (w0 + CHUNK - 1) // CHUNK
    prestage(n0, p0_v, x0_v)
    pipelined(n0, emb0_hbm, r0_v, repack0,
              [(r0a_v, s1_hbm), (r0b_v, s2_hbm)])


def _sc_stage(ids, emb0, emb1, emb2):
    mesh = plsc.VectorSubcoreMesh(
        core_axis_name="c", subcore_axis_name="s",
        num_cores=NC, num_subcores=NS)
    call = pl.kernel(
        _sc_body,
        out_type=[
            jax.ShapeDtypeStruct((NSTG, 64), jnp.float32),
            jax.ShapeDtypeStruct((NSTG, 64), jnp.float32),
        ],
        mesh=mesh,
        compiler_params=pltpu.CompilerParams(
            use_tc_tiling_on_sc=False, needs_layout_passes=False),
        scratch_types=[
            pltpu.VMEM((BPW,), jnp.int32),
            pltpu.VMEM((CAP,), jnp.int32),
            pltpu.VMEM((CAP,), jnp.int32),
            pltpu.VMEM((CAP,), jnp.int32),
            pltpu.VMEM((CAP,), jnp.int32),
            pltpu.VMEM((CAP,), jnp.int32),
            pltpu.VMEM((CAP,), jnp.int32),
            pltpu.VMEM((CAP // CHUNK, CHUNK), jnp.int32),
            pltpu.VMEM((CAP // CHUNK, CHUNK), jnp.int32),
            pltpu.VMEM((CHUNK, 128), jnp.float32),
            pltpu.VMEM((CHUNK, 64), jnp.float32),
            pltpu.VMEM((CHUNK, 32), jnp.float32),
            pltpu.VMEM((CHUNK, 64), jnp.float32),
            pltpu.VMEM((CHUNK, 64), jnp.float32),
            pltpu.VMEM((CHUNK, 64), jnp.float32),
            pltpu.VMEM((CHUNK, 64), jnp.float32),
            pltpu.SemaphoreType.DMA,
            pltpu.SemaphoreType.DMA,
        ],
    )
    return call(ids, emb0, emb1, emb2)


def _tc_body(ids_ref, s1_ref, s2_ref, w1_ref, w2_ref, o_ref):
    b1 = s1_ref[...]
    b2 = s2_ref[...]
    w1t = w1_ref[...]
    w2t = w2_ref[...]
    G = B // 128
    rows = lax.broadcasted_iota(jnp.int32, (B, G), 0) // 128
    cols = lax.broadcasted_iota(jnp.int32, (B, G), 1)
    oh = (rows == cols).astype(jnp.float32)
    lane = lax.broadcasted_iota(jnp.int32, (B, 128), 1)
    pick = (lane == lax.broadcasted_iota(jnp.int32, (B, 128), 0) % 128)
    pickf = pick.astype(jnp.float32)
    outs = []
    for h in range(2):
        sl = slice(64 * h, 64 * h + 64)
        p1 = jnp.dot(b1[:, sl], w1t, preferred_element_type=jnp.float32)
        p2 = jnp.dot(b2[:, sl], w2t, preferred_element_type=jnp.float32)
        raw = jnp.concatenate([b1[:, sl], b2[:, sl]], axis=1)
        ids = ids_ref[h]
        f0 = (ids < C0_HI).astype(jnp.float32)
        f1 = (ids < C1_HI).astype(jnp.float32)
        s0 = jnp.dot(oh, f0, preferred_element_type=jnp.float32)
        s1 = jnp.dot(oh, f1, preferred_element_type=jnp.float32)
        m0 = jnp.sum(s0 * pickf, axis=1, keepdims=True) > 0.5
        m1 = jnp.sum(s1 * pickf, axis=1, keepdims=True) > 0.5
        outs.append(jnp.where(m0, raw, jnp.where(m1, p1, p2)) * SCALE)
    o_ref[...] = jnp.stack(outs, axis=0)


def _tc_combine(ids3, s1v, s2v, w1t, w2te):
    return pl.pallas_call(
        _tc_body,
        grid=(GRID,),
        in_specs=[
            pl.BlockSpec((2, B // 128, 128), lambda j: (0, j, 0)),
            pl.BlockSpec((B, 128), lambda j: (j, 0)),
            pl.BlockSpec((B, 128), lambda j: (j, 0)),
            pl.BlockSpec((64, 128), lambda j: (0, 0)),
            pl.BlockSpec((64, 128), lambda j: (0, 0)),
        ],
        out_specs=pl.BlockSpec((2, B, 128), lambda j: (0, j, 0)),
        out_shape=jax.ShapeDtypeStruct((2, NH, 128), jnp.float32),
    )(ids3, s1v, s2v, w1t, w2te)


def kernel(input_ids, emb0, emb1, emb2, W1, W2):
    ids = input_ids.T.reshape(-1)
    s1, s2 = _sc_stage(ids, emb0, emb1, emb2)
    s1v = s1.reshape(NSTG // 2, 128)
    s2v = s2.reshape(NSTG // 2, 128)
    ids3 = ids.reshape(2, NH // 128, 128)
    w2te = jnp.concatenate(
        [W2.T, jnp.zeros((32, D_OUT), jnp.float32)], axis=0)
    out = _tc_combine(ids3, s1v, s2v, W1.T, w2te)
    return out.reshape(SEQ[1], SEQ[0], D_OUT).transpose(1, 0, 2)

# --- scband reference (transcript-rebuilt; emitter-appended) ---
"""Pipeline reference for scband-adaptive-embedding-53197464928440 (READ-ONLY COPY).

The authoritative reference and input builder live on the scoring server;
editing this copy changes nothing except your own understanding.
"""

import math
import jax, jax.numpy as jnp
import numpy as np

VOCAB = 1000000
D_MODEL = 128
CUTOFFS = [20000, 100000, VOCAB]


def setup_inputs(seed: int = 0) -> dict:
    key = jax.random.key(seed)
    ks = jax.random.split(key, 6)
    input_ids = jax.random.randint(ks[0], (4096, 50), 0, VOCAB, dtype=jnp.int32)
    # cluster 0: ids [0, 20000), dim 128 (padding_idx=0 -> zero row)
    emb0 = jax.random.normal(ks[1], (20000, 128), dtype=jnp.float32) * 0.02
    emb0 = emb0.at[0].set(0.0)
    # cluster 1: ids [20000, 100000), dim 64
    emb1 = jax.random.normal(ks[2], (80000, 64), dtype=jnp.float32) * 0.02
    # cluster 2: ids [100000, 1000000), dim 32
    emb2 = jax.random.normal(ks[3], (900000, 32), dtype=jnp.float32) * 0.02
    # projections (torch nn.Linear weight layout: [out, in], y = x @ W.T)
    W1 = jax.random.normal(ks[4], (128, 64), dtype=jnp.float32) * 0.02
    W2 = jax.random.normal(ks[5], (128, 32), dtype=jnp.float32) * 0.02
    return {"input_ids": input_ids, "emb0": emb0, "emb1": emb1, "emb2": emb2, "W1": W1, "W2": W2}


def reference(input_ids, emb0, emb1, emb2, W1, W2):
    out = jnp.zeros(input_ids.shape + (D_MODEL,), dtype=jnp.float32)
    # cluster 0: [0, 20000), no projection
    m0 = (input_ids >= 0) & (input_ids < 20000)
    e0 = jnp.take(emb0, jnp.clip(input_ids, 0, 19999), axis=0)
    out = jnp.where(m0[..., None], e0, out)
    # cluster 1: [20000, 100000), project 64 -> 128
    m1 = (input_ids >= 20000) & (input_ids < 100000)
    e1 = jnp.take(emb1, jnp.clip(input_ids - 20000, 0, 79999), axis=0) @ W1.T
    out = jnp.where(m1[..., None], e1, out)
    # cluster 2: [100000, 1000000), project 32 -> 128
    m2 = (input_ids >= 100000) & (input_ids < VOCAB)
    e2 = jnp.take(emb2, jnp.clip(input_ids - 100000, 0, 899999), axis=0) @ W2.T
    out = jnp.where(m2[..., None], e2, out)
    return out * math.sqrt(float(D_MODEL))

if __name__ == "__main__":
    import jax
    _d = setup_inputs()
    print(jax.jit(kernel)(*tuple(_d.values())))

</pallas_src>

<mosaic_0001>
#map = affine_map<(d0, d1) -> (0)>
#map1 = affine_map<(d0, d1) -> (0, 0)>
module attributes {stable_mosaic.version = 14 : i64} {
  func.func @_sc_body(%arg0: i32, %arg1: i32, %arg2: memref<204800xi32, #tpu.memory_space<hbm>>, %arg3: memref<20000x128xf32, #tpu.memory_space<hbm>>, %arg4: memref<80000x64xf32, #tpu.memory_space<hbm>>, %arg5: memref<900000x32xf32, #tpu.memory_space<hbm>>, %arg6: memref<208896x64xf32, #tpu.memory_space<hbm>>, %arg7: memref<208896x64xf32, #tpu.memory_space<hbm>>, %arg8: memref<6400xi32, #tpu.memory_space<vmem>>, %arg9: memref<6528xi32, #tpu.memory_space<vmem>>, %arg10: memref<6528xi32, #tpu.memory_space<vmem>>, %arg11: memref<6528xi32, #tpu.memory_space<vmem>>, %arg12: memref<6528xi32, #tpu.memory_space<vmem>>, %arg13: memref<6528xi32, #tpu.memory_space<vmem>>, %arg14: memref<6528xi32, #tpu.memory_space<vmem>>, %arg15: memref<51x128xi32, #tpu.memory_space<vmem>>, %arg16: memref<51x128xi32, #tpu.memory_space<vmem>>, %arg17: memref<128x128xf32, #tpu.memory_space<vmem>>, %arg18: memref<128x64xf32, #tpu.memory_space<vmem>>, %arg19: memref<128x32xf32, #tpu.memory_space<vmem>>, %arg20: memref<128x64xf32, #tpu.memory_space<vmem>>, %arg21: memref<128x64xf32, #tpu.memory_space<vmem>>, %arg22: memref<128x64xf32, #tpu.memory_space<vmem>>, %arg23: memref<128x64xf32, #tpu.memory_space<vmem>>, %arg24: memref<!tpu.dma_semaphore, #tpu.memory_space<semaphore_mem>>, %arg25: memref<!tpu.dma_semaphore, #tpu.memory_space<semaphore_mem>>) attributes {dimension_semantics = [#tpu.dimension_semantics<core_parallel>, #tpu.dimension_semantics<subcore_parallel>], iteration_bounds = array<i64: 2, 16>, scalar_prefetch = 0 : i64, scratch_operands = 18 : i64, tpu.core_type = #tpu.core_type<sc_vector_subcore>, window_params = [{transform_indices = #map}, {transform_indices = #map1}, {transform_indices = #map1}, {transform_indices = #map1}, {transform_indices = #map1}, {transform_indices = #map1}]} {
    %mul3A = arith.constant 2 : i32
    %mul3A_0 = arith.muli %arg1, %mul3A : i32
    %add3A = arith.addi %mul3A_0, %arg0 : i32
    %mul3A_1 = arith.constant 6400 : i32
    %mul3A_2 = arith.muli %add3A, %mul3A_1 : i32
    "tpu.region"() ({
      %run_scoped3A = tpu.sem_alloc : memref<!tpu.dma_semaphore, #tpu.memory_space<semaphore_mem>>
      %dma_start3A = tpu.memref_slice %arg2[%mul3A_2] : memref<204800xi32, #tpu.memory_space<hbm>> -> memref<6400xi32, #tpu.memory_space<hbm>>
      %dma_start3A_168 = tpu.memref_slice %arg2[%mul3A_2] : memref<204800xi32, #tpu.memory_space<hbm>> -> memref<6400xi32, #tpu.memory_space<hbm>>
      tpu.enqueue_dma source(%dma_start3A_168 : memref<6400xi32, #tpu.memory_space<hbm>>) target(%arg8 : memref<6400xi32, #tpu.memory_space<vmem>>) target_semaphore(%run_scoped3A : memref<!tpu.dma_semaphore, #tpu.memory_space<semaphore_mem>>)
      %dma_wait3A = tpu.memref_slice %arg2[%mul3A_2] : memref<204800xi32, #tpu.memory_space<hbm>> -> memref<6400xi32, #tpu.memory_space<hbm>>
      %dma_wait3A_169 = tpu.memref_slice %arg2[%mul3A_2] : memref<204800xi32, #tpu.memory_space<hbm>> -> memref<6400xi32, #tpu.memory_space<hbm>>
      tpu.wait_dma2 semaphore(%run_scoped3A : memref<!tpu.dma_semaphore, #tpu.memory_space<semaphore_mem>>) src(%dma_wait3A_169 : memref<6400xi32, #tpu.memory_space<hbm>>) dst(%arg8 : memref<6400xi32, #tpu.memory_space<vmem>>)
      tpu.yield
    }) : () -> ()
    %iota3A = tpu.iota {dimensions = array<i32: 0>} : vector<16xi32>
    %scan3A = arith.constant 0 : i32
    %scan3A_3 = arith.constant 0 : i32
    %scan3A_4 = arith.constant 128 : i32
    %scan3A_5 = arith.addi %scan3A_3, %scan3A_4 : i32
    %scan3A_6 = arith.constant 1 : i32
    scf.for %scan3A_168 = %scan3A_3 to %scan3A_5 step %scan3A_6  : i32 {
      %broadcast_in_dim3A_169 = arith.constant 0.000000e+00 : f32
      %broadcast_in_dim3A_170 = vector.broadcast %broadcast_in_dim3A_169 : f32 to vector<16xf32>
      %swap3A = arith.index_cast %scan3A_168 : i32 to index
      %swap3A_171 = arith.constant 32 : index
      %swap3A_172 = tpu.vector_load %arg23[%swap3A, %swap3A_171] {strides = array<i32>} : memref<128x64xf32, #tpu.memory_space<vmem>>, vector<16xf32>,
      tpu.vector_store %arg23[%swap3A, %swap3A_171], %broadcast_in_dim3A_170 {strides = array<i32>} : memref<128x64xf32, #tpu.memory_space<vmem>>, vector<16xf32>,
      %broadcast_in_dim3A_173 = arith.constant 0.000000e+00 : f32
      %broadcast_in_dim3A_174 = vector.broadcast %broadcast_in_dim3A_173 : f32 to vector<16xf32>
      %swap3A_175 = arith.index_cast %scan3A_168 : i32 to index
      %swap3A_176 = arith.constant 48 : index
      %swap3A_177 = tpu.vector_load %arg23[%swap3A_175, %swap3A_176] {strides = array<i32>} : memref<128x64xf32, #tpu.memory_space<vmem>>, vector<16xf32>,
      tpu.vector_store %arg23[%swap3A_175, %swap3A_176], %broadcast_in_dim3A_174 {strides = array<i32>} : memref<128x64xf32, #tpu.memory_space<vmem>>, vector<16xf32>,
    }
    %scan3A_7 = arith.constant 128 : i32
    %mul3A_8 = arith.constant 128 : i32
    %mul3A_9 = arith.muli %add3A, %mul3A_8 : i32
    %add3A_10 = arith.constant 204800 : i32
    %add3A_11 = arith.addi %add3A_10, %mul3A_9 : i32
    %scan3A_12 = arith.constant 0 : i32
    %scan3A_13 = arith.constant 0 : i32
    %scan3A_14 = arith.constant 408 : i32
    %scan3A_15 = arith.addi %scan3A_13, %scan3A_14 : i32
    %scan3A_16 = arith.constant 1 : i32
    scf.for %scan3A_168 = %scan3A_13 to %scan3A_15 step %scan3A_16  : i32 {
      %mul3A_169 = arith.constant 16 : i32
      %mul3A_170 = arith.muli %scan3A_168, %mul3A_169 : i32
      %jit3A_171 = arith.constant 128 : i32
      %eq3A = arith.constant 0 : i32
      %eq3A_172 = arith.cmpi eq, %jit3A_171, %eq3A : i32
      %jit3A_173 = arith.constant 1 : i32
      %select_n3A_174 = arith.select %eq3A_172, %jit3A_173, %jit3A_171 : i32
      %rem3A_175 = arith.remsi %mul3A_170, %select_n3A_174 : i32
      %ne3A_176 = arith.constant 0 : i32
      %ne3A_177 = arith.cmpi ne, %rem3A_175, %ne3A_176 : i32
      %lt3A = arith.constant 0 : i32
      %lt3A_178 = arith.cmpi slt, %rem3A_175, %lt3A : i32
      %lt3A_179 = arith.constant 0 : i32
      %lt3A_180 = arith.cmpi slt, %select_n3A_174, %lt3A_179 : i32
      %ne3A_181 = arith.xori %lt3A_178, %lt3A_180 : i1
      %and3A_182 = arith.andi %ne3A_181, %ne3A_177 : i1
      %add3A_183 = arith.addi %rem3A_175, %select_n3A_174 : i32
      %select_n3A_184 = arith.select %and3A_182, %add3A_183, %rem3A_175 : i32
      %add3A_185 = arith.addi %add3A_11, %select_n3A_184 : i32
      %add3A_186 = vector.broadcast %add3A_185 : i32 to vector<16xi32>
      %add3A_187 = arith.addi %add3A_186, %iota3A : vector<16xi32>
      %add3A_188 = vector.broadcast %select_n3A_184 : i32 to vector<16xi32>
      %add3A_189 = arith.addi %add3A_188, %iota3A : vector<16xi32>
      %mul3A_190 = arith.constant 16 : i32
      %mul3A_191 = arith.muli %scan3A_168, %mul3A_190 : i32
      %swap3A = arith.index_cast %mul3A_191 : i32 to index
      %swap3A_192 = tpu.vector_load %arg9[%swap3A] {strides = array<i32>} : memref<6528xi32, #tpu.memory_space<vmem>>, vector<16xi32>,
      tpu.vector_store %arg9[%swap3A], %add3A_187 {strides = array<i32>} : memref<6528xi32, #tpu.memory_space<vmem>>, vector<16xi32>,
      %mul3A_193 = arith.constant 16 : i32
      %mul3A_194 = arith.muli %scan3A_168, %mul3A_193 : i32
      %swap3A_195 = arith.index_cast %mul3A_194 : i32 to index
      %swap3A_196 = tpu.vector_load %arg11[%swap3A_195] {strides = array<i32>} : memref<6528xi32, #tpu.memory_space<vmem>>, vector<16xi32>,
      tpu.vector_store %arg11[%swap3A_195], %add3A_187 {strides = array<i32>} : memref<6528xi32, #tpu.memory_space<vmem>>, vector<16xi32>,
      %mul3A_197 = arith.constant 16 : i32
      %mul3A_198 = arith.muli %scan3A_168, %mul3A_197 : i32
      %swap3A_199 = arith.index_cast %mul3A_198 : i32 to index
      %swap3A_200 = tpu.vector_load %arg13[%swap3A_199] {strides = array<i32>} : memref<6528xi32, #tpu.memory_space<vmem>>, vector<16xi32>,
      tpu.vector_store %arg13[%swap3A_199], %add3A_187 {strides = array<i32>} : memref<6528xi32, #tpu.memory_space<vmem>>, vector<16xi32>,
      %mul3A_201 = arith.constant 16 : i32
      %mul3A_202 = arith.muli %scan3A_168, %mul3A_201 : i32
      %swap3A_203 = arith.index_cast %mul3A_202 : i32 to index
      %swap3A_204 = tpu.vector_load %arg10[%swap3A_203] {strides = array<i32>} : memref<6528xi32, #tpu.memory_space<vmem>>, vector<16xi32>,
      tpu.vector_store %arg10[%swap3A_203], %add3A_189 {strides = array<i32>} : memref<6528xi32, #tpu.memory_space<vmem>>, vector<16xi32>,
      %mul3A_205 = arith.constant 16 : i32
      %mul3A_206 = arith.muli %scan3A_168, %mul3A_205 : i32
      %swap3A_207 = arith.index_cast %mul3A_206 : i32 to index
      %swap3A_208 = tpu.vector_load %arg12[%swap3A_207] {strides = array<i32>} : memref<6528xi32, #tpu.memory_space<vmem>>, vector<16xi32>,
      tpu.vector_store %arg12[%swap3A_207], %add3A_189 {strides = array<i32>} : memref<6528xi32, #tpu.memory_space<vmem>>, vector<16xi32>,
      %mul3A_209 = arith.constant 16 : i32
      %mul3A_210 = arith.muli %scan3A_168, %mul3A_209 : i32
      %swap3A_211 = arith.index_cast %mul3A_210 : i32 to index
      %swap3A_212 = tpu.vector_load %arg14[%swap3A_211] {strides = array<i32>} : memref<6528xi32, #tpu.memory_space<vmem>>, vector<16xi32>,
      tpu.vector_store %arg14[%swap3A_211], %add3A_189 {strides = array<i32>} : memref<6528xi32, #tpu.memory_space<vmem>>, vector<16xi32>,
    }
    %scan3A_17 = arith.constant 408 : i32
    %add3A_18 = arith.constant 6512 : i32
    %add3A_19 = vector.broadcast %add3A_18 : i32 to vector<16xi32>
    %add3A_20 = arith.addi %add3A_19, %iota3A : vector<16xi32>
    %broadcast_in_dim3A = arith.constant 0 : i32
    %broadcast_in_dim3A_21 = vector.broadcast %broadcast_in_dim3A : i32 to vector<16xi32>
    %scan3A_22 = arith.constant 0 : i32
    %scan3A_23 = arith.constant 400 : i32
    %scan3A_24 = arith.addi %scan3A_22, %scan3A_23 : i32
    %scan3A_25 = arith.constant 1 : i32
    %scan3A_26:3 = scf.for %scan3A_168 = %scan3A_22 to %scan3A_24 step %scan3A_25 iter_args(%scan3A_169 = %broadcast_in_dim3A_21, %scan3A_170 = %broadcast_in_dim3A_21, %scan3A_171 = %broadcast_in_dim3A_21) -> (vector<16xi32>, vector<16xi32>, vector<16xi32>)  : i32 {
      %mul3A_172 = arith.constant 16 : i32
      %mul3A_173 = arith.muli %scan3A_168, %mul3A_172 : i32
      %get3A = arith.index_cast %mul3A_173 : i32 to index
      %get3A_174 = tpu.vector_load %arg8[%get3A] {strides = array<i32>} : memref<6400xi32, #tpu.memory_space<vmem>>, vector<16xi32>,
      %mul3A_175 = arith.constant 16 : i32
      %mul3A_176 = arith.muli %scan3A_168, %mul3A_175 : i32
      %add3A_177 = arith.addi %mul3A_2, %mul3A_176 : i32
      %add3A_178 = vector.broadcast %add3A_177 : i32 to vector<16xi32>
      %add3A_179 = arith.addi %add3A_178, %iota3A : vector<16xi32>
      %mul3A_180 = arith.constant 2 : i32
      %mul3A_181 = vector.broadcast %mul3A_180 : i32 to vector<16xi32>
      %mul3A_182 = arith.muli %add3A_179, %mul3A_181 : vector<16xi32>
      %lt3A = arith.constant 102400 : i32
      %lt3A_183 = vector.broadcast %lt3A : i32 to vector<16xi32>
      %lt3A_184 = arith.cmpi slt, %add3A_179, %lt3A_183 : vector<16xi32>
      %jit3A_185 = arith.constant 0 : i32
      %jit3A_186 = arith.constant 204799 : i32
      %broadcast_in_dim3A_187 = vector.broadcast %jit3A_185 : i32 to vector<16xi32>
      %broadcast_in_dim3A_188 = vector.broadcast %jit3A_186 : i32 to vector<16xi32>
      %select_n3A_189 = arith.select %lt3A_184, %broadcast_in_dim3A_187, %broadcast_in_dim3A_188 : vector<16xi1>, vector<16xi32>
      %sub3A_190 = arith.subi %mul3A_182, %select_n3A_189 : vector<16xi32>
      %lt3A_191 = arith.constant 20000 : i32
      %lt3A_192 = vector.broadcast %lt3A_191 : i32 to vector<16xi32>
      %lt3A_193 = arith.cmpi slt, %get3A_174, %lt3A_192 : vector<16xi32>
      %ge3A = arith.constant 20000 : i32
      %ge3A_194 = vector.broadcast %ge3A : i32 to vector<16xi32>
      %ge3A_195 = arith.cmpi sge, %get3A_174, %ge3A_194 : vector<16xi32>
      %lt3A_196 = arith.constant 100000 : i32
      %lt3A_197 = vector.broadcast %lt3A_196 : i32 to vector<16xi32>
      %lt3A_198 = arith.cmpi slt, %get3A_174, %lt3A_197 : vector<16xi32>
      %and3A_199 = arith.andi %ge3A_195, %lt3A_198 : vector<16xi1>
      %ge3A_200 = arith.constant 100000 : i32
      %ge3A_201 = vector.broadcast %ge3A_200 : i32 to vector<16xi32>
      %ge3A_202 = arith.cmpi sge, %get3A_174, %ge3A_201 : vector<16xi32>
      %jit3A_203 = arith.constant 1 : i32
      %jit3A_204 = arith.constant 0 : i32
      %broadcast_in_dim3A_205 = vector.broadcast %jit3A_203 : i32 to vector<16xi32>
      %broadcast_in_dim3A_206 = vector.broadcast %jit3A_204 : i32 to vector<16xi32>
      %select_n3A_207 = arith.select %lt3A_193, %broadcast_in_dim3A_205, %broadcast_in_dim3A_206 : vector<16xi1>, vector<16xi32>
      %broadcast_in_dim3A_208 = arith.constant true
      %broadcast_in_dim3A_209 = vector.broadcast %broadcast_in_dim3A_208 : i1 to vector<16xi1>
      %masked_cumsum3A = tpu.scan <sum>, %select_n3A_207 masked %broadcast_in_dim3A_209 : vector<16xi32>, vector<16xi1> -> vector<16xi32>
      %add3A_210 = arith.addi %scan3A_169, %masked_cumsum3A : vector<16xi32>
      %sub3A_211 = arith.constant 1 : i32
      %sub3A_212 = vector.broadcast %sub3A_211 : i32 to vector<16xi32>
      %sub3A_213 = arith.subi %add3A_210, %sub3A_212 : vector<16xi32>
      %select_n3A_214 = arith.select %lt3A_193, %sub3A_213, %add3A_20 : vector<16xi1>, vector<16xi32>
      tpu.vector_store_idx %arg9[%select_n3A_214], %sub3A_190 : memref<6528xi32, #tpu.memory_space<vmem>>[vector<16xi32>], vector<16xi32>,
      tpu.vector_store_idx %arg10[%select_n3A_214], %get3A_174 : memref<6528xi32, #tpu.memory_space<vmem>>[vector<16xi32>], vector<16xi32>,
      %all_reduce_population_count3A = tpu.all_reduce %lt3A_193 {dim = 0 : i64, kind = #tpu.reduction_kind<sum>} : vector<16xi1> -> vector<16xi32>
      %add3A_215 = arith.addi %scan3A_169, %all_reduce_population_count3A : vector<16xi32>
      %sub3A_216 = arith.constant 20000 : i32
      %sub3A_217 = vector.broadcast %sub3A_216 : i32 to vector<16xi32>
      %sub3A_218 = arith.subi %get3A_174, %sub3A_217 : vector<16xi32>
      %jit3A_219 = arith.constant 1 : i32
      %jit3A_220 = arith.constant 0 : i32
      %broadcast_in_dim3A_221 = vector.broadcast %jit3A_219 : i32 to vector<16xi32>
      %broadcast_in_dim3A_222 = vector.broadcast %jit3A_220 : i32 to vector<16xi32>
      %select_n3A_223 = arith.select %and3A_199, %broadcast_in_dim3A_221, %broadcast_in_dim3A_222 : vector<16xi1>, vector<16xi32>
      %broadcast_in_dim3A_224 = arith.constant true
      %broadcast_in_dim3A_225 = vector.broadcast %broadcast_in_dim3A_224 : i1 to vector<16xi1>
      %masked_cumsum3A_226 = tpu.scan <sum>, %select_n3A_223 masked %broadcast_in_dim3A_225 : vector<16xi32>, vector<16xi1> -> vector<16xi32>
      %add3A_227 = arith.addi %scan3A_170, %masked_cumsum3A_226 : vector<16xi32>
      %sub3A_228 = arith.constant 1 : i32
      %sub3A_229 = vector.broadcast %sub3A_228 : i32 to vector<16xi32>
      %sub3A_230 = arith.subi %add3A_227, %sub3A_229 : vector<16xi32>
      %select_n3A_231 = arith.select %and3A_199, %sub3A_230, %add3A_20 : vector<16xi1>, vector<16xi32>
      tpu.vector_store_idx %arg11[%select_n3A_231], %sub3A_190 : memref<6528xi32, #tpu.memory_space<vmem>>[vector<16xi32>], vector<16xi32>,
      tpu.vector_store_idx %arg12[%select_n3A_231], %sub3A_218 : memref<6528xi32, #tpu.memory_space<vmem>>[vector<16xi32>], vector<16xi32>,
      %all_reduce_population_count3A_232 = tpu.all_reduce %and3A_199 {dim = 0 : i64, kind = #tpu.reduction_kind<sum>} : vector<16xi1> -> vector<16xi32>
      %add3A_233 = arith.addi %scan3A_170, %all_reduce_population_count3A_232 : vector<16xi32>
      %sub3A_234 = arith.constant 100000 : i32
      %sub3A_235 = vector.broadcast %sub3A_234 : i32 to vector<16xi32>
      %sub3A_236 = arith.subi %get3A_174, %sub3A_235 : vector<16xi32>
      %jit3A_237 = arith.constant 1 : i32
      %jit3A_238 = arith.constant 0 : i32
      %broadcast_in_dim3A_239 = vector.broadcast %jit3A_237 : i32 to vector<16xi32>
      %broadcast_in_dim3A_240 = vector.broadcast %jit3A_238 : i32 to vector<16xi32>
      %select_n3A_241 = arith.select %ge3A_202, %broadcast_in_dim3A_239, %broadcast_in_dim3A_240 : vector<16xi1>, vector<16xi32>
      %broadcast_in_dim3A_242 = arith.constant true
      %broadcast_in_dim3A_243 = vector.broadcast %broadcast_in_dim3A_242 : i1 to vector<16xi1>
      %masked_cumsum3A_244 = tpu.scan <sum>, %select_n3A_241 masked %broadcast_in_dim3A_243 : vector<16xi32>, vector<16xi1> -> vector<16xi32>
      %add3A_245 = arith.addi %scan3A_171, %masked_cumsum3A_244 : vector<16xi32>
      %sub3A_246 = arith.constant 1 : i32
      %sub3A_247 = vector.broadcast %sub3A_246 : i32 to vector<16xi32>
      %sub3A_248 = arith.subi %add3A_245, %sub3A_247 : vector<16xi32>
      %select_n3A_249 = arith.select %ge3A_202, %sub3A_248, %add3A_20 : vector<16xi1>, vector<16xi32>
      tpu.vector_store_idx %arg13[%select_n3A_249], %sub3A_190 : memref<6528xi32, #tpu.memory_space<vmem>>[vector<16xi32>], vector<16xi32>,
      tpu.vector_store_idx %arg14[%select_n3A_249], %sub3A_236 : memref<6528xi32, #tpu.memory_space<vmem>>[vector<16xi32>], vector<16xi32>,
      %all_reduce_population_count3A_250 = tpu.all_reduce %ge3A_202 {dim = 0 : i64, kind = #tpu.reduction_kind<sum>} : vector<16xi1> -> vector<16xi32>
      %add3A_251 = arith.addi %scan3A_171, %all_reduce_population_count3A_250 : vector<16xi32>
      scf.yield %add3A_215, %add3A_233, %add3A_251 : vector<16xi32>, vector<16xi32>, vector<16xi32>
    }
    %scan3A_27 = arith.constant 400 : i32
    %reduce_max3A = arith.constant true
    %reduce_max3A_28 = vector.broadcast %reduce_max3A : i1 to vector<16xi1>
    %reduce_max3A_29 = arith.constant -2147483648 : i32
    %reduce_max3A_30 = vector.broadcast %reduce_max3A_29 : i32 to vector<16xi32>
    %reduce_max3A_31 = arith.xori %scan3A_26#0, %reduce_max3A_30 : vector<16xi32>
    %reduce_max3A_32 = tpu.scan <max>, %reduce_max3A_31 masked %reduce_max3A_28 : vector<16xi32>, vector<16xi1> -> vector<16xi32>
    %reduce_max3A_33 = arith.xori %reduce_max3A_32, %reduce_max3A_30 : vector<16xi32>
    %reduce_max3A_34 = vector.extract %reduce_max3A_33[15] : i32 from vector<16xi32>
    %reduce_max3A_35 = arith.constant true
    %reduce_max3A_36 = vector.broadcast %reduce_max3A_35 : i1 to vector<16xi1>
    %reduce_max3A_37 = arith.constant -2147483648 : i32
    %reduce_max3A_38 = vector.broadcast %reduce_max3A_37 : i32 to vector<16xi32>
    %reduce_max3A_39 = arith.xori %scan3A_26#1, %reduce_max3A_38 : vector<16xi32>
    %reduce_max3A_40 = tpu.scan <max>, %reduce_max3A_39 masked %reduce_max3A_36 : vector<16xi32>, vector<16xi1> -> vector<16xi32>
    %reduce_max3A_41 = arith.xori %reduce_max3A_40, %reduce_max3A_38 : vector<16xi32>
    %reduce_max3A_42 = vector.extract %reduce_max3A_41[15] : i32 from vector<16xi32>
    %reduce_max3A_43 = arith.constant true
    %reduce_max3A_44 = vector.broadcast %reduce_max3A_43 : i1 to vector<16xi1>
    %reduce_max3A_45 = arith.constant -2147483648 : i32
    %reduce_max3A_46 = vector.broadcast %reduce_max3A_45 : i32 to vector<16xi32>
    %reduce_max3A_47 = arith.xori %scan3A_26#2, %reduce_max3A_46 : vector<16xi32>
    %reduce_max3A_48 = tpu.scan <max>, %reduce_max3A_47 masked %reduce_max3A_44 : vector<16xi32>, vector<16xi1> -> vector<16xi32>
    %reduce_max3A_49 = arith.xori %reduce_max3A_48, %reduce_max3A_46 : vector<16xi32>
    %reduce_max3A_50 = vector.extract %reduce_max3A_49[15] : i32 from vector<16xi32>
    %add3A_51 = arith.constant 128 : i32
    %add3A_52 = arith.addi %reduce_max3A_42, %add3A_51 : i32
    %sub3A = arith.constant 1 : i32
    %sub3A_53 = arith.subi %add3A_52, %sub3A : i32
    %jit3A = arith.constant 128 : i32
    %div3A = arith.divsi %sub3A_53, %jit3A : i32
    %sign3A = arith.constant 0 : i32
    %sign3A_54 = arith.cmpi sgt, %sub3A_53, %sign3A : i32
    %sign3A_55 = arith.extui %sign3A_54 : i1 to i32
    %sign3A_56 = arith.constant 0 : i32
    %sign3A_57 = arith.cmpi slt, %sub3A_53, %sign3A_56 : i32
    %sign3A_58 = arith.extui %sign3A_57 : i1 to i32
    %sign3A_59 = arith.subi %sign3A_55, %sign3A_58 : i32
    %sign3A_60 = arith.constant 0 : i32
    %sign3A_61 = arith.cmpi sgt, %jit3A, %sign3A_60 : i32
    %sign3A_62 = arith.extui %sign3A_61 : i1 to i32
    %sign3A_63 = arith.constant 0 : i32
    %sign3A_64 = arith.cmpi slt, %jit3A, %sign3A_63 : i32
    %sign3A_65 = arith.extui %sign3A_64 : i1 to i32
    %sign3A_66 = arith.subi %sign3A_62, %sign3A_65 : i32
    %ne3A = arith.cmpi ne, %sign3A_59, %sign3A_66 : i32
    %rem3A = arith.remsi %sub3A_53, %jit3A : i32
    %ne3A_67 = arith.constant 0 : i32
    %ne3A_68 = arith.cmpi ne, %rem3A, %ne3A_67 : i32
    %and3A = arith.andi %ne3A, %ne3A_68 : i1
    %sub3A_69 = arith.constant 1 : i32
    %sub3A_70 = arith.subi %div3A, %sub3A_69 : i32
    %select_n3A = arith.select %and3A, %sub3A_70, %div3A : i32
    %while3A = arith.constant 0 : i32
    %while3A_71 = arith.constant 0 : i32
    %while3A_72 = arith.subi %select_n3A, %while3A_71 : i32
    %while3A_73 = arith.addi %while3A_71, %while3A_72 : i32
    %while3A_74 = arith.constant 1 : i32
    %while3A_75 = arith.divsi %while3A_72, %while3A_74 : i32
    %while3A_76 = arith.muli %while3A_75, %while3A_74 : i32
    %while3A_77 = arith.addi %while3A_71, %while3A_76 : i32
    %while3A_78 = arith.constant 1 : i32
    scf.for %while3A_168 = %while3A_71 to %while3A_77 step %while3A_78  : i32 {
      %mul3A_169 = arith.constant 128 : i32
      %mul3A_170 = arith.muli %while3A_168, %mul3A_169 : i32
      %add3A_171 = arith.constant 0 : i32
      %add3A_172 = arith.addi %mul3A_170, %add3A_171 : i32
      %get3A = arith.index_cast %add3A_172 : i32 to index
      %get3A_173 = tpu.vector_load %arg12[%get3A] {strides = array<i32>} : memref<6528xi32, #tpu.memory_space<vmem>>, vector<16xi32>,
      %swap3A = arith.index_cast %while3A_168 : i32 to index
      %swap3A_174 = arith.constant 0 : index
      %swap3A_175 = tpu.vector_load %arg15[%swap3A, %swap3A_174] {strides = array<i32>} : memref<51x128xi32, #tpu.memory_space<vmem>>, vector<16xi32>,
      tpu.vector_store %arg15[%swap3A, %swap3A_174], %get3A_173 {strides = array<i32>} : memref<51x128xi32, #tpu.memory_space<vmem>>, vector<16xi32>,
      %add3A_176 = arith.constant 0 : i32
      %add3A_177 = arith.addi %mul3A_170, %add3A_176 : i32
      %get3A_178 = arith.index_cast %add3A_177 : i32 to index
      %get3A_179 = tpu.vector_load %arg11[%get3A_178] {strides = array<i32>} : memref<6528xi32, #tpu.memory_space<vmem>>, vector<16xi32>,
      %swap3A_180 = arith.index_cast %while3A_168 : i32 to index
      %swap3A_181 = arith.constant 0 : index
      %swap3A_182 = tpu.vector_load %arg16[%swap3A_180, %swap3A_181] {strides = array<i32>} : memref<51x128xi32, #tpu.memory_space<vmem>>, vector<16xi32>,
      tpu.vector_store %arg16[%swap3A_180, %swap3A_181], %get3A_179 {strides = array<i32>} : memref<51x128xi32, #tpu.memory_space<vmem>>, vector<16xi32>,
      %add3A_183 = arith.constant 16 : i32
      %add3A_184 = arith.addi %mul3A_170, %add3A_183 : i32
      %get3A_185 = arith.index_cast %add3A_184 : i32 to index
      %get3A_186 = tpu.vector_load %arg12[%get3A_185] {strides = array<i32>} : memref<6528xi32, #tpu.memory_space<vmem>>, vector<16xi32>,
      %swap3A_187 = arith.index_cast %while3A_168 : i32 to index
      %swap3A_188 = arith.constant 16 : index
      %swap3A_189 = tpu.vector_load %arg15[%swap3A_187, %swap3A_188] {strides = array<i32>} : memref<51x128xi32, #tpu.memory_space<vmem>>, vector<16xi32>,
      tpu.vector_store %arg15[%swap3A_187, %swap3A_188], %get3A_186 {strides = array<i32>} : memref<51x128xi32, #tpu.memory_space<vmem>>, vector<16xi32>,
      %add3A_190 = arith.constant 16 : i32
      %add3A_191 = arith.addi %mul3A_170, %add3A_190 : i32
      %get3A_192 = arith.index_cast %add3A_191 : i32 to index
      %get3A_193 = tpu.vector_load %arg11[%get3A_192] {strides = array<i32>} : memref<6528xi32, #tpu.memory_space<vmem>>, vector<16xi32>,
      %swap3A_194 = arith.index_cast %while3A_168 : i32 to index
      %swap3A_195 = arith.constant 16 : index
      %swap3A_196 = tpu.vector_load %arg16[%swap3A_194, %swap3A_195] {strides = array<i32>} : memref<51x128xi32, #tpu.memory_space<vmem>>, vector<16xi32>,
      tpu.vector_store %arg16[%swap3A_194, %swap3A_195], %get3A_193 {strides = array<i32>} : memref<51x128xi32, #tpu.memory_space<vmem>>, vector<16xi32>,
      %add3A_197 = arith.constant 32 : i32
      %add3A_198 = arith.addi %mul3A_170, %add3A_197 : i32
      %get3A_199 = arith.index_cast %add3A_198 : i32 to index
      %get3A_200 = tpu.vector_load %arg12[%get3A_199] {strides = array<i32>} : memref<6528xi32, #tpu.memory_space<vmem>>, vector<16xi32>,
      %swap3A_201 = arith.index_cast %while3A_168 : i32 to index
      %swap3A_202 = arith.constant 32 : index
      %swap3A_203 = tpu.vector_load %arg15[%swap3A_201, %swap3A_202] {strides = array<i32>} : memref<51x128xi32, #tpu.memory_space<vmem>>, vector<16xi32>,
      tpu.vector_store %arg15[%swap3A_201, %swap3A_202], %get3A_200 {strides = array<i32>} : memref<51x128xi32, #tpu.memory_space<vmem>>, vector<16xi32>,
      %add3A_204 = arith.constant 32 : i32
      %add3A_205 = arith.addi %mul3A_170, %add3A_204 : i32
      %get3A_206 = arith.index_cast %add3A_205 : i32 to index
      %get3A_207 = tpu.vector_load %arg11[%get3A_206] {strides = array<i32>} : memref<6528xi32, #tpu.memory_space<vmem>>, vector<16xi32>,
      %swap3A_208 = arith.index_cast %while3A_168 : i32 to index
      %swap3A_209 = arith.constant 32 : index
      %swap3A_210 = tpu.vector_load %arg16[%swap3A_208, %swap3A_209] {strides = array<i32>} : memref<51x128xi32, #tpu.memory_space<vmem>>, vector<16xi32>,
      tpu.vector_store %arg16[%swap3A_208, %swap3A_209], %get3A_207 {strides = array<i32>} : memref<51x128xi32, #tpu.memory_space<vmem>>, vector<16xi32>,
      %add3A_211 = arith.constant 48 : i32
      %add3A_212 = arith.addi %mul3A_170, %add3A_211 : i32
      %get3A_213 = arith.index_cast %add3A_212 : i32 to index
      %get3A_214 = tpu.vector_load %arg12[%get3A_213] {strides = array<i32>} : memref<6528xi32, #tpu.memory_space<vmem>>, vector<16xi32>,
      %swap3A_215 = arith.index_cast %while3A_168 : i32 to index
      %swap3A_216 = arith.constant 48 : index
      %swap3A_217 = tpu.vector_load %arg15[%swap3A_215, %swap3A_216] {strides = array<i32>} : memref<51x128xi32, #tpu.memory_space<vmem>>, vector<16xi32>,
      tpu.vector_store %arg15[%swap3A_215, %swap3A_216], %get3A_214 {strides = array<i32>} : memref<51x128xi32, #tpu.memory_space<vmem>>, vector<16xi32>,
      %add3A_218 = arith.constant 48 : i32
      %add3A_219 = arith.addi %mul3A_170, %add3A_218 : i32
      %get3A_220 = arith.index_cast %add3A_219 : i32 to index
      %get3A_221 = tpu.vector_load %arg11[%get3A_220] {strides = array<i32>} : memref<6528xi32, #tpu.memory_space<vmem>>, vector<16xi32>,
      %swap3A_222 = arith.index_cast %while3A_168 : i32 to index
      %swap3A_223 = arith.constant 48 : index
      %swap3A_224 = tpu.vector_load %arg16[%swap3A_222, %swap3A_223] {strides = array<i32>} : memref<51x128xi32, #tpu.memory_space<vmem>>, vector<16xi32>,
      tpu.vector_store %arg16[%swap3A_222, %swap3A_223], %get3A_221 {strides = array<i32>} : memref<51x128xi32, #tpu.memory_space<vmem>>, vector<16xi32>,
      %add3A_225 = arith.constant 64 : i32
      %add3A_226 = arith.addi %mul3A_170, %add3A_225 : i32
      %get3A_227 = arith.index_cast %add3A_226 : i32 to index
      %get3A_228 = tpu.vector_load %arg12[%get3A_227] {strides = array<i32>} : memref<6528xi32, #tpu.memory_space<vmem>>, vector<16xi32>,
      %swap3A_229 = arith.index_cast %while3A_168 : i32 to index
      %swap3A_230 = arith.constant 64 : index
      %swap3A_231 = tpu.vector_load %arg15[%swap3A_229, %swap3A_230] {strides = array<i32>} : memref<51x128xi32, #tpu.memory_space<vmem>>, vector<16xi32>,
      tpu.vector_store %arg15[%swap3A_229, %swap3A_230], %get3A_228 {strides = array<i32>} : memref<51x128xi32, #tpu.memory_space<vmem>>, vector<16xi32>,
      %add3A_232 = arith.constant 64 : i32
      %add3A_233 = arith.addi %mul3A_170, %add3A_232 : i32
      %get3A_234 = arith.index_cast %add3A_233 : i32 to index
      %get3A_235 = tpu.vector_load %arg11[%get3A_234] {strides = array<i32>} : memref<6528xi32, #tpu.memory_space<vmem>>, vector<16xi32>,
      %swap3A_236 = arith.index_cast %while3A_168 : i32 to index
      %swap3A_237 = arith.constant 64 : index
      %swap3A_238 = tpu.vector_load %arg16[%swap3A_236, %swap3A_237] {strides = array<i32>} : memref<51x128xi32, #tpu.memory_space<vmem>>, vector<16xi32>,
      tpu.vector_store %arg16[%swap3A_236, %swap3A_237], %get3A_235 {strides = array<i32>} : memref<51x128xi32, #tpu.memory_space<vmem>>, vector<16xi32>,
      %add3A_239 = arith.constant 80 : i32
      %add3A_240 = arith.addi %mul3A_170, %add3A_239 : i32
      %get3A_241 = arith.index_cast %add3A_240 : i32 to index
      %get3A_242 = tpu.vector_load %arg12[%get3A_241] {strides = array<i32>} : memref<6528xi32, #tpu.memory_space<vmem>>, vector<16xi32>,
      %swap3A_243 = arith.index_cast %while3A_168 : i32 to index
      %swap3A_244 = arith.constant 80 : index
      %swap3A_245 = tpu.vector_load %arg15[%swap3A_243, %swap3A_244] {strides = array<i32>} : memref<51x128xi32, #tpu.memory_space<vmem>>, vector<16xi32>,
      tpu.vector_store %arg15[%swap3A_243, %swap3A_244], %get3A_242 {strides = array<i32>} : memref<51x128xi32, #tpu.memory_space<vmem>>, vector<16xi32>,
      %add3A_246 = arith.constant 80 : i32
      %add3A_247 = arith.addi %mul3A_170, %add3A_246 : i32
      %get3A_248 = arith.index_cast %add3A_247 : i32 to index
      %get3A_249 = tpu.vector_load %arg11[%get3A_248] {strides = array<i32>} : memref<6528xi32, #tpu.memory_space<vmem>>, vector<16xi32>,
      %swap3A_250 = arith.index_cast %while3A_168 : i32 to index
      %swap3A_251 = arith.constant 80 : index
      %swap3A_252 = tpu.vector_load %arg16[%swap3A_250, %swap3A_251] {strides = array<i32>} : memref<51x128xi32, #tpu.memory_space<vmem>>, vector<16xi32>,
      tpu.vector_store %arg16[%swap3A_250, %swap3A_251], %get3A_249 {strides = array<i32>} : memref<51x128xi32, #tpu.memory_space<vmem>>, vector<16xi32>,
      %add3A_253 = arith.constant 96 : i32
      %add3A_254 = arith.addi %mul3A_170, %add3A_253 : i32
      %get3A_255 = arith.index_cast %add3A_254 : i32 to index
      %get3A_256 = tpu.vector_load %arg12[%get3A_255] {strides = array<i32>} : memref<6528xi32, #tpu.memory_space<vmem>>, vector<16xi32>,
      %swap3A_257 = arith.index_cast %while3A_168 : i32 to index
      %swap3A_258 = arith.constant 96 : index
      %swap3A_259 = tpu.vector_load %arg15[%swap3A_257, %swap3A_258] {strides = array<i32>} : memref<51x128xi32, #tpu.memory_space<vmem>>, vector<16xi32>,
      tpu.vector_store %arg15[%swap3A_257, %swap3A_258], %get3A_256 {strides = array<i32>} : memref<51x128xi32, #tpu.memory_space<vmem>>, vector<16xi32>,
      %add3A_260 = arith.constant 96 : i32
      %add3A_261 = arith.addi %mul3A_170, %add3A_260 : i32
      %get3A_262 = arith.index_cast %add3A_261 : i32 to index
      %get3A_263 = tpu.vector_load %arg11[%get3A_262] {strides = array<i32>} : memref<6528xi32, #tpu.memory_space<vmem>>, vector<16xi32>,
      %swap3A_264 = arith.index_cast %while3A_168 : i32 to index
      %swap3A_265 = arith.constant 96 : index
      %swap3A_266 = tpu.vector_load %arg16[%swap3A_264, %swap3A_265] {strides = array<i32>} : memref<51x128xi32, #tpu.memory_space<vmem>>, vector<16xi32>,
      tpu.vector_store %arg16[%swap3A_264, %swap3A_265], %get3A_263 {strides = array<i32>} : memref<51x128xi32, #tpu.memory_space<vmem>>, vector<16xi32>,
      %add3A_267 = arith.constant 112 : i32
      %add3A_268 = arith.addi %mul3A_170, %add3A_267 : i32
      %get3A_269 = arith.index_cast %add3A_268 : i32 to index
      %get3A_270 = tpu.vector_load %arg12[%get3A_269] {strides = array<i32>} : memref<6528xi32, #tpu.memory_space<vmem>>, vector<16xi32>,
      %swap3A_271 = arith.index_cast %while3A_168 : i32 to index
      %swap3A_272 = arith.constant 112 : index
      %swap3A_273 = tpu.vector_load %arg15[%swap3A_271, %swap3A_272] {strides = array<i32>} : memref<51x128xi32, #tpu.memory_space<vmem>>, vector<16xi32>,
      tpu.vector_store %arg15[%swap3A_271, %swap3A_272], %get3A_270 {strides = array<i32>} : memref<51x128xi32, #tpu.memory_space<vmem>>, vector<16xi32>,
      %add3A_274 = arith.constant 112 : i32
      %add3A_275 = arith.addi %mul3A_170, %add3A_274 : i32
      %get3A_276 = arith.index_cast %add3A_275 : i32 to index
      %get3A_277 = tpu.vector_load %arg11[%get3A_276] {strides = array<i32>} : memref<6528xi32, #tpu.memory_space<vmem>>, vector<16xi32>,
      %swap3A_278 = arith.index_cast %while3A_168 : i32 to index
      %swap3A_279 = arith.constant 112 : index
      %swap3A_280 = tpu.vector_load %arg16[%swap3A_278, %swap3A_279] {strides = array<i32>} : memref<51x128xi32, #tpu.memory_space<vmem>>, vector<16xi32>,
      tpu.vector_store %arg16[%swap3A_278, %swap3A_279], %get3A_277 {strides = array<i32>} : memref<51x128xi32, #tpu.memory_space<vmem>>, vector<16xi32>,
    }
    %while3A_79 = arith.constant 1 : i32
    scf.for %while3A_168 = %while3A_77 to %while3A_73 step %while3A_79  : i32 {
      %mul3A_169 = arith.constant 128 : i32
      %mul3A_170 = arith.muli %while3A_168, %mul3A_169 : i32
      %add3A_171 = arith.constant 0 : i32
      %add3A_172 = arith.addi %mul3A_170, %add3A_171 : i32
      %get3A = arith.index_cast %add3A_172 : i32 to index
      %get3A_173 = tpu.vector_load %arg12[%get3A] {strides = array<i32>} : memref<6528xi32, #tpu.memory_space<vmem>>, vector<16xi32>,
      %swap3A = arith.index_cast %while3A_168 : i32 to index
      %swap3A_174 = arith.constant 0 : index
      %swap3A_175 = tpu.vector_load %arg15[%swap3A, %swap3A_174] {strides = array<i32>} : memref<51x128xi32, #tpu.memory_space<vmem>>, vector<16xi32>,
      tpu.vector_store %arg15[%swap3A, %swap3A_174], %get3A_173 {strides = array<i32>} : memref<51x128xi32, #tpu.memory_space<vmem>>, vector<16xi32>,
      %add3A_176 = arith.constant 0 : i32
      %add3A_177 = arith.addi %mul3A_170, %add3A_176 : i32
      %get3A_178 = arith.index_cast %add3A_177 : i32 to index
      %get3A_179 = tpu.vector_load %arg11[%get3A_178] {strides = array<i32>} : memref<6528xi32, #tpu.memory_space<vmem>>, vector<16xi32>,
      %swap3A_180 = arith.index_cast %while3A_168 : i32 to index
      %swap3A_181 = arith.constant 0 : index
      %swap3A_182 = tpu.vector_load %arg16[%swap3A_180, %swap3A_181] {strides = array<i32>} : memref<51x128xi32, #tpu.memory_space<vmem>>, vector<16xi32>,
      tpu.vector_store %arg16[%swap3A_180, %swap3A_181], %get3A_179 {strides = array<i32>} : memref<51x128xi32, #tpu.memory_space<vmem>>, vector<16xi32>,
      %add3A_183 = arith.constant 16 : i32
      %add3A_184 = arith.addi %mul3A_170, %add3A_183 : i32
      %get3A_185 = arith.index_cast %add3A_184 : i32 to index
      %get3A_186 = tpu.vector_load %arg12[%get3A_185] {strides = array<i32>} : memref<6528xi32, #tpu.memory_space<vmem>>, vector<16xi32>,
      %swap3A_187 = arith.index_cast %while3A_168 : i32 to index
      %swap3A_188 = arith.constant 16 : index
      %swap3A_189 = tpu.vector_load %arg15[%swap3A_187, %swap3A_188] {strides = array<i32>} : memref<51x128xi32, #tpu.memory_space<vmem>>, vector<16xi32>,
      tpu.vector_store %arg15[%swap3A_187, %swap3A_188], %get3A_186 {strides = array<i32>} : memref<51x128xi32, #tpu.memory_space<vmem>>, vector<16xi32>,
      %add3A_190 = arith.constant 16 : i32
      %add3A_191 = arith.addi %mul3A_170, %add3A_190 : i32
      %get3A_192 = arith.index_cast %add3A_191 : i32 to index
      %get3A_193 = tpu.vector_load %arg11[%get3A_192] {strides = array<i32>} : memref<6528xi32, #tpu.memory_space<vmem>>, vector<16xi32>,
      %swap3A_194 = arith.index_cast %while3A_168 : i32 to index
      %swap3A_195 = arith.constant 16 : index
      %swap3A_196 = tpu.vector_load %arg16[%swap3A_194, %swap3A_195] {strides = array<i32>} : memref<51x128xi32, #tpu.memory_space<vmem>>, vector<16xi32>,
      tpu.vector_store %arg16[%swap3A_194, %swap3A_195], %get3A_193 {strides = array<i32>} : memref<51x128xi32, #tpu.memory_space<vmem>>, vector<16xi32>,
      %add3A_197 = arith.constant 32 : i32
      %add3A_198 = arith.addi %mul3A_170, %add3A_197 : i32
      %get3A_199 = arith.index_cast %add3A_198 : i32 to index
      %get3A_200 = tpu.vector_load %arg12[%get3A_199] {strides = array<i32>} : memref<6528xi32, #tpu.memory_space<vmem>>, vector<16xi32>,
      %swap3A_201 = arith.index_cast %while3A_168 : i32 to index
      %swap3A_202 = arith.constant 32 : index
      %swap3A_203 = tpu.vector_load %arg15[%swap3A_201, %swap3A_202] {strides = array<i32>} : memref<51x128xi32, #tpu.memory_space<vmem>>, vector<16xi32>,
      tpu.vector_store %arg15[%swap3A_201, %swap3A_202], %get3A_200 {strides = array<i32>} : memref<51x128xi32, #tpu.memory_space<vmem>>, vector<16xi32>,
      %add3A_204 = arith.constant 32 : i32
      %add3A_205 = arith.addi %mul3A_170, %add3A_204 : i32
      %get3A_206 = arith.index_cast %add3A_205 : i32 to index
      %get3A_207 = tpu.vector_load %arg11[%get3A_206] {strides = array<i32>} : memref<6528xi32, #tpu.memory_space<vmem>>, vector<16xi32>,
      %swap3A_208 = arith.index_cast %while3A_168 : i32 to index
      %swap3A_209 = arith.constant 32 : index
      %swap3A_210 = tpu.vector_load %arg16[%swap3A_208, %swap3A_209] {strides = array<i32>} : memref<51x128xi32, #tpu.memory_space<vmem>>, vector<16xi32>,
      tpu.vector_store %arg16[%swap3A_208, %swap3A_209], %get3A_207 {strides = array<i32>} : memref<51x128xi32, #tpu.memory_space<vmem>>, vector<16xi32>,
      %add3A_211 = arith.constant 48 : i32
      %add3A_212 = arith.addi %mul3A_170, %add3A_211 : i32
      %get3A_213 = arith.index_cast %add3A_212 : i32 to index
      %get3A_214 = tpu.vector_load %arg12[%get3A_213] {strides = array<i32>} : memref<6528xi32, #tpu.memory_space<vmem>>, vector<16xi32>,
      %swap3A_215 = arith.index_cast %while3A_168 : i32 to index
      %swap3A_216 = arith.constant 48 : index
      %swap3A_217 = tpu.vector_load %arg15[%swap3A_215, %swap3A_216] {strides = array<i32>} : memref<51x128xi32, #tpu.memory_space<vmem>>, vector<16xi32>,
      tpu.vector_store %arg15[%swap3A_215, %swap3A_216], %get3A_214 {strides = array<i32>} : memref<51x128xi32, #tpu.memory_space<vmem>>, vector<16xi32>,
      %add3A_218 = arith.constant 48 : i32
      %add3A_219 = arith.addi %mul3A_170, %add3A_218 : i32
      %get3A_220 = arith.index_cast %add3A_219 : i32 to index
      %get3A_221 = tpu.vector_load %arg11[%get3A_220] {strides = array<i32>} : memref<6528xi32, #tpu.memory_space<vmem>>, vector<16xi32>,
      %swap3A_222 = arith.index_cast %while3A_168 : i32 to index
      %swap3A_223 = arith.constant 48 : index
      %swap3A_224 = tpu.vector_load %arg16[%swap3A_222, %swap3A_223] {strides = array<i32>} : memref<51x128xi32, #tpu.memory_space<vmem>>, vector<16xi32>,
      tpu.vector_store %arg16[%swap3A_222, %swap3A_223], %get3A_221 {strides = array<i32>} : memref<51x128xi32, #tpu.memory_space<vmem>>, vector<16xi32>,
      %add3A_225 = arith.constant 64 : i32
      %add3A_226 = arith.addi %mul3A_170, %add3A_225 : i32
      %get3A_227 = arith.index_cast %add3A_226 : i32 to index
      %get3A_228 = tpu.vector_load %arg12[%get3A_227] {strides = array<i32>} : memref<6528xi32, #tpu.memory_space<vmem>>, vector<16xi32>,
      %swap3A_229 = arith.index_cast %while3A_168 : i32 to index
      %swap3A_230 = arith.constant 64 : index
      %swap3A_231 = tpu.vector_load %arg15[%swap3A_229, %swap3A_230] {strides = array<i32>} : memref<51x128xi32, #tpu.memory_space<vmem>>, vector<16xi32>,
      tpu.vector_store %arg15[%swap3A_229, %swap3A_230], %get3A_228 {strides = array<i32>} : memref<51x128xi32, #tpu.memory_space<vmem>>, vector<16xi32>,
      %add3A_232 = arith.constant 64 : i32
      %add3A_233 = arith.addi %mul3A_170, %add3A_232 : i32
      %get3A_234 = arith.index_cast %add3A_233 : i32 to index
      %get3A_235 = tpu.vector_load %arg11[%get3A_234] {strides = array<i32>} : memref<6528xi32, #tpu.memory_space<vmem>>, vector<16xi32>,
      %swap3A_236 = arith.index_cast %while3A_168 : i32 to index
      %swap3A_237 = arith.constant 64 : index
      %swap3A_238 = tpu.vector_load %arg16[%swap3A_236, %swap3A_237] {strides = array<i32>} : memref<51x128xi32, #tpu.memory_space<vmem>>, vector<16xi32>,
      tpu.vector_store %arg16[%swap3A_236, %swap3A_237], %get3A_235 {strides = array<i32>} : memref<51x128xi32, #tpu.memory_space<vmem>>, vector<16xi32>,
      %add3A_239 = arith.constant 80 : i32
      %add3A_240 = arith.addi %mul3A_170, %add3A_239 : i32
      %get3A_241 = arith.index_cast %add3A_240 : i32 to index
      %get3A_242 = tpu.vector_load %arg12[%get3A_241] {strides = array<i32>} : memref<6528xi32, #tpu.memory_space<vmem>>, vector<16xi32>,
      %swap3A_243 = arith.index_cast %while3A_168 : i32 to index
      %swap3A_244 = arith.constant 80 : index
      %swap3A_245 = tpu.vector_load %arg15[%swap3A_243, %swap3A_244] {strides = array<i32>} : memref<51x128xi32, #tpu.memory_space<vmem>>, vector<16xi32>,
      tpu.vector_store %arg15[%swap3A_243, %swap3A_244], %get3A_242 {strides = array<i32>} : memref<51x128xi32, #tpu.memory_space<vmem>>, vector<16xi32>,
      %add3A_246 = arith.constant 80 : i32
      %add3A_247 = arith.addi %mul3A_170, %add3A_246 : i32
      %get3A_248 = arith.index_cast %add3A_247 : i32 to index
      %get3A_249 = tpu.vector_load %arg11[%get3A_248] {strides = array<i32>} : memref<6528xi32, #tpu.memory_space<vmem>>, vector<16xi32>,
      %swap3A_250 = arith.index_cast %while3A_168 : i32 to index
      %swap3A_251 = arith.constant 80 : index
      %swap3A_252 = tpu.vector_load %arg16[%swap3A_250, %swap3A_251] {strides = array<i32>} : memref<51x128xi32, #tpu.memory_space<vmem>>, vector<16xi32>,
      tpu.vector_store %arg16[%swap3A_250, %swap3A_251], %get3A_249 {strides = array<i32>} : memref<51x128xi32, #tpu.memory_space<vmem>>, vector<16xi32>,
      %add3A_253 = arith.constant 96 : i32
      %add3A_254 = arith.addi %mul3A_170, %add3A_253 : i32
      %get3A_255 = arith.index_cast %add3A_254 : i32 to index
      %get3A_256 = tpu.vector_load %arg12[%get3A_255] {strides = array<i32>} : memref<6528xi32, #tpu.memory_space<vmem>>, vector<16xi32>,
      %swap3A_257 = arith.index_cast %while3A_168 : i32 to index
      %swap3A_258 = arith.constant 96 : index
      %swap3A_259 = tpu.vector_load %arg15[%swap3A_257, %swap3A_258] {strides = array<i32>} : memref<51x128xi32, #tpu.memory_space<vmem>>, vector<16xi32>,
      tpu.vector_store %arg15[%swap3A_257, %swap3A_258], %get3A_256 {strides = array<i32>} : memref<51x128xi32, #tpu.memory_space<vmem>>, vector<16xi32>,
      %add3A_260 = arith.constant 96 : i32
      %add3A_261 = arith.addi %mul3A_170, %add3A_260 : i32
      %get3A_262 = arith.index_cast %add3A_261 : i32 to index
      %get3A_263 = tpu.vector_load %arg11[%get3A_262] {strides = array<i32>} : memref<6528xi32, #tpu.memory_space<vmem>>, vector<16xi32>,
      %swap3A_264 = arith.index_cast %while3A_168 : i32 to index
      %swap3A_265 = arith.constant 96 : index
      %swap3A_266 = tpu.vector_load %arg16[%swap3A_264, %swap3A_265] {strides = array<i32>} : memref<51x128xi32, #tpu.memory_space<vmem>>, vector<16xi32>,
      tpu.vector_store %arg16[%swap3A_264, %swap3A_265], %get3A_263 {strides = array<i32>} : memref<51x128xi32, #tpu.memory_space<vmem>>, vector<16xi32>,
      %add3A_267 = arith.constant 112 : i32
      %add3A_268 = arith.addi %mul3A_170, %add3A_267 : i32
      %get3A_269 = arith.index_cast %add3A_268 : i32 to index
      %get3A_270 = tpu.vector_load %arg12[%get3A_269] {strides = array<i32>} : memref<6528xi32, #tpu.memory_space<vmem>>, vector<16xi32>,
      %swap3A_271 = arith.index_cast %while3A_168 : i32 to index
      %swap3A_272 = arith.constant 112 : index
      %swap3A_273 = tpu.vector_load %arg15[%swap3A_271, %swap3A_272] {strides = array<i32>} : memref<51x128xi32, #tpu.memory_space<vmem>>, vector<16xi32>,
      tpu.vector_store %arg15[%swap3A_271, %swap3A_272], %get3A_270 {strides = array<i32>} : memref<51x128xi32, #tpu.memory_space<vmem>>, vector<16xi32>,
      %add3A_274 = arith.constant 112 : i32
      %add3A_275 = arith.addi %mul3A_170, %add3A_274 : i32
      %get3A_276 = arith.index_cast %add3A_275 : i32 to index
      %get3A_277 = tpu.vector_load %arg11[%get3A_276] {strides = array<i32>} : memref<6528xi32, #tpu.memory_space<vmem>>, vector<16xi32>,
      %swap3A_278 = arith.index_cast %while3A_168 : i32 to index
      %swap3A_279 = arith.constant 112 : index
      %swap3A_280 = tpu.vector_load %arg16[%swap3A_278, %swap3A_279] {strides = array<i32>} : memref<51x128xi32, #tpu.memory_space<vmem>>, vector<16xi32>,
      tpu.vector_store %arg16[%swap3A_278, %swap3A_279], %get3A_277 {strides = array<i32>} : memref<51x128xi32, #tpu.memory_space<vmem>>, vector<16xi32>,
    }
    %gt3A = arith.constant 0 : i32
    %gt3A_80 = arith.cmpi sgt, %select_n3A, %gt3A : i32
    %convert_element_type3A = arith.extui %gt3A_80 : i1 to i32
    %cond3A = arith.constant 0 : i32
    %cond3A_81 = arith.cmpi ne, %convert_element_type3A, %cond3A : i32
    scf.if %cond3A_81 {
      %dma_start3A = arith.constant 0 : i32
      %dma_start3A_168 = arith.constant 0 : i32
      %dma_start3A_169 = tpu.memref_slice %arg15[%dma_start3A, %dma_start3A_168] : memref<51x128xi32, #tpu.memory_space<vmem>> -> memref<1x128xi32, #tpu.memory_space<vmem>>
      %dma_start3A_170 = tpu.memref_squeeze %dma_start3A_169 : memref<1x128xi32, #tpu.memory_space<vmem>> -> memref<128xi32, #tpu.memory_space<vmem>>
      %dma_start3A_171 = arith.constant 0 : i32
      %dma_start3A_172 = arith.constant 0 : i32
      %dma_start3A_173 = tpu.memref_slice %arg4[%dma_start3A_171, %dma_start3A_172] : memref<80000x64xf32, #tpu.memory_space<hbm>> -> memref<80000x64xf32, #tpu.memory_space<hbm>>
      tpu.enqueue_indirect_dma source(%dma_start3A_173 : memref<80000x64xf32, #tpu.memory_space<hbm>>) target(%arg18 : memref<128x64xf32, #tpu.memory_space<vmem>>) offsets(%dma_start3A_170 : memref<128xi32, #tpu.memory_space<vmem>>) semaphore(%arg24 : memref<!tpu.dma_semaphore, #tpu.memory_space<semaphore_mem>>)
      %while3A_174 = arith.constant 0 : i32
      %while3A_175 = arith.constant 0 : i32
      %while3A_176 = arith.subi %select_n3A, %while3A_175 : i32
      %while3A_177 = arith.addi %while3A_175, %while3A_176 : i32
      %while3A_178 = arith.constant 1 : i32
      %while3A_179 = arith.divsi %while3A_176, %while3A_178 : i32
      %while3A_180 = arith.muli %while3A_179, %while3A_178 : i32
      %while3A_181 = arith.addi %while3A_175, %while3A_180 : i32
      %while3A_182 = arith.constant 1 : i32
      scf.for %while3A_190 = %while3A_175 to %while3A_181 step %while3A_182  : i32 {
        %dma_wait3A_191 = arith.constant 0 : i32
        %dma_wait3A_192 = arith.constant 0 : i32
        %dma_wait3A_193 = tpu.memref_slice %arg15[%dma_wait3A_191, %dma_wait3A_192] : memref<51x128xi32, #tpu.memory_space<vmem>> -> memref<1x128xi32, #tpu.memory_space<vmem>>
        %dma_wait3A_194 = tpu.memref_squeeze %dma_wait3A_193 : memref<1x128xi32, #tpu.memory_space<vmem>> -> memref<128xi32, #tpu.memory_space<vmem>>
        %dma_wait3A_195 = arith.constant 0 : i32
        %dma_wait3A_196 = arith.constant 0 : i32
        %dma_wait3A_197 = tpu.memref_slice %arg4[%dma_wait3A_195, %dma_wait3A_196] : memref<80000x64xf32, #tpu.memory_space<hbm>> -> memref<80000x64xf32, #tpu.memory_space<hbm>>
        tpu.wait_indirect_dma semaphore(%arg24 : memref<!tpu.dma_semaphore, #tpu.memory_space<semaphore_mem>>) src(%dma_wait3A_197 : memref<80000x64xf32, #tpu.memory_space<hbm>>) dst(%arg18 : memref<128x64xf32, #tpu.memory_space<vmem>>)
        %gt3A_198 = arith.constant 0 : i32
        %gt3A_199 = arith.cmpi sgt, %while3A_190, %gt3A_198 : i32
        %convert_element_type3A_200 = arith.extui %gt3A_199 : i1 to i32
        %cond3A_201 = arith.constant 0 : i32
        %cond3A_202 = arith.cmpi ne, %convert_element_type3A_200, %cond3A_201 : i32
        scf.if %cond3A_202 {
          %dma_wait3A_220 = arith.constant 0 : i32
          %dma_wait3A_221 = arith.constant 0 : i32
          %dma_wait3A_222 = tpu.memref_slice %arg16[%dma_wait3A_220, %dma_wait3A_221] : memref<51x128xi32, #tpu.memory_space<vmem>> -> memref<1x128xi32, #tpu.memory_space<vmem>>
          %dma_wait3A_223 = tpu.memref_squeeze %dma_wait3A_222 : memref<1x128xi32, #tpu.memory_space<vmem>> -> memref<128xi32, #tpu.memory_space<vmem>>
          %dma_wait3A_224 = arith.constant 0 : i32
          %dma_wait3A_225 = arith.constant 0 : i32
          %dma_wait3A_226 = tpu.memref_slice %arg6[%dma_wait3A_224, %dma_wait3A_225] : memref<208896x64xf32, #tpu.memory_space<hbm>> -> memref<208896x64xf32, #tpu.memory_space<hbm>>
          tpu.wait_indirect_dma semaphore(%arg25 : memref<!tpu.dma_semaphore, #tpu.memory_space<semaphore_mem>>) src(%arg22 : memref<128x64xf32, #tpu.memory_space<vmem>>) dst(%dma_wait3A_226 : memref<208896x64xf32, #tpu.memory_space<hbm>>)
        } else {
        }
        %scan3A_203 = arith.constant 0 : i32
        %scan3A_204 = arith.constant 0 : i32
        %scan3A_205 = arith.constant 128 : i32
        %scan3A_206 = arith.addi %scan3A_204, %scan3A_205 : i32
        %scan3A_207 = arith.constant 1 : i32
        scf.for %scan3A_220 = %scan3A_204 to %scan3A_206 step %scan3A_207  : i32 {
          %get3A = arith.index_cast %scan3A_220 : i32 to index
          %get3A_221 = arith.constant 0 : index
          %get3A_222 = tpu.vector_load %arg18[%get3A, %get3A_221] {strides = array<i32>} : memref<128x64xf32, #tpu.memory_space<vmem>>, vector<16xf32>,
          %swap3A = arith.index_cast %scan3A_220 : i32 to index
          %swap3A_223 = arith.constant 0 : index
          %swap3A_224 = tpu.vector_load %arg22[%swap3A, %swap3A_223] {strides = array<i32>} : memref<128x64xf32, #tpu.memory_space<vmem>>, vector<16xf32>,
          tpu.vector_store %arg22[%swap3A, %swap3A_223], %get3A_222 {strides = array<i32>} : memref<128x64xf32, #tpu.memory_space<vmem>>, vector<16xf32>,
          %get3A_225 = arith.index_cast %scan3A_220 : i32 to index
          %get3A_226 = arith.constant 16 : index
          %get3A_227 = tpu.vector_load %arg18[%get3A_225, %get3A_226] {strides = array<i32>} : memref<128x64xf32, #tpu.memory_space<vmem>>, vector<16xf32>,
          %swap3A_228 = arith.index_cast %scan3A_220 : i32 to index
          %swap3A_229 = arith.constant 16 : index
          %swap3A_230 = tpu.vector_load %arg22[%swap3A_228, %swap3A_229] {strides = array<i32>} : memref<128x64xf32, #tpu.memory_space<vmem>>, vector<16xf32>,
          tpu.vector_store %arg22[%swap3A_228, %swap3A_229], %get3A_227 {strides = array<i32>} : memref<128x64xf32, #tpu.memory_space<vmem>>, vector<16xf32>,
          %get3A_231 = arith.index_cast %scan3A_220 : i32 to index
          %get3A_232 = arith.constant 32 : index
          %get3A_233 = tpu.vector_load %arg18[%get3A_231, %get3A_232] {strides = array<i32>} : memref<128x64xf32, #tpu.memory_space<vmem>>, vector<16xf32>,
          %swap3A_234 = arith.index_cast %scan3A_220 : i32 to index
          %swap3A_235 = arith.constant 32 : index
          %swap3A_236 = tpu.vector_load %arg22[%swap3A_234, %swap3A_235] {strides = array<i32>} : memref<128x64xf32, #tpu.memory_space<vmem>>, vector<16xf32>,
          tpu.vector_store %arg22[%swap3A_234, %swap3A_235], %get3A_233 {strides = array<i32>} : memref<128x64xf32, #tpu.memory_space<vmem>>, vector<16xf32>,
          %get3A_237 = arith.index_cast %scan3A_220 : i32 to index
          %get3A_238 = arith.constant 48 : index
          %get3A_239 = tpu.vector_load %arg18[%get3A_237, %get3A_238] {strides = array<i32>} : memref<128x64xf32, #tpu.memory_space<vmem>>, vector<16xf32>,
          %swap3A_240 = arith.index_cast %scan3A_220 : i32 to index
          %swap3A_241 = arith.constant 48 : index
          %swap3A_242 = tpu.vector_load %arg22[%swap3A_240, %swap3A_241] {strides = array<i32>} : memref<128x64xf32, #tpu.memory_space<vmem>>, vector<16xf32>,
          tpu.vector_store %arg22[%swap3A_240, %swap3A_241], %get3A_239 {strides = array<i32>} : memref<128x64xf32, #tpu.memory_space<vmem>>, vector<16xf32>,
        }
        %scan3A_208 = arith.constant 128 : i32
        %add3A_209 = arith.constant 1 : i32
        %add3A_210 = arith.addi %while3A_190, %add3A_209 : i32
        %lt3A = arith.cmpi slt, %add3A_210, %select_n3A : i32
        %convert_element_type3A_211 = arith.extui %lt3A : i1 to i32
        %cond3A_212 = arith.constant 0 : i32
        %cond3A_213 = arith.cmpi ne, %convert_element_type3A_211, %cond3A_212 : i32
        scf.if %cond3A_213 {
          %add3A_220 = arith.constant 1 : i32
          %add3A_221 = arith.addi %while3A_190, %add3A_220 : i32
          %dma_start3A_222 = arith.constant 0 : i32
          %dma_start3A_223 = tpu.memref_slice %arg15[%add3A_221, %dma_start3A_222] : memref<51x128xi32, #tpu.memory_space<vmem>> -> memref<1x128xi32, #tpu.memory_space<vmem>>
          %dma_start3A_224 = tpu.memref_squeeze %dma_start3A_223 : memref<1x128xi32, #tpu.memory_space<vmem>> -> memref<128xi32, #tpu.memory_space<vmem>>
          %dma_start3A_225 = arith.constant 0 : i32
          %dma_start3A_226 = arith.constant 0 : i32
          %dma_start3A_227 = tpu.memref_slice %arg4[%dma_start3A_225, %dma_start3A_226] : memref<80000x64xf32, #tpu.memory_space<hbm>> -> memref<80000x64xf32, #tpu.memory_space<hbm>>
          tpu.enqueue_indirect_dma source(%dma_start3A_227 : memref<80000x64xf32, #tpu.memory_space<hbm>>) target(%arg18 : memref<128x64xf32, #tpu.memory_space<vmem>>) offsets(%dma_start3A_224 : memref<128xi32, #tpu.memory_space<vmem>>) semaphore(%arg24 : memref<!tpu.dma_semaphore, #tpu.memory_space<semaphore_mem>>)
        } else {
        }
        %dma_start3A_214 = arith.constant 0 : i32
        %dma_start3A_215 = tpu.memref_slice %arg16[%while3A_190, %dma_start3A_214] : memref<51x128xi32, #tpu.memory_space<vmem>> -> memref<1x128xi32, #tpu.memory_space<vmem>>
        %dma_start3A_216 = tpu.memref_squeeze %dma_start3A_215 : memref<1x128xi32, #tpu.memory_space<vmem>> -> memref<128xi32, #tpu.memory_space<vmem>>
        %dma_start3A_217 = arith.constant 0 : i32
        %dma_start3A_218 = arith.constant 0 : i32
        %dma_start3A_219 = tpu.memref_slice %arg6[%dma_start3A_217, %dma_start3A_218] : memref<208896x64xf32, #tpu.memory_space<hbm>> -> memref<208896x64xf32, #tpu.memory_space<hbm>>
        tpu.enqueue_indirect_dma source(%arg22 : memref<128x64xf32, #tpu.memory_space<vmem>>) target(%dma_start3A_219 : memref<208896x64xf32, #tpu.memory_space<hbm>>) offsets(%dma_start3A_216 : memref<128xi32, #tpu.memory_space<vmem>>) semaphore(%arg25 : memref<!tpu.dma_semaphore, #tpu.memory_space<semaphore_mem>>)
      }
      %while3A_183 = arith.constant 1 : i32
      scf.for %while3A_190 = %while3A_181 to %while3A_177 step %while3A_183  : i32 {
        %dma_wait3A_191 = arith.constant 0 : i32
        %dma_wait3A_192 = arith.constant 0 : i32
        %dma_wait3A_193 = tpu.memref_slice %arg15[%dma_wait3A_191, %dma_wait3A_192] : memref<51x128xi32, #tpu.memory_space<vmem>> -> memref<1x128xi32, #tpu.memory_space<vmem>>
        %dma_wait3A_194 = tpu.memref_squeeze %dma_wait3A_193 : memref<1x128xi32, #tpu.memory_space<vmem>> -> memref<128xi32, #tpu.memory_space<vmem>>
        %dma_wait3A_195 = arith.constant 0 : i32
        %dma_wait3A_196 = arith.constant 0 : i32
        %dma_wait3A_197 = tpu.memref_slice %arg4[%dma_wait3A_195, %dma_wait3A_196] : memref<80000x64xf32, #tpu.memory_space<hbm>> -> memref<80000x64xf32, #tpu.memory_space<hbm>>
        tpu.wait_indirect_dma semaphore(%arg24 : memref<!tpu.dma_semaphore, #tpu.memory_space<semaphore_mem>>) src(%dma_wait3A_197 : memref<80000x64xf32, #tpu.memory_space<hbm>>) dst(%arg18 : memref<128x64xf32, #tpu.memory_space<vmem>>)
        %gt3A_198 = arith.constant 0 : i32
        %gt3A_199 = arith.cmpi sgt, %while3A_190, %gt3A_198 : i32
        %convert_element_type3A_200 = arith.extui %gt3A_199 : i1 to i32
        %cond3A_201 = arith.constant 0 : i32
        %cond3A_202 = arith.cmpi ne, %convert_element_type3A_200, %cond3A_201 : i32
        scf.if %cond3A_202 {
          %dma_wait3A_220 = arith.constant 0 : i32
          %dma_wait3A_221 = arith.constant 0 : i32
          %dma_wait3A_222 = tpu.memref_slice %arg16[%dma_wait3A_220, %dma_wait3A_221] : memref<51x128xi32, #tpu.memory_space<vmem>> -> memref<1x128xi32, #tpu.memory_space<vmem>>
          %dma_wait3A_223 = tpu.memref_squeeze %dma_wait3A_222 : memref<1x128xi32, #tpu.memory_space<vmem>> -> memref<128xi32, #tpu.memory_space<vmem>>
          %dma_wait3A_224 = arith.constant 0 : i32
          %dma_wait3A_225 = arith.constant 0 : i32
          %dma_wait3A_226 = tpu.memref_slice %arg6[%dma_wait3A_224, %dma_wait3A_225] : memref<208896x64xf32, #tpu.memory_space<hbm>> -> memref<208896x64xf32, #tpu.memory_space<hbm>>
          tpu.wait_indirect_dma semaphore(%arg25 : memref<!tpu.dma_semaphore, #tpu.memory_space<semaphore_mem>>) src(%arg22 : memref<128x64xf32, #tpu.memory_space<vmem>>) dst(%dma_wait3A_226 : memref<208896x64xf32, #tpu.memory_space<hbm>>)
        } else {
        }
        %scan3A_203 = arith.constant 0 : i32
        %scan3A_204 = arith.constant 0 : i32
        %scan3A_205 = arith.constant 128 : i32
        %scan3A_206 = arith.addi %scan3A_204, %scan3A_205 : i32
        %scan3A_207 = arith.constant 1 : i32
        scf.for %scan3A_220 = %scan3A_204 to %scan3A_206 step %scan3A_207  : i32 {
          %get3A = arith.index_cast %scan3A_220 : i32 to index
          %get3A_221 = arith.constant 0 : index
          %get3A_222 = tpu.vector_load %arg18[%get3A, %get3A_221] {strides = array<i32>} : memref<128x64xf32, #tpu.memory_space<vmem>>, vector<16xf32>,
          %swap3A = arith.index_cast %scan3A_220 : i32 to index
          %swap3A_223 = arith.constant 0 : index
          %swap3A_224 = tpu.vector_load %arg22[%swap3A, %swap3A_223] {strides = array<i32>} : memref<128x64xf32, #tpu.memory_space<vmem>>, vector<16xf32>,
          tpu.vector_store %arg22[%swap3A, %swap3A_223], %get3A_222 {strides = array<i32>} : memref<128x64xf32, #tpu.memory_space<vmem>>, vector<16xf32>,
          %get3A_225 = arith.index_cast %scan3A_220 : i32 to index
          %get3A_226 = arith.constant 16 : index
          %get3A_227 = tpu.vector_load %arg18[%get3A_225, %get3A_226] {strides = array<i32>} : memref<128x64xf32, #tpu.memory_space<vmem>>, vector<16xf32>,
          %swap3A_228 = arith.index_cast %scan3A_220 : i32 to index
          %swap3A_229 = arith.constant 16 : index
          %swap3A_230 = tpu.vector_load %arg22[%swap3A_228, %swap3A_229] {strides = array<i32>} : memref<128x64xf32, #tpu.memory_space<vmem>>, vector<16xf32>,
          tpu.vector_store %arg22[%swap3A_228, %swap3A_229], %get3A_227 {strides = array<i32>} : memref<128x64xf32, #tpu.memory_space<vmem>>, vector<16xf32>,
          %get3A_231 = arith.index_cast %scan3A_220 : i32 to index
          %get3A_232 = arith.constant 32 : index
          %get3A_233 = tpu.vector_load %arg18[%get3A_231, %get3A_232] {strides = array<i32>} : memref<128x64xf32, #tpu.memory_space<vmem>>, vector<16xf32>,
          %swap3A_234 = arith.index_cast %scan3A_220 : i32 to index
          %swap3A_235 = arith.constant 32 : index
          %swap3A_236 = tpu.vector_load %arg22[%swap3A_234, %swap3A_235] {strides = array<i32>} : memref<128x64xf32, #tpu.memory_space<vmem>>, vector<16xf32>,
          tpu.vector_store %arg22[%swap3A_234, %swap3A_235], %get3A_233 {strides = array<i32>} : memref<128x64xf32, #tpu.memory_space<vmem>>, vector<16xf32>,
          %get3A_237 = arith.index_cast %scan3A_220 : i32 to index
          %get3A_238 = arith.constant 48 : index
          %get3A_239 = tpu.vector_load %arg18[%get3A_237, %get3A_238] {strides = array<i32>} : memref<128x64xf32, #tpu.memory_space<vmem>>, vector<16xf32>,
          %swap3A_240 = arith.index_cast %scan3A_220 : i32 to index
          %swap3A_241 = arith.constant 48 : index
          %swap3A_242 = tpu.vector_load %arg22[%swap3A_240, %swap3A_241] {strides = array<i32>} : memref<128x64xf32, #tpu.memory_space<vmem>>, vector<16xf32>,
          tpu.vector_store %arg22[%swap3A_240, %swap3A_241], %get3A_239 {strides = array<i32>} : memref<128x64xf32, #tpu.memory_space<vmem>>, vector<16xf32>,
        }
        %scan3A_208 = arith.constant 128 : i32
        %add3A_209 = arith.constant 1 : i32
        %add3A_210 = arith.addi %while3A_190, %add3A_209 : i32
        %lt3A = arith.cmpi slt, %add3A_210, %select_n3A : i32
        %convert_element_type3A_211 = arith.extui %lt3A : i1 to i32
        %cond3A_212 = arith.constant 0 : i32
        %cond3A_213 = arith.cmpi ne, %convert_element_type3A_211, %cond3A_212 : i32
        scf.if %cond3A_213 {
          %add3A_220 = arith.constant 1 : i32
          %add3A_221 = arith.addi %while3A_190, %add3A_220 : i32
          %dma_start3A_222 = arith.constant 0 : i32
          %dma_start3A_223 = tpu.memref_slice %arg15[%add3A_221, %dma_start3A_222] : memref<51x128xi32, #tpu.memory_space<vmem>> -> memref<1x128xi32, #tpu.memory_space<vmem>>
          %dma_start3A_224 = tpu.memref_squeeze %dma_start3A_223 : memref<1x128xi32, #tpu.memory_space<vmem>> -> memref<128xi32, #tpu.memory_space<vmem>>
          %dma_start3A_225 = arith.constant 0 : i32
          %dma_start3A_226 = arith.constant 0 : i32
          %dma_start3A_227 = tpu.memref_slice %arg4[%dma_start3A_225, %dma_start3A_226] : memref<80000x64xf32, #tpu.memory_space<hbm>> -> memref<80000x64xf32, #tpu.memory_space<hbm>>
          tpu.enqueue_indirect_dma source(%dma_start3A_227 : memref<80000x64xf32, #tpu.memory_space<hbm>>) target(%arg18 : memref<128x64xf32, #tpu.memory_space<vmem>>) offsets(%dma_start3A_224 : memref<128xi32, #tpu.memory_space<vmem>>) semaphore(%arg24 : memref<!tpu.dma_semaphore, #tpu.memory_space<semaphore_mem>>)
        } else {
        }
        %dma_start3A_214 = arith.constant 0 : i32
        %dma_start3A_215 = tpu.memref_slice %arg16[%while3A_190, %dma_start3A_214] : memref<51x128xi32, #tpu.memory_space<vmem>> -> memref<1x128xi32, #tpu.memory_space<vmem>>
        %dma_start3A_216 = tpu.memref_squeeze %dma_start3A_215 : memref<1x128xi32, #tpu.memory_space<vmem>> -> memref<128xi32, #tpu.memory_space<vmem>>
        %dma_start3A_217 = arith.constant 0 : i32
        %dma_start3A_218 = arith.constant 0 : i32
        %dma_start3A_219 = tpu.memref_slice %arg6[%dma_start3A_217, %dma_start3A_218] : memref<208896x64xf32, #tpu.memory_space<hbm>> -> memref<208896x64xf32, #tpu.memory_space<hbm>>
        tpu.enqueue_indirect_dma source(%arg22 : memref<128x64xf32, #tpu.memory_space<vmem>>) target(%dma_start3A_219 : memref<208896x64xf32, #tpu.memory_space<hbm>>) offsets(%dma_start3A_216 : memref<128xi32, #tpu.memory_space<vmem>>) semaphore(%arg25 : memref<!tpu.dma_semaphore, #tpu.memory_space<semaphore_mem>>)
      }
      %dma_wait3A = arith.constant 0 : i32
      %dma_wait3A_184 = arith.constant 0 : i32
      %dma_wait3A_185 = tpu.memref_slice %arg16[%dma_wait3A, %dma_wait3A_184] : memref<51x128xi32, #tpu.memory_space<vmem>> -> memref<1x128xi32, #tpu.memory_space<vmem>>
      %dma_wait3A_186 = tpu.memref_squeeze %dma_wait3A_185 : memref<1x128xi32, #tpu.memory_space<vmem>> -> memref<128xi32, #tpu.memory_space<vmem>>
      %dma_wait3A_187 = arith.constant 0 : i32
      %dma_wait3A_188 = arith.constant 0 : i32
      %dma_wait3A_189 = tpu.memref_slice %arg6[%dma_wait3A_187, %dma_wait3A_188] : memref<208896x64xf32, #tpu.memory_space<hbm>> -> memref<208896x64xf32, #tpu.memory_space<hbm>>
      tpu.wait_indirect_dma semaphore(%arg25 : memref<!tpu.dma_semaphore, #tpu.memory_space<semaphore_mem>>) src(%arg22 : memref<128x64xf32, #tpu.memory_space<vmem>>) dst(%dma_wait3A_189 : memref<208896x64xf32, #tpu.memory_space<hbm>>)
    } else {
    }
    %add3A_82 = arith.constant 128 : i32
    %add3A_83 = arith.addi %reduce_max3A_50, %add3A_82 : i32
    %sub3A_84 = arith.constant 1 : i32
    %sub3A_85 = arith.subi %add3A_83, %sub3A_84 : i32
    %jit3A_86 = arith.constant 128 : i32
    %div3A_87 = arith.divsi %sub3A_85, %jit3A_86 : i32
    %sign3A_88 = arith.constant 0 : i32
    %sign3A_89 = arith.cmpi sgt, %sub3A_85, %sign3A_88 : i32
    %sign3A_90 = arith.extui %sign3A_89 : i1 to i32
    %sign3A_91 = arith.constant 0 : i32
    %sign3A_92 = arith.cmpi slt, %sub3A_85, %sign3A_91 : i32
    %sign3A_93 = arith.extui %sign3A_92 : i1 to i32
    %sign3A_94 = arith.subi %sign3A_90, %sign3A_93 : i32
    %sign3A_95 = arith.constant 0 : i32
    %sign3A_96 = arith.cmpi sgt, %jit3A_86, %sign3A_95 : i32
    %sign3A_97 = arith.extui %sign3A_96 : i1 to i32
    %sign3A_98 = arith.constant 0 : i32
    %sign3A_99 = arith.cmpi slt, %jit3A_86, %sign3A_98 : i32
    %sign3A_100 = arith.extui %sign3A_99 : i1 to i32
    %sign3A_101 = arith.subi %sign3A_97, %sign3A_100 : i32
    %ne3A_102 = arith.cmpi ne, %sign3A_94, %sign3A_101 : i32
    %rem3A_103 = arith.remsi %sub3A_85, %jit3A_86 : i32
    %ne3A_104 = arith.constant 0 : i32
    %ne3A_105 = arith.cmpi ne, %rem3A_103, %ne3A_104 : i32
    %and3A_106 = arith.andi %ne3A_102, %ne3A_105 : i1
    %sub3A_107 = arith.constant 1 : i32
    %sub3A_108 = arith.subi %div3A_87, %sub3A_107 : i32
    %select_n3A_109 = arith.select %and3A_106, %sub3A_108, %div3A_87 : i32
    %while3A_110 = arith.constant 0 : i32
    %while3A_111 = arith.constant 0 : i32
    %while3A_112 = arith.subi %select_n3A_109, %while3A_111 : i32
    %while3A_113 = arith.addi %while3A_111, %while3A_112 : i32
    %while3A_114 = arith.constant 1 : i32
    %while3A_115 = arith.divsi %while3A_112, %while3A_114 : i32
    %while3A_116 = arith.muli %while3A_115, %while3A_114 : i32
    %while3A_117 = arith.addi %while3A_111, %while3A_116 : i32
    %while3A_118 = arith.constant 1 : i32
    scf.for %while3A_168 = %while3A_111 to %while3A_117 step %while3A_118  : i32 {
      %mul3A_169 = arith.constant 128 : i32
      %mul3A_170 = arith.muli %while3A_168, %mul3A_169 : i32
      %add3A_171 = arith.constant 0 : i32
      %add3A_172 = arith.addi %mul3A_170, %add3A_171 : i32
      %get3A = arith.index_cast %add3A_172 : i32 to index
      %get3A_173 = tpu.vector_load %arg14[%get3A] {strides = array<i32>} : memref<6528xi32, #tpu.memory_space<vmem>>, vector<16xi32>,
      %swap3A = arith.index_cast %while3A_168 : i32 to index
      %swap3A_174 = arith.constant 0 : index
      %swap3A_175 = tpu.vector_load %arg15[%swap3A, %swap3A_174] {strides = array<i32>} : memref<51x128xi32, #tpu.memory_space<vmem>>, vector<16xi32>,
      tpu.vector_store %arg15[%swap3A, %swap3A_174], %get3A_173 {strides = array<i32>} : memref<51x128xi32, #tpu.memory_space<vmem>>, vector<16xi32>,
      %add3A_176 = arith.constant 0 : i32
      %add3A_177 = arith.addi %mul3A_170, %add3A_176 : i32
      %get3A_178 = arith.index_cast %add3A_177 : i32 to index
      %get3A_179 = tpu.vector_load %arg13[%get3A_178] {strides = array<i32>} : memref<6528xi32, #tpu.memory_space<vmem>>, vector<16xi32>,
      %swap3A_180 = arith.index_cast %while3A_168 : i32 to index
      %swap3A_181 = arith.constant 0 : index
      %swap3A_182 = tpu.vector_load %arg16[%swap3A_180, %swap3A_181] {strides = array<i32>} : memref<51x128xi32, #tpu.memory_space<vmem>>, vector<16xi32>,
      tpu.vector_store %arg16[%swap3A_180, %swap3A_181], %get3A_179 {strides = array<i32>} : memref<51x128xi32, #tpu.memory_space<vmem>>, vector<16xi32>,
      %add3A_183 = arith.constant 16 : i32
      %add3A_184 = arith.addi %mul3A_170, %add3A_183 : i32
      %get3A_185 = arith.index_cast %add3A_184 : i32 to index
      %get3A_186 = tpu.vector_load %arg14[%get3A_185] {strides = array<i32>} : memref<6528xi32, #tpu.memory_space<vmem>>, vector<16xi32>,
      %swap3A_187 = arith.index_cast %while3A_168 : i32 to index
      %swap3A_188 = arith.constant 16 : index
      %swap3A_189 = tpu.vector_load %arg15[%swap3A_187, %swap3A_188] {strides = array<i32>} : memref<51x128xi32, #tpu.memory_space<vmem>>, vector<16xi32>,
      tpu.vector_store %arg15[%swap3A_187, %swap3A_188], %get3A_186 {strides = array<i32>} : memref<51x128xi32, #tpu.memory_space<vmem>>, vector<16xi32>,
      %add3A_190 = arith.constant 16 : i32
      %add3A_191 = arith.addi %mul3A_170, %add3A_190 : i32
      %get3A_192 = arith.index_cast %add3A_191 : i32 to index
      %get3A_193 = tpu.vector_load %arg13[%get3A_192] {strides = array<i32>} : memref<6528xi32, #tpu.memory_space<vmem>>, vector<16xi32>,
      %swap3A_194 = arith.index_cast %while3A_168 : i32 to index
      %swap3A_195 = arith.constant 16 : index
      %swap3A_196 = tpu.vector_load %arg16[%swap3A_194, %swap3A_195] {strides = array<i32>} : memref<51x128xi32, #tpu.memory_space<vmem>>, vector<16xi32>,
      tpu.vector_store %arg16[%swap3A_194, %swap3A_195], %get3A_193 {strides = array<i32>} : memref<51x128xi32, #tpu.memory_space<vmem>>, vector<16xi32>,
      %add3A_197 = arith.constant 32 : i32
      %add3A_198 = arith.addi %mul3A_170, %add3A_197 : i32
      %get3A_199 = arith.index_cast %add3A_198 : i32 to index
      %get3A_200 = tpu.vector_load %arg14[%get3A_199] {strides = array<i32>} : memref<6528xi32, #tpu.memory_space<vmem>>, vector<16xi32>,
      %swap3A_201 = arith.index_cast %while3A_168 : i32 to index
      %swap3A_202 = arith.constant 32 : index
      %swap3A_203 = tpu.vector_load %arg15[%swap3A_201, %swap3A_202] {strides = array<i32>} : memref<51x128xi32, #tpu.memory_space<vmem>>, vector<16xi32>,
      tpu.vector_store %arg15[%swap3A_201, %swap3A_202], %get3A_200 {strides = array<i32>} : memref<51x128xi32, #tpu.memory_space<vmem>>, vector<16xi32>,
      %add3A_204 = arith.constant 32 : i32
      %add3A_205 = arith.addi %mul3A_170, %add3A_204 : i32
      %get3A_206 = arith.index_cast %add3A_205 : i32 to index
      %get3A_207 = tpu.vector_load %arg13[%get3A_206] {strides = array<i32>} : memref<6528xi32, #tpu.memory_space<vmem>>, vector<16xi32>,
      %swap3A_208 = arith.index_cast %while3A_168 : i32 to index
      %swap3A_209 = arith.constant 32 : index
      %swap3A_210 = tpu.vector_load %arg16[%swap3A_208, %swap3A_209] {strides = array<i32>} : memref<51x128xi32, #tpu.memory_space<vmem>>, vector<16xi32>,
      tpu.vector_store %arg16[%swap3A_208, %swap3A_209], %get3A_207 {strides = array<i32>} : memref<51x128xi32, #tpu.memory_space<vmem>>, vector<16xi32>,
      %add3A_211 = arith.constant 48 : i32
      %add3A_212 = arith.addi %mul3A_170, %add3A_211 : i32
      %get3A_213 = arith.index_cast %add3A_212 : i32 to index
      %get3A_214 = tpu.vector_load %arg14[%get3A_213] {strides = array<i32>} : memref<6528xi32, #tpu.memory_space<vmem>>, vector<16xi32>,
      %swap3A_215 = arith.index_cast %while3A_168 : i32 to index
      %swap3A_216 = arith.constant 48 : index
      %swap3A_217 = tpu.vector_load %arg15[%swap3A_215, %swap3A_216] {strides = array<i32>} : memref<51x128xi32, #tpu.memory_space<vmem>>, vector<16xi32>,
      tpu.vector_store %arg15[%swap3A_215, %swap3A_216], %get3A_214 {strides = array<i32>} : memref<51x128xi32, #tpu.memory_space<vmem>>, vector<16xi32>,
      %add3A_218 = arith.constant 48 : i32
      %add3A_219 = arith.addi %mul3A_170, %add3A_218 : i32
      %get3A_220 = arith.index_cast %add3A_219 : i32 to index
      %get3A_221 = tpu.vector_load %arg13[%get3A_220] {strides = array<i32>} : memref<6528xi32, #tpu.memory_space<vmem>>, vector<16xi32>,
      %swap3A_222 = arith.index_cast %while3A_168 : i32 to index
      %swap3A_223 = arith.constant 48 : index
      %swap3A_224 = tpu.vector_load %arg16[%swap3A_222, %swap3A_223] {strides = array<i32>} : memref<51x128xi32, #tpu.memory_space<vmem>>, vector<16xi32>,
      tpu.vector_store %arg16[%swap3A_222, %swap3A_223], %get3A_221 {strides = array<i32>} : memref<51x128xi32, #tpu.memory_space<vmem>>, vector<16xi32>,
      %add3A_225 = arith.constant 64 : i32
      %add3A_226 = arith.addi %mul3A_170, %add3A_225 : i32
      %get3A_227 = arith.index_cast %add3A_226 : i32 to index
      %get3A_228 = tpu.vector_load %arg14[%get3A_227] {strides = array<i32>} : memref<6528xi32, #tpu.memory_space<vmem>>, vector<16xi32>,
      %swap3A_229 = arith.index_cast %while3A_168 : i32 to index
      %swap3A_230 = arith.constant 64 : index
      %swap3A_231 = tpu.vector_load %arg15[%swap3A_229, %swap3A_230] {strides = array<i32>} : memref<51x128xi32, #tpu.memory_space<vmem>>, vector<16xi32>,
      tpu.vector_store %arg15[%swap3A_229, %swap3A_230], %get3A_228 {strides = array<i32>} : memref<51x128xi32, #tpu.memory_space<vmem>>, vector<16xi32>,
      %add3A_232 = arith.constant 64 : i32
      %add3A_233 = arith.addi %mul3A_170, %add3A_232 : i32
      %get3A_234 = arith.index_cast %add3A_233 : i32 to index
      %get3A_235 = tpu.vector_load %arg13[%get3A_234] {strides = array<i32>} : memref<6528xi32, #tpu.memory_space<vmem>>, vector<16xi32>,
      %swap3A_236 = arith.index_cast %while3A_168 : i32 to index
      %swap3A_237 = arith.constant 64 : index
      %swap3A_238 = tpu.vector_load %arg16[%swap3A_236, %swap3A_237] {strides = array<i32>} : memref<51x128xi32, #tpu.memory_space<vmem>>, vector<16xi32>,
      tpu.vector_store %arg16[%swap3A_236, %swap3A_237], %get3A_235 {strides = array<i32>} : memref<51x128xi32, #tpu.memory_space<vmem>>, vector<16xi32>,
      %add3A_239 = arith.constant 80 : i32
      %add3A_240 = arith.addi %mul3A_170, %add3A_239 : i32
      %get3A_241 = arith.index_cast %add3A_240 : i32 to index
      %get3A_242 = tpu.vector_load %arg14[%get3A_241] {strides = array<i32>} : memref<6528xi32, #tpu.memory_space<vmem>>, vector<16xi32>,
      %swap3A_243 = arith.index_cast %while3A_168 : i32 to index
      %swap3A_244 = arith.constant 80 : index
      %swap3A_245 = tpu.vector_load %arg15[%swap3A_243, %swap3A_244] {strides = array<i32>} : memref<51x128xi32, #tpu.memory_space<vmem>>, vector<16xi32>,
      tpu.vector_store %arg15[%swap3A_243, %swap3A_244], %get3A_242 {strides = array<i32>} : memref<51x128xi32, #tpu.memory_space<vmem>>, vector<16xi32>,
      %add3A_246 = arith.constant 80 : i32
      %add3A_247 = arith.addi %mul3A_170, %add3A_246 : i32
      %get3A_248 = arith.index_cast %add3A_247 : i32 to index
      %get3A_249 = tpu.vector_load %arg13[%get3A_248] {strides = array<i32>} : memref<6528xi32, #tpu.memory_space<vmem>>, vector<16xi32>,
      %swap3A_250 = arith.index_cast %while3A_168 : i32 to index
      %swap3A_251 = arith.constant 80 : index
      %swap3A_252 = tpu.vector_load %arg16[%swap3A_250, %swap3A_251] {strides = array<i32>} : memref<51x128xi32, #tpu.memory_space<vmem>>, vector<16xi32>,
      tpu.vector_store %arg16[%swap3A_250, %swap3A_251], %get3A_249 {strides = array<i32>} : memref<51x128xi32, #tpu.memory_space<vmem>>, vector<16xi32>,
      %add3A_253 = arith.constant 96 : i32
      %add3A_254 = arith.addi %mul3A_170, %add3A_253 : i32
      %get3A_255 = arith.index_cast %add3A_254 : i32 to index
      %get3A_256 = tpu.vector_load %arg14[%get3A_255] {strides = array<i32>} : memref<6528xi32, #tpu.memory_space<vmem>>, vector<16xi32>,
      %swap3A_257 = arith.index_cast %while3A_168 : i32 to index
      %swap3A_258 = arith.constant 96 : index
      %swap3A_259 = tpu.vector_load %arg15[%swap3A_257, %swap3A_258] {strides = array<i32>} : memref<51x128xi32, #tpu.memory_space<vmem>>, vector<16xi32>,
      tpu.vector_store %arg15[%swap3A_257, %swap3A_258], %get3A_256 {strides = array<i32>} : memref<51x128xi32, #tpu.memory_space<vmem>>, vector<16xi32>,
      %add3A_260 = arith.constant 96 : i32
      %add3A_261 = arith.addi %mul3A_170, %add3A_260 : i32
      %get3A_262 = arith.index_cast %add3A_261 : i32 to index
      %get3A_263 = tpu.vector_load %arg13[%get3A_262] {strides = array<i32>} : memref<6528xi32, #tpu.memory_space<vmem>>, vector<16xi32>,
      %swap3A_264 = arith.index_cast %while3A_168 : i32 to index
      %swap3A_265 = arith.constant 96 : index
      %swap3A_266 = tpu.vector_load %arg16[%swap3A_264, %swap3A_265] {strides = array<i32>} : memref<51x128xi32, #tpu.memory_space<vmem>>, vector<16xi32>,
      tpu.vector_store %arg16[%swap3A_264, %swap3A_265], %get3A_263 {strides = array<i32>} : memref<51x128xi32, #tpu.memory_space<vmem>>, vector<16xi32>,
      %add3A_267 = arith.constant 112 : i32
      %add3A_268 = arith.addi %mul3A_170, %add3A_267 : i32
      %get3A_269 = arith.index_cast %add3A_268 : i32 to index
      %get3A_270 = tpu.vector_load %arg14[%get3A_269] {strides = array<i32>} : memref<6528xi32, #tpu.memory_space<vmem>>, vector<16xi32>,
      %swap3A_271 = arith.index_cast %while3A_168 : i32 to index
      %swap3A_272 = arith.constant 112 : index
      %swap3A_273 = tpu.vector_load %arg15[%swap3A_271, %swap3A_272] {strides = array<i32>} : memref<51x128xi32, #tpu.memory_space<vmem>>, vector<16xi32>,
      tpu.vector_store %arg15[%swap3A_271, %swap3A_272], %get3A_270 {strides = array<i32>} : memref<51x128xi32, #tpu.memory_space<vmem>>, vector<16xi32>,
      %add3A_274 = arith.constant 112 : i32
      %add3A_275 = arith.addi %mul3A_170, %add3A_274 : i32
      %get3A_276 = arith.index_cast %add3A_275 : i32 to index
      %get3A_277 = tpu.vector_load %arg13[%get3A_276] {strides = array<i32>} : memref<6528xi32, #tpu.memory_space<vmem>>, vector<16xi32>,
      %swap3A_278 = arith.index_cast %while3A_168 : i32 to index
      %swap3A_279 = arith.constant 112 : index
      %swap3A_280 = tpu.vector_load %arg16[%swap3A_278, %swap3A_279] {strides = array<i32>} : memref<51x128xi32, #tpu.memory_space<vmem>>, vector<16xi32>,
      tpu.vector_store %arg16[%swap3A_278, %swap3A_279], %get3A_277 {strides = array<i32>} : memref<51x128xi32, #tpu.memory_space<vmem>>, vector<16xi32>,
    }
    %while3A_119 = arith.constant 1 : i32
    scf.for %while3A_168 = %while3A_117 to %while3A_113 step %while3A_119  : i32 {
      %mul3A_169 = arith.constant 128 : i32
      %mul3A_170 = arith.muli %while3A_168, %mul3A_169 : i32
      %add3A_171 = arith.constant 0 : i32
      %add3A_172 = arith.addi %mul3A_170, %add3A_171 : i32
      %get3A = arith.index_cast %add3A_172 : i32 to index
      %get3A_173 = tpu.vector_load %arg14[%get3A] {strides = array<i32>} : memref<6528xi32, #tpu.memory_space<vmem>>, vector<16xi32>,
      %swap3A = arith.index_cast %while3A_168 : i32 to index
      %swap3A_174 = arith.constant 0 : index
      %swap3A_175 = tpu.vector_load %arg15[%swap3A, %swap3A_174] {strides = array<i32>} : memref<51x128xi32, #tpu.memory_space<vmem>>, vector<16xi32>,
      tpu.vector_store %arg15[%swap3A, %swap3A_174], %get3A_173 {strides = array<i32>} : memref<51x128xi32, #tpu.memory_space<vmem>>, vector<16xi32>,
      %add3A_176 = arith.constant 0 : i32
      %add3A_177 = arith.addi %mul3A_170, %add3A_176 : i32
      %get3A_178 = arith.index_cast %add3A_177 : i32 to index
      %get3A_179 = tpu.vector_load %arg13[%get3A_178] {strides = array<i32>} : memref<6528xi32, #tpu.memory_space<vmem>>, vector<16xi32>,
      %swap3A_180 = arith.index_cast %while3A_168 : i32 to index
      %swap3A_181 = arith.constant 0 : index
      %swap3A_182 = tpu.vector_load %arg16[%swap3A_180, %swap3A_181] {strides = array<i32>} : memref<51x128xi32, #tpu.memory_space<vmem>>, vector<16xi32>,
      tpu.vector_store %arg16[%swap3A_180, %swap3A_181], %get3A_179 {strides = array<i32>} : memref<51x128xi32, #tpu.memory_space<vmem>>, vector<16xi32>,
      %add3A_183 = arith.constant 16 : i32
      %add3A_184 = arith.addi %mul3A_170, %add3A_183 : i32
      %get3A_185 = arith.index_cast %add3A_184 : i32 to index
      %get3A_186 = tpu.vector_load %arg14[%get3A_185] {strides = array<i32>} : memref<6528xi32, #tpu.memory_space<vmem>>, vector<16xi32>,
      %swap3A_187 = arith.index_cast %while3A_168 : i32 to index
      %swap3A_188 = arith.constant 16 : index
      %swap3A_189 = tpu.vector_load %arg15[%swap3A_187, %swap3A_188] {strides = array<i32>} : memref<51x128xi32, #tpu.memory_space<vmem>>, vector<16xi32>,
      tpu.vector_store %arg15[%swap3A_187, %swap3A_188], %get3A_186 {strides = array<i32>} : memref<51x128xi32, #tpu.memory_space<vmem>>, vector<16xi32>,
      %add3A_190 = arith.constant 16 : i32
      %add3A_191 = arith.addi %mul3A_170, %add3A_190 : i32
      %get3A_192 = arith.index_cast %add3A_191 : i32 to index
      %get3A_193 = tpu.vector_load %arg13[%get3A_192] {strides = array<i32>} : memref<6528xi32, #tpu.memory_space<vmem>>, vector<16xi32>,
      %swap3A_194 = arith.index_cast %while3A_168 : i32 to index
      %swap3A_195 = arith.constant 16 : index
      %swap3A_196 = tpu.vector_load %arg16[%swap3A_194, %swap3A_195] {strides = array<i32>} : memref<51x128xi32, #tpu.memory_space<vmem>>, vector<16xi32>,
      tpu.vector_store %arg16[%swap3A_194, %swap3A_195], %get3A_193 {strides = array<i32>} : memref<51x128xi32, #tpu.memory_space<vmem>>, vector<16xi32>,
      %add3A_197 = arith.constant 32 : i32
      %add3A_198 = arith.addi %mul3A_170, %add3A_197 : i32
      %get3A_199 = arith.index_cast %add3A_198 : i32 to index
      %get3A_200 = tpu.vector_load %arg14[%get3A_199] {strides = array<i32>} : memref<6528xi32, #tpu.memory_space<vmem>>, vector<16xi32>,
      %swap3A_201 = arith.index_cast %while3A_168 : i32 to index
      %swap3A_202 = arith.constant 32 : index
      %swap3A_203 = tpu.vector_load %arg15[%swap3A_201, %swap3A_202] {strides = array<i32>} : memref<51x128xi32, #tpu.memory_space<vmem>>, vector<16xi32>,
      tpu.vector_store %arg15[%swap3A_201, %swap3A_202], %get3A_200 {strides = array<i32>} : memref<51x128xi32, #tpu.memory_space<vmem>>, vector<16xi32>,
      %add3A_204 = arith.constant 32 : i32
      %add3A_205 = arith.addi %mul3A_170, %add3A_204 : i32
      %get3A_206 = arith.index_cast %add3A_205 : i32 to index
      %get3A_207 = tpu.vector_load %arg13[%get3A_206] {strides = array<i32>} : memref<6528xi32, #tpu.memory_space<vmem>>, vector<16xi32>,
      %swap3A_208 = arith.index_cast %while3A_168 : i32 to index
      %swap3A_209 = arith.constant 32 : index
      %swap3A_210 = tpu.vector_load %arg16[%swap3A_208, %swap3A_209] {strides = array<i32>} : memref<51x128xi32, #tpu.memory_space<vmem>>, vector<16xi32>,
      tpu.vector_store %arg16[%swap3A_208, %swap3A_209], %get3A_207 {strides = array<i32>} : memref<51x128xi32, #tpu.memory_space<vmem>>, vector<16xi32>,
      %add3A_211 = arith.constant 48 : i32
      %add3A_212 = arith.addi %mul3A_170, %add3A_211 : i32
      %get3A_213 = arith.index_cast %add3A_212 : i32 to index
      %get3A_214 = tpu.vector_load %arg14[%get3A_213] {strides = array<i32>} : memref<6528xi32, #tpu.memory_space<vmem>>, vector<16xi32>,
      %swap3A_215 = arith.index_cast %while3A_168 : i32 to index
      %swap3A_216 = arith.constant 48 : index
      %swap3A_217 = tpu.vector_load %arg15[%swap3A_215, %swap3A_216] {strides = array<i32>} : memref<51x128xi32, #tpu.memory_space<vmem>>, vector<16xi32>,
      tpu.vector_store %arg15[%swap3A_215, %swap3A_216], %get3A_214 {strides = array<i32>} : memref<51x128xi32, #tpu.memory_space<vmem>>, vector<16xi32>,
      %add3A_218 = arith.constant 48 : i32
      %add3A_219 = arith.addi %mul3A_170, %add3A_218 : i32
      %get3A_220 = arith.index_cast %add3A_219 : i32 to index
      %get3A_221 = tpu.vector_load %arg13[%get3A_220] {strides = array<i32>} : memref<6528xi32, #tpu.memory_space<vmem>>, vector<16xi32>,
      %swap3A_222 = arith.index_cast %while3A_168 : i32 to index
      %swap3A_223 = arith.constant 48 : index
      %swap3A_224 = tpu.vector_load %arg16[%swap3A_222, %swap3A_223] {strides = array<i32>} : memref<51x128xi32, #tpu.memory_space<vmem>>, vector<16xi32>,
      tpu.vector_store %arg16[%swap3A_222, %swap3A_223], %get3A_221 {strides = array<i32>} : memref<51x128xi32, #tpu.memory_space<vmem>>, vector<16xi32>,
      %add3A_225 = arith.constant 64 : i32
      %add3A_226 = arith.addi %mul3A_170, %add3A_225 : i32
      %get3A_227 = arith.index_cast %add3A_226 : i32 to index
      %get3A_228 = tpu.vector_load %arg14[%get3A_227] {strides = array<i32>} : memref<6528xi32, #tpu.memory_space<vmem>>, vector<16xi32>,
      %swap3A_229 = arith.index_cast %while3A_168 : i32 to index
      %swap3A_230 = arith.constant 64 : index
      %swap3A_231 = tpu.vector_load %arg15[%swap3A_229, %swap3A_230] {strides = array<i32>} : memref<51x128xi32, #tpu.memory_space<vmem>>, vector<16xi32>,
      tpu.vector_store %arg15[%swap3A_229, %swap3A_230], %get3A_228 {strides = array<i32>} : memref<51x128xi32, #tpu.memory_space<vmem>>, vector<16xi32>,
      %add3A_232 = arith.constant 64 : i32
      %add3A_233 = arith.addi %mul3A_170, %add3A_232 : i32
      %get3A_234 = arith.index_cast %add3A_233 : i32 to index
      %get3A_235 = tpu.vector_load %arg13[%get3A_234] {strides = array<i32>} : memref<6528xi32, #tpu.memory_space<vmem>>, vector<16xi32>,
      %swap3A_236 = arith.index_cast %while3A_168 : i32 to index
      %swap3A_237 = arith.constant 64 : index
      %swap3A_238 = tpu.vector_load %arg16[%swap3A_236, %swap3A_237] {strides = array<i32>} : memref<51x128xi32, #tpu.memory_space<vmem>>, vector<16xi32>,
      tpu.vector_store %arg16[%swap3A_236, %swap3A_237], %get3A_235 {strides = array<i32>} : memref<51x128xi32, #tpu.memory_space<vmem>>, vector<16xi32>,
      %add3A_239 = arith.constant 80 : i32
      %add3A_240 = arith.addi %mul3A_170, %add3A_239 : i32
      %get3A_241 = arith.index_cast %add3A_240 : i32 to index
      %get3A_242 = tpu.vector_load %arg14[%get3A_241] {strides = array<i32>} : memref<6528xi32, #tpu.memory_space<vmem>>, vector<16xi32>,
      %swap3A_243 = arith.index_cast %while3A_168 : i32 to index
      %swap3A_244 = arith.constant 80 : index
      %swap3A_245 = tpu.vector_load %arg15[%swap3A_243, %swap3A_244] {strides = array<i32>} : memref<51x128xi32, #tpu.memory_space<vmem>>, vector<16xi32>,
      tpu.vector_store %arg15[%swap3A_243, %swap3A_244], %get3A_242 {strides = array<i32>} : memref<51x128xi32, #tpu.memory_space<vmem>>, vector<16xi32>,
      %add3A_246 = arith.constant 80 : i32
      %add3A_247 = arith.addi %mul3A_170, %add3A_246 : i32
      %get3A_248 = arith.index_cast %add3A_247 : i32 to index
      %get3A_249 = tpu.vector_load %arg13[%get3A_248] {strides = array<i32>} : memref<6528xi32, #tpu.memory_space<vmem>>, vector<16xi32>,
      %swap3A_250 = arith.index_cast %while3A_168 : i32 to index
      %swap3A_251 = arith.constant 80 : index
      %swap3A_252 = tpu.vector_load %arg16[%swap3A_250, %swap3A_251] {strides = array<i32>} : memref<51x128xi32, #tpu.memory_space<vmem>>, vector<16xi32>,
      tpu.vector_store %arg16[%swap3A_250, %swap3A_251], %get3A_249 {strides = array<i32>} : memref<51x128xi32, #tpu.memory_space<vmem>>, vector<16xi32>,
      %add3A_253 = arith.constant 96 : i32
      %add3A_254 = arith.addi %mul3A_170, %add3A_253 : i32
      %get3A_255 = arith.index_cast %add3A_254 : i32 to index
      %get3A_256 = tpu.vector_load %arg14[%get3A_255] {strides = array<i32>} : memref<6528xi32, #tpu.memory_space<vmem>>, vector<16xi32>,
      %swap3A_257 = arith.index_cast %while3A_168 : i32 to index
      %swap3A_258 = arith.constant 96 : index
      %swap3A_259 = tpu.vector_load %arg15[%swap3A_257, %swap3A_258] {strides = array<i32>} : memref<51x128xi32, #tpu.memory_space<vmem>>, vector<16xi32>,
      tpu.vector_store %arg15[%swap3A_257, %swap3A_258], %get3A_256 {strides = array<i32>} : memref<51x128xi32, #tpu.memory_space<vmem>>, vector<16xi32>,
      %add3A_260 = arith.constant 96 : i32
      %add3A_261 = arith.addi %mul3A_170, %add3A_260 : i32
      %get3A_262 = arith.index_cast %add3A_261 : i32 to index
      %get3A_263 = tpu.vector_load %arg13[%get3A_262] {strides = array<i32>} : memref<6528xi32, #tpu.memory_space<vmem>>, vector<16xi32>,
      %swap3A_264 = arith.index_cast %while3A_168 : i32 to index
      %swap3A_265 = arith.constant 96 : index
      %swap3A_266 = tpu.vector_load %arg16[%swap3A_264, %swap3A_265] {strides = array<i32>} : memref<51x128xi32, #tpu.memory_space<vmem>>, vector<16xi32>,
      tpu.vector_store %arg16[%swap3A_264, %swap3A_265], %get3A_263 {strides = array<i32>} : memref<51x128xi32, #tpu.memory_space<vmem>>, vector<16xi32>,
      %add3A_267 = arith.constant 112 : i32
      %add3A_268 = arith.addi %mul3A_170, %add3A_267 : i32
      %get3A_269 = arith.index_cast %add3A_268 : i32 to index
      %get3A_270 = tpu.vector_load %arg14[%get3A_269] {strides = array<i32>} : memref<6528xi32, #tpu.memory_space<vmem>>, vector<16xi32>,
      %swap3A_271 = arith.index_cast %while3A_168 : i32 to index
      %swap3A_272 = arith.constant 112 : index
      %swap3A_273 = tpu.vector_load %arg15[%swap3A_271, %swap3A_272] {strides = array<i32>} : memref<51x128xi32, #tpu.memory_space<vmem>>, vector<16xi32>,
      tpu.vector_store %arg15[%swap3A_271, %swap3A_272], %get3A_270 {strides = array<i32>} : memref<51x128xi32, #tpu.memory_space<vmem>>, vector<16xi32>,
      %add3A_274 = arith.constant 112 : i32
      %add3A_275 = arith.addi %mul3A_170, %add3A_274 : i32
      %get3A_276 = arith.index_cast %add3A_275 : i32 to index
      %get3A_277 = tpu.vector_load %arg13[%get3A_276] {strides = array<i32>} : memref<6528xi32, #tpu.memory_space<vmem>>, vector<16xi32>,
      %swap3A_278 = arith.index_cast %while3A_168 : i32 to index
      %swap3A_279 = arith.constant 112 : index
      %swap3A_280 = tpu.vector_load %arg16[%swap3A_278, %swap3A_279] {strides = array<i32>} : memref<51x128xi32, #tpu.memory_space<vmem>>, vector<16xi32>,
      tpu.vector_store %arg16[%swap3A_278, %swap3A_279], %get3A_277 {strides = array<i32>} : memref<51x128xi32, #tpu.memory_space<vmem>>, vector<16xi32>,
    }
    %gt3A_120 = arith.constant 0 : i32
    %gt3A_121 = arith.cmpi sgt, %select_n3A_109, %gt3A_120 : i32
    %convert_element_type3A_122 = arith.extui %gt3A_121 : i1 to i32
    %cond3A_123 = arith.constant 0 : i32
    %cond3A_124 = arith.cmpi ne, %convert_element_type3A_122, %cond3A_123 : i32
    scf.if %cond3A_124 {
      %dma_start3A = arith.constant 0 : i32
      %dma_start3A_168 = arith.constant 0 : i32
      %dma_start3A_169 = tpu.memref_slice %arg15[%dma_start3A, %dma_start3A_168] : memref<51x128xi32, #tpu.memory_space<vmem>> -> memref<1x128xi32, #tpu.memory_space<vmem>>
      %dma_start3A_170 = tpu.memref_squeeze %dma_start3A_169 : memref<1x128xi32, #tpu.memory_space<vmem>> -> memref<128xi32, #tpu.memory_space<vmem>>
      %dma_start3A_171 = arith.constant 0 : i32
      %dma_start3A_172 = arith.constant 0 : i32
      %dma_start3A_173 = tpu.memref_slice %arg5[%dma_start3A_171, %dma_start3A_172] : memref<900000x32xf32, #tpu.memory_space<hbm>> -> memref<900000x32xf32, #tpu.memory_space<hbm>>
      tpu.enqueue_indirect_dma source(%dma_start3A_173 : memref<900000x32xf32, #tpu.memory_space<hbm>>) target(%arg19 : memref<128x32xf32, #tpu.memory_space<vmem>>) offsets(%dma_start3A_170 : memref<128xi32, #tpu.memory_space<vmem>>) semaphore(%arg24 : memref<!tpu.dma_semaphore, #tpu.memory_space<semaphore_mem>>)
      %while3A_174 = arith.constant 0 : i32
      %while3A_175 = arith.constant 0 : i32
      %while3A_176 = arith.subi %select_n3A_109, %while3A_175 : i32
      %while3A_177 = arith.addi %while3A_175, %while3A_176 : i32
      %while3A_178 = arith.constant 1 : i32
      %while3A_179 = arith.divsi %while3A_176, %while3A_178 : i32
      %while3A_180 = arith.muli %while3A_179, %while3A_178 : i32
      %while3A_181 = arith.addi %while3A_175, %while3A_180 : i32
      %while3A_182 = arith.constant 1 : i32
      scf.for %while3A_190 = %while3A_175 to %while3A_181 step %while3A_182  : i32 {
        %dma_wait3A_191 = arith.constant 0 : i32
        %dma_wait3A_192 = arith.constant 0 : i32
        %dma_wait3A_193 = tpu.memref_slice %arg15[%dma_wait3A_191, %dma_wait3A_192] : memref<51x128xi32, #tpu.memory_space<vmem>> -> memref<1x128xi32, #tpu.memory_space<vmem>>
        %dma_wait3A_194 = tpu.memref_squeeze %dma_wait3A_193 : memref<1x128xi32, #tpu.memory_space<vmem>> -> memref<128xi32, #tpu.memory_space<vmem>>
        %dma_wait3A_195 = arith.constant 0 : i32
        %dma_wait3A_196 = arith.constant 0 : i32
        %dma_wait3A_197 = tpu.memref_slice %arg5[%dma_wait3A_195, %dma_wait3A_196] : memref<900000x32xf32, #tpu.memory_space<hbm>> -> memref<900000x32xf32, #tpu.memory_space<hbm>>
        tpu.wait_indirect_dma semaphore(%arg24 : memref<!tpu.dma_semaphore, #tpu.memory_space<semaphore_mem>>) src(%dma_wait3A_197 : memref<900000x32xf32, #tpu.memory_space<hbm>>) dst(%arg19 : memref<128x32xf32, #tpu.memory_space<vmem>>)
        %gt3A_198 = arith.constant 0 : i32
        %gt3A_199 = arith.cmpi sgt, %while3A_190, %gt3A_198 : i32
        %convert_element_type3A_200 = arith.extui %gt3A_199 : i1 to i32
        %cond3A_201 = arith.constant 0 : i32
        %cond3A_202 = arith.cmpi ne, %convert_element_type3A_200, %cond3A_201 : i32
        scf.if %cond3A_202 {
          %dma_wait3A_220 = arith.constant 0 : i32
          %dma_wait3A_221 = arith.constant 0 : i32
          %dma_wait3A_222 = tpu.memref_slice %arg16[%dma_wait3A_220, %dma_wait3A_221] : memref<51x128xi32, #tpu.memory_space<vmem>> -> memref<1x128xi32, #tpu.memory_space<vmem>>
          %dma_wait3A_223 = tpu.memref_squeeze %dma_wait3A_222 : memref<1x128xi32, #tpu.memory_space<vmem>> -> memref<128xi32, #tpu.memory_space<vmem>>
          %dma_wait3A_224 = arith.constant 0 : i32
          %dma_wait3A_225 = arith.constant 0 : i32
          %dma_wait3A_226 = tpu.memref_slice %arg7[%dma_wait3A_224, %dma_wait3A_225] : memref<208896x64xf32, #tpu.memory_space<hbm>> -> memref<208896x64xf32, #tpu.memory_space<hbm>>
          tpu.wait_indirect_dma semaphore(%arg25 : memref<!tpu.dma_semaphore, #tpu.memory_space<semaphore_mem>>) src(%arg23 : memref<128x64xf32, #tpu.memory_space<vmem>>) dst(%dma_wait3A_226 : memref<208896x64xf32, #tpu.memory_space<hbm>>)
        } else {
        }
        %scan3A_203 = arith.constant 0 : i32
        %scan3A_204 = arith.constant 0 : i32
        %scan3A_205 = arith.constant 128 : i32
        %scan3A_206 = arith.addi %scan3A_204, %scan3A_205 : i32
        %scan3A_207 = arith.constant 1 : i32
        scf.for %scan3A_220 = %scan3A_204 to %scan3A_206 step %scan3A_207  : i32 {
          %get3A = arith.index_cast %scan3A_220 : i32 to index
          %get3A_221 = arith.constant 0 : index
          %get3A_222 = tpu.vector_load %arg19[%get3A, %get3A_221] {strides = array<i32>} : memref<128x32xf32, #tpu.memory_space<vmem>>, vector<16xf32>,
          %swap3A = arith.index_cast %scan3A_220 : i32 to index
          %swap3A_223 = arith.constant 0 : index
          %swap3A_224 = tpu.vector_load %arg23[%swap3A, %swap3A_223] {strides = array<i32>} : memref<128x64xf32, #tpu.memory_space<vmem>>, vector<16xf32>,
          tpu.vector_store %arg23[%swap3A, %swap3A_223], %get3A_222 {strides = array<i32>} : memref<128x64xf32, #tpu.memory_space<vmem>>, vector<16xf32>,
          %get3A_225 = arith.index_cast %scan3A_220 : i32 to index
          %get3A_226 = arith.constant 16 : index
          %get3A_227 = tpu.vector_load %arg19[%get3A_225, %get3A_226] {strides = array<i32>} : memref<128x32xf32, #tpu.memory_space<vmem>>, vector<16xf32>,
          %swap3A_228 = arith.index_cast %scan3A_220 : i32 to index
          %swap3A_229 = arith.constant 16 : index
          %swap3A_230 = tpu.vector_load %arg23[%swap3A_228, %swap3A_229] {strides = array<i32>} : memref<128x64xf32, #tpu.memory_space<vmem>>, vector<16xf32>,
          tpu.vector_store %arg23[%swap3A_228, %swap3A_229], %get3A_227 {strides = array<i32>} : memref<128x64xf32, #tpu.memory_space<vmem>>, vector<16xf32>,
        }
        %scan3A_208 = arith.constant 128 : i32
        %add3A_209 = arith.constant 1 : i32
        %add3A_210 = arith.addi %while3A_190, %add3A_209 : i32
        %lt3A = arith.cmpi slt, %add3A_210, %select_n3A_109 : i32
        %convert_element_type3A_211 = arith.extui %lt3A : i1 to i32
        %cond3A_212 = arith.constant 0 : i32
        %cond3A_213 = arith.cmpi ne, %convert_element_type3A_211, %cond3A_212 : i32
        scf.if %cond3A_213 {
          %add3A_220 = arith.constant 1 : i32
          %add3A_221 = arith.addi %while3A_190, %add3A_220 : i32
          %dma_start3A_222 = arith.constant 0 : i32
          %dma_start3A_223 = tpu.memref_slice %arg15[%add3A_221, %dma_start3A_222] : memref<51x128xi32, #tpu.memory_space<vmem>> -> memref<1x128xi32, #tpu.memory_space<vmem>>
          %dma_start3A_224 = tpu.memref_squeeze %dma_start3A_223 : memref<1x128xi32, #tpu.memory_space<vmem>> -> memref<128xi32, #tpu.memory_space<vmem>>
          %dma_start3A_225 = arith.constant 0 : i32
          %dma_start3A_226 = arith.constant 0 : i32
          %dma_start3A_227 = tpu.memref_slice %arg5[%dma_start3A_225, %dma_start3A_226] : memref<900000x32xf32, #tpu.memory_space<hbm>> -> memref<900000x32xf32, #tpu.memory_space<hbm>>
          tpu.enqueue_indirect_dma source(%dma_start3A_227 : memref<900000x32xf32, #tpu.memory_space<hbm>>) target(%arg19 : memref<128x32xf32, #tpu.memory_space<vmem>>) offsets(%dma_start3A_224 : memref<128xi32, #tpu.memory_space<vmem>>) semaphore(%arg24 : memref<!tpu.dma_semaphore, #tpu.memory_space<semaphore_mem>>)
        } else {
        }
        %dma_start3A_214 = arith.constant 0 : i32
        %dma_start3A_215 = tpu.memref_slice %arg16[%while3A_190, %dma_start3A_214] : memref<51x128xi32, #tpu.memory_space<vmem>> -> memref<1x128xi32, #tpu.memory_space<vmem>>
        %dma_start3A_216 = tpu.memref_squeeze %dma_start3A_215 : memref<1x128xi32, #tpu.memory_space<vmem>> -> memref<128xi32, #tpu.memory_space<vmem>>
        %dma_start3A_217 = arith.constant 0 : i32
        %dma_start3A_218 = arith.constant 0 : i32
        %dma_start3A_219 = tpu.memref_slice %arg7[%dma_start3A_217, %dma_start3A_218] : memref<208896x64xf32, #tpu.memory_space<hbm>> -> memref<208896x64xf32, #tpu.memory_space<hbm>>
        tpu.enqueue_indirect_dma source(%arg23 : memref<128x64xf32, #tpu.memory_space<vmem>>) target(%dma_start3A_219 : memref<208896x64xf32, #tpu.memory_space<hbm>>) offsets(%dma_start3A_216 : memref<128xi32, #tpu.memory_space<vmem>>) semaphore(%arg25 : memref<!tpu.dma_semaphore, #tpu.memory_space<semaphore_mem>>)
      }
      %while3A_183 = arith.constant 1 : i32
      scf.for %while3A_190 = %while3A_181 to %while3A_177 step %while3A_183  : i32 {
        %dma_wait3A_191 = arith.constant 0 : i32
        %dma_wait3A_192 = arith.constant 0 : i32
        %dma_wait3A_193 = tpu.memref_slice %arg15[%dma_wait3A_191, %dma_wait3A_192] : memref<51x128xi32, #tpu.memory_space<vmem>> -> memref<1x128xi32, #tpu.memory_space<vmem>>
        %dma_wait3A_194 = tpu.memref_squeeze %dma_wait3A_193 : memref<1x128xi32, #tpu.memory_space<vmem>> -> memref<128xi32, #tpu.memory_space<vmem>>
        %dma_wait3A_195 = arith.constant 0 : i32
        %dma_wait3A_196 = arith.constant 0 : i32
        %dma_wait3A_197 = tpu.memref_slice %arg5[%dma_wait3A_195, %dma_wait3A_196] : memref<900000x32xf32, #tpu.memory_space<hbm>> -> memref<900000x32xf32, #tpu.memory_space<hbm>>
        tpu.wait_indirect_dma semaphore(%arg24 : memref<!tpu.dma_semaphore, #tpu.memory_space<semaphore_mem>>) src(%dma_wait3A_197 : memref<900000x32xf32, #tpu.memory_space<hbm>>) dst(%arg19 : memref<128x32xf32, #tpu.memory_space<vmem>>)
        %gt3A_198 = arith.constant 0 : i32
        %gt3A_199 = arith.cmpi sgt, %while3A_190, %gt3A_198 : i32
        %convert_element_type3A_200 = arith.extui %gt3A_199 : i1 to i32
        %cond3A_201 = arith.constant 0 : i32
        %cond3A_202 = arith.cmpi ne, %convert_element_type3A_200, %cond3A_201 : i32
        scf.if %cond3A_202 {
          %dma_wait3A_220 = arith.constant 0 : i32
          %dma_wait3A_221 = arith.constant 0 : i32
          %dma_wait3A_222 = tpu.memref_slice %arg16[%dma_wait3A_220, %dma_wait3A_221] : memref<51x128xi32, #tpu.memory_space<vmem>> -> memref<1x128xi32, #tpu.memory_space<vmem>>
          %dma_wait3A_223 = tpu.memref_squeeze %dma_wait3A_222 : memref<1x128xi32, #tpu.memory_space<vmem>> -> memref<128xi32, #tpu.memory_space<vmem>>
          %dma_wait3A_224 = arith.constant 0 : i32
          %dma_wait3A_225 = arith.constant 0 : i32
          %dma_wait3A_226 = tpu.memref_slice %arg7[%dma_wait3A_224, %dma_wait3A_225] : memref<208896x64xf32, #tpu.memory_space<hbm>> -> memref<208896x64xf32, #tpu.memory_space<hbm>>
          tpu.wait_indirect_dma semaphore(%arg25 : memref<!tpu.dma_semaphore, #tpu.memory_space<semaphore_mem>>) src(%arg23 : memref<128x64xf32, #tpu.memory_space<vmem>>) dst(%dma_wait3A_226 : memref<208896x64xf32, #tpu.memory_space<hbm>>)
        } else {
        }
        %scan3A_203 = arith.constant 0 : i32
        %scan3A_204 = arith.constant 0 : i32
        %scan3A_205 = arith.constant 128 : i32
        %scan3A_206 = arith.addi %scan3A_204, %scan3A_205 : i32
        %scan3A_207 = arith.constant 1 : i32
        scf.for %scan3A_220 = %scan3A_204 to %scan3A_206 step %scan3A_207  : i32 {
          %get3A = arith.index_cast %scan3A_220 : i32 to index
          %get3A_221 = arith.constant 0 : index
          %get3A_222 = tpu.vector_load %arg19[%get3A, %get3A_221] {strides = array<i32>} : memref<128x32xf32, #tpu.memory_space<vmem>>, vector<16xf32>,
          %swap3A = arith.index_cast %scan3A_220 : i32 to index
          %swap3A_223 = arith.constant 0 : index
          %swap3A_224 = tpu.vector_load %arg23[%swap3A, %swap3A_223] {strides = array<i32>} : memref<128x64xf32, #tpu.memory_space<vmem>>, vector<16xf32>,
          tpu.vector_store %arg23[%swap3A, %swap3A_223], %get3A_222 {strides = array<i32>} : memref<128x64xf32, #tpu.memory_space<vmem>>, vector<16xf32>,
          %get3A_225 = arith.index_cast %scan3A_220 : i32 to index
          %get3A_226 = arith.constant 16 : index
          %get3A_227 = tpu.vector_load %arg19[%get3A_225, %get3A_226] {strides = array<i32>} : memref<128x32xf32, #tpu.memory_space<vmem>>, vector<16xf32>,
          %swap3A_228 = arith.index_cast %scan3A_220 : i32 to index
          %swap3A_229 = arith.constant 16 : index
          %swap3A_230 = tpu.vector_load %arg23[%swap3A_228, %swap3A_229] {strides = array<i32>} : memref<128x64xf32, #tpu.memory_space<vmem>>, vector<16xf32>,
          tpu.vector_store %arg23[%swap3A_228, %swap3A_229], %get3A_227 {strides = array<i32>} : memref<128x64xf32, #tpu.memory_space<vmem>>, vector<16xf32>,
        }
        %scan3A_208 = arith.constant 128 : i32
        %add3A_209 = arith.constant 1 : i32
        %add3A_210 = arith.addi %while3A_190, %add3A_209 : i32
        %lt3A = arith.cmpi slt, %add3A_210, %select_n3A_109 : i32
        %convert_element_type3A_211 = arith.extui %lt3A : i1 to i32
        %cond3A_212 = arith.constant 0 : i32
        %cond3A_213 = arith.cmpi ne, %convert_element_type3A_211, %cond3A_212 : i32
        scf.if %cond3A_213 {
          %add3A_220 = arith.constant 1 : i32
          %add3A_221 = arith.addi %while3A_190, %add3A_220 : i32
          %dma_start3A_222 = arith.constant 0 : i32
          %dma_start3A_223 = tpu.memref_slice %arg15[%add3A_221, %dma_start3A_222] : memref<51x128xi32, #tpu.memory_space<vmem>> -> memref<1x128xi32, #tpu.memory_space<vmem>>
          %dma_start3A_224 = tpu.memref_squeeze %dma_start3A_223 : memref<1x128xi32, #tpu.memory_space<vmem>> -> memref<128xi32, #tpu.memory_space<vmem>>
          %dma_start3A_225 = arith.constant 0 : i32
          %dma_start3A_226 = arith.constant 0 : i32
          %dma_start3A_227 = tpu.memref_slice %arg5[%dma_start3A_225, %dma_start3A_226] : memref<900000x32xf32, #tpu.memory_space<hbm>> -> memref<900000x32xf32, #tpu.memory_space<hbm>>
          tpu.enqueue_indirect_dma source(%dma_start3A_227 : memref<900000x32xf32, #tpu.memory_space<hbm>>) target(%arg19 : memref<128x32xf32, #tpu.memory_space<vmem>>) offsets(%dma_start3A_224 : memref<128xi32, #tpu.memory_space<vmem>>) semaphore(%arg24 : memref<!tpu.dma_semaphore, #tpu.memory_space<semaphore_mem>>)
        } else {
        }
        %dma_start3A_214 = arith.constant 0 : i32
        %dma_start3A_215 = tpu.memref_slice %arg16[%while3A_190, %dma_start3A_214] : memref<51x128xi32, #tpu.memory_space<vmem>> -> memref<1x128xi32, #tpu.memory_space<vmem>>
        %dma_start3A_216 = tpu.memref_squeeze %dma_start3A_215 : memref<1x128xi32, #tpu.memory_space<vmem>> -> memref<128xi32, #tpu.memory_space<vmem>>
        %dma_start3A_217 = arith.constant 0 : i32
        %dma_start3A_218 = arith.constant 0 : i32
        %dma_start3A_219 = tpu.memref_slice %arg7[%dma_start3A_217, %dma_start3A_218] : memref<208896x64xf32, #tpu.memory_space<hbm>> -> memref<208896x64xf32, #tpu.memory_space<hbm>>
        tpu.enqueue_indirect_dma source(%arg23 : memref<128x64xf32, #tpu.memory_space<vmem>>) target(%dma_start3A_219 : memref<208896x64xf32, #tpu.memory_space<hbm>>) offsets(%dma_start3A_216 : memref<128xi32, #tpu.memory_space<vmem>>) semaphore(%arg25 : memref<!tpu.dma_semaphore, #tpu.memory_space<semaphore_mem>>)
      }
      %dma_wait3A = arith.constant 0 : i32
      %dma_wait3A_184 = arith.constant 0 : i32
      %dma_wait3A_185 = tpu.memref_slice %arg16[%dma_wait3A, %dma_wait3A_184] : memref<51x128xi32, #tpu.memory_space<vmem>> -> memref<1x128xi32, #tpu.memory_space<vmem>>
      %dma_wait3A_186 = tpu.memref_squeeze %dma_wait3A_185 : memref<1x128xi32, #tpu.memory_space<vmem>> -> memref<128xi32, #tpu.memory_space<vmem>>
      %dma_wait3A_187 = arith.constant 0 : i32
      %dma_wait3A_188 = arith.constant 0 : i32
      %dma_wait3A_189 = tpu.memref_slice %arg7[%dma_wait3A_187, %dma_wait3A_188] : memref<208896x64xf32, #tpu.memory_space<hbm>> -> memref<208896x64xf32, #tpu.memory_space<hbm>>
      tpu.wait_indirect_dma semaphore(%arg25 : memref<!tpu.dma_semaphore, #tpu.memory_space<semaphore_mem>>) src(%arg23 : memref<128x64xf32, #tpu.memory_space<vmem>>) dst(%dma_wait3A_189 : memref<208896x64xf32, #tpu.memory_space<hbm>>)
    } else {
    }
    %add3A_125 = arith.constant 128 : i32
    %add3A_126 = arith.addi %reduce_max3A_34, %add3A_125 : i32
    %sub3A_127 = arith.constant 1 : i32
    %sub3A_128 = arith.subi %add3A_126, %sub3A_127 : i32
    %jit3A_129 = arith.constant 128 : i32
    %div3A_130 = arith.divsi %sub3A_128, %jit3A_129 : i32
    %sign3A_131 = arith.constant 0 : i32
    %sign3A_132 = arith.cmpi sgt, %sub3A_128, %sign3A_131 : i32
    %sign3A_133 = arith.extui %sign3A_132 : i1 to i32
    %sign3A_134 = arith.constant 0 : i32
    %sign3A_135 = arith.cmpi slt, %sub3A_128, %sign3A_134 : i32
    %sign3A_136 = arith.extui %sign3A_135 : i1 to i32
    %sign3A_137 = arith.subi %sign3A_133, %sign3A_136 : i32
    %sign3A_138 = arith.constant 0 : i32
    %sign3A_139 = arith.cmpi sgt, %jit3A_129, %sign3A_138 : i32
    %sign3A_140 = arith.extui %sign3A_139 : i1 to i32
    %sign3A_141 = arith.constant 0 : i32
    %sign3A_142 = arith.cmpi slt, %jit3A_129, %sign3A_141 : i32
    %sign3A_143 = arith.extui %sign3A_142 : i1 to i32
    %sign3A_144 = arith.subi %sign3A_140, %sign3A_143 : i32
    %ne3A_145 = arith.cmpi ne, %sign3A_137, %sign3A_144 : i32
    %rem3A_146 = arith.remsi %sub3A_128, %jit3A_129 : i32
    %ne3A_147 = arith.constant 0 : i32
    %ne3A_148 = arith.cmpi ne, %rem3A_146, %ne3A_147 : i32
    %and3A_149 = arith.andi %ne3A_145, %ne3A_148 : i1
    %sub3A_150 = arith.constant 1 : i32
    %sub3A_151 = arith.subi %div3A_130, %sub3A_150 : i32
    %select_n3A_152 = arith.select %and3A_149, %sub3A_151, %div3A_130 : i32
    %while3A_153 = arith.constant 0 : i32
    %while3A_154 = arith.constant 0 : i32
    %while3A_155 = arith.subi %select_n3A_152, %while3A_154 : i32
    %while3A_156 = arith.addi %while3A_154, %while3A_155 : i32
    %while3A_157 = arith.constant 1 : i32
    %while3A_158 = arith.divsi %while3A_155, %while3A_157 : i32
    %while3A_159 = arith.muli %while3A_158, %while3A_157 : i32
    %while3A_160 = arith.addi %while3A_154, %while3A_159 : i32
    %while3A_161 = arith.constant 1 : i32
    scf.for %while3A_168 = %while3A_154 to %while3A_160 step %while3A_161  : i32 {
      %mul3A_169 = arith.constant 128 : i32
      %mul3A_170 = arith.muli %while3A_168, %mul3A_169 : i32
      %add3A_171 = arith.constant 0 : i32
      %add3A_172 = arith.addi %mul3A_170, %add3A_171 : i32
      %get3A = arith.index_cast %add3A_172 : i32 to index
      %get3A_173 = tpu.vector_load %arg10[%get3A] {strides = array<i32>} : memref<6528xi32, #tpu.memory_space<vmem>>, vector<16xi32>,
      %swap3A = arith.index_cast %while3A_168 : i32 to index
      %swap3A_174 = arith.constant 0 : index
      %swap3A_175 = tpu.vector_load %arg15[%swap3A, %swap3A_174] {strides = array<i32>} : memref<51x128xi32, #tpu.memory_space<vmem>>, vector<16xi32>,
      tpu.vector_store %arg15[%swap3A, %swap3A_174], %get3A_173 {strides = array<i32>} : memref<51x128xi32, #tpu.memory_space<vmem>>, vector<16xi32>,
      %add3A_176 = arith.constant 0 : i32
      %add3A_177 = arith.addi %mul3A_170, %add3A_176 : i32
      %get3A_178 = arith.index_cast %add3A_177 : i32 to index
      %get3A_179 = tpu.vector_load %arg9[%get3A_178] {strides = array<i32>} : memref<6528xi32, #tpu.memory_space<vmem>>, vector<16xi32>,
      %swap3A_180 = arith.index_cast %while3A_168 : i32 to index
      %swap3A_181 = arith.constant 0 : index
      %swap3A_182 = tpu.vector_load %arg16[%swap3A_180, %swap3A_181] {strides = array<i32>} : memref<51x128xi32, #tpu.memory_space<vmem>>, vector<16xi32>,
      tpu.vector_store %arg16[%swap3A_180, %swap3A_181], %get3A_179 {strides = array<i32>} : memref<51x128xi32, #tpu.memory_space<vmem>>, vector<16xi32>,
      %add3A_183 = arith.constant 16 : i32
      %add3A_184 = arith.addi %mul3A_170, %add3A_183 : i32
      %get3A_185 = arith.index_cast %add3A_184 : i32 to index
      %get3A_186 = tpu.vector_load %arg10[%get3A_185] {strides = array<i32>} : memref<6528xi32, #tpu.memory_space<vmem>>, vector<16xi32>,
      %swap3A_187 = arith.index_cast %while3A_168 : i32 to index
      %swap3A_188 = arith.constant 16 : index
      %swap3A_189 = tpu.vector_load %arg15[%swap3A_187, %swap3A_188] {strides = array<i32>} : memref<51x128xi32, #tpu.memory_space<vmem>>, vector<16xi32>,
      tpu.vector_store %arg15[%swap3A_187, %swap3A_188], %get3A_186 {strides = array<i32>} : memref<51x128xi32, #tpu.memory_space<vmem>>, vector<16xi32>,
      %add3A_190 = arith.constant 16 : i32
      %add3A_191 = arith.addi %mul3A_170, %add3A_190 : i32
      %get3A_192 = arith.index_cast %add3A_191 : i32 to index
      %get3A_193 = tpu.vector_load %arg9[%get3A_192] {strides = array<i32>} : memref<6528xi32, #tpu.memory_space<vmem>>, vector<16xi32>,
      %swap3A_194 = arith.index_cast %while3A_168 : i32 to index
      %swap3A_195 = arith.constant 16 : index
      %swap3A_196 = tpu.vector_load %arg16[%swap3A_194, %swap3A_195] {strides = array<i32>} : memref<51x128xi32, #tpu.memory_space<vmem>>, vector<16xi32>,
      tpu.vector_store %arg16[%swap3A_194, %swap3A_195], %get3A_193 {strides = array<i32>} : memref<51x128xi32, #tpu.memory_space<vmem>>, vector<16xi32>,
      %add3A_197 = arith.constant 32 : i32
      %add3A_198 = arith.addi %mul3A_170, %add3A_197 : i32
      %get3A_199 = arith.index_cast %add3A_198 : i32 to index
      %get3A_200 = tpu.vector_load %arg10[%get3A_199] {strides = array<i32>} : memref<6528xi32, #tpu.memory_space<vmem>>, vector<16xi32>,
      %swap3A_201 = arith.index_cast %while3A_168 : i32 to index
      %swap3A_202 = arith.constant 32 : index
      %swap3A_203 = tpu.vector_load %arg15[%swap3A_201, %swap3A_202] {strides = array<i32>} : memref<51x128xi32, #tpu.memory_space<vmem>>, vector<16xi32>,
      tpu.vector_store %arg15[%swap3A_201, %swap3A_202], %get3A_200 {strides = array<i32>} : memref<51x128xi32, #tpu.memory_space<vmem>>, vector<16xi32>,
      %add3A_204 = arith.constant 32 : i32
      %add3A_205 = arith.addi %mul3A_170, %add3A_204 : i32
      %get3A_206 = arith.index_cast %add3A_205 : i32 to index
      %get3A_207 = tpu.vector_load %arg9[%get3A_206] {strides = array<i32>} : memref<6528xi32, #tpu.memory_space<vmem>>, vector<16xi32>,
      %swap3A_208 = arith.index_cast %while3A_168 : i32 to index
      %swap3A_209 = arith.constant 32 : index
      %swap3A_210 = tpu.vector_load %arg16[%swap3A_208, %swap3A_209] {strides = array<i32>} : memref<51x128xi32, #tpu.memory_space<vmem>>, vector<16xi32>,
      tpu.vector_store %arg16[%swap3A_208, %swap3A_209], %get3A_207 {strides = array<i32>} : memref<51x128xi32, #tpu.memory_space<vmem>>, vector<16xi32>,
      %add3A_211 = arith.constant 48 : i32
      %add3A_212 = arith.addi %mul3A_170, %add3A_211 : i32
      %get3A_213 = arith.index_cast %add3A_212 : i32 to index
      %get3A_214 = tpu.vector_load %arg10[%get3A_213] {strides = array<i32>} : memref<6528xi32, #tpu.memory_space<vmem>>, vector<16xi32>,
      %swap3A_215 = arith.index_cast %while3A_168 : i32 to index
      %swap3A_216 = arith.constant 48 : index
      %swap3A_217 = tpu.vector_load %arg15[%swap3A_215, %swap3A_216] {strides = array<i32>} : memref<51x128xi32, #tpu.memory_space<vmem>>, vector<16xi32>,
      tpu.vector_store %arg15[%swap3A_215, %swap3A_216], %get3A_214 {strides = array<i32>} : memref<51x128xi32, #tpu.memory_space<vmem>>, vector<16xi32>,
      %add3A_218 = arith.constant 48 : i32
      %add3A_219 = arith.addi %mul3A_170, %add3A_218 : i32
      %get3A_220 = arith.index_cast %add3A_219 : i32 to index
      %get3A_221 = tpu.vector_load %arg9[%get3A_220] {strides = array<i32>} : memref<6528xi32, #tpu.memory_space<vmem>>, vector<16xi32>,
      %swap3A_222 = arith.index_cast %while3A_168 : i32 to index
      %swap3A_223 = arith.constant 48 : index
      %swap3A_224 = tpu.vector_load %arg16[%swap3A_222, %swap3A_223] {strides = array<i32>} : memref<51x128xi32, #tpu.memory_space<vmem>>, vector<16xi32>,
      tpu.vector_store %arg16[%swap3A_222, %swap3A_223], %get3A_221 {strides = array<i32>} : memref<51x128xi32, #tpu.memory_space<vmem>>, vector<16xi32>,
      %add3A_225 = arith.constant 64 : i32
      %add3A_226 = arith.addi %mul3A_170, %add3A_225 : i32
      %get3A_227 = arith.index_cast %add3A_226 : i32 to index
      %get3A_228 = tpu.vector_load %arg10[%get3A_227] {strides = array<i32>} : memref<6528xi32, #tpu.memory_space<vmem>>, vector<16xi32>,
      %swap3A_229 = arith.index_cast %while3A_168 : i32 to index
      %swap3A_230 = arith.constant 64 : index
      %swap3A_231 = tpu.vector_load %arg15[%swap3A_229, %swap3A_230] {strides = array<i32>} : memref<51x128xi32, #tpu.memory_space<vmem>>, vector<16xi32>,
      tpu.vector_store %arg15[%swap3A_229, %swap3A_230], %get3A_228 {strides = array<i32>} : memref<51x128xi32, #tpu.memory_space<vmem>>, vector<16xi32>,
      %add3A_232 = arith.constant 64 : i32
      %add3A_233 = arith.addi %mul3A_170, %add3A_232 : i32
      %get3A_234 = arith.index_cast %add3A_233 : i32 to index
      %get3A_235 = tpu.vector_load %arg9[%get3A_234] {strides = array<i32>} : memref<6528xi32, #tpu.memory_space<vmem>>, vector<16xi32>,
      %swap3A_236 = arith.index_cast %while3A_168 : i32 to index
      %swap3A_237 = arith.constant 64 : index
      %swap3A_238 = tpu.vector_load %arg16[%swap3A_236, %swap3A_237] {strides = array<i32>} : memref<51x128xi32, #tpu.memory_space<vmem>>, vector<16xi32>,
      tpu.vector_store %arg16[%swap3A_236, %swap3A_237], %get3A_235 {strides = array<i32>} : memref<51x128xi32, #tpu.memory_space<vmem>>, vector<16xi32>,
      %add3A_239 = arith.constant 80 : i32
      %add3A_240 = arith.addi %mul3A_170, %add3A_239 : i32
      %get3A_241 = arith.index_cast %add3A_240 : i32 to index
      %get3A_242 = tpu.vector_load %arg10[%get3A_241] {strides = array<i32>} : memref<6528xi32, #tpu.memory_space<vmem>>, vector<16xi32>,
      %swap3A_243 = arith.index_cast %while3A_168 : i32 to index
      %swap3A_244 = arith.constant 80 : index
      %swap3A_245 = tpu.vector_load %arg15[%swap3A_243, %swap3A_244] {strides = array<i32>} : memref<51x128xi32, #tpu.memory_space<vmem>>, vector<16xi32>,
      tpu.vector_store %arg15[%swap3A_243, %swap3A_244], %get3A_242 {strides = array<i32>} : memref<51x128xi32, #tpu.memory_space<vmem>>, vector<16xi32>,
      %add3A_246 = arith.constant 80 : i32
      %add3A_247 = arith.addi %mul3A_170, %add3A_246 : i32
      %get3A_248 = arith.index_cast %add3A_247 : i32 to index
      %get3A_249 = tpu.vector_load %arg9[%get3A_248] {strides = array<i32>} : memref<6528xi32, #tpu.memory_space<vmem>>, vector<16xi32>,
      %swap3A_250 = arith.index_cast %while3A_168 : i32 to index
      %swap3A_251 = arith.constant 80 : index
      %swap3A_252 = tpu.vector_load %arg16[%swap3A_250, %swap3A_251] {strides = array<i32>} : memref<51x128xi32, #tpu.memory_space<vmem>>, vector<16xi32>,
      tpu.vector_store %arg16[%swap3A_250, %swap3A_251], %get3A_249 {strides = array<i32>} : memref<51x128xi32, #tpu.memory_space<vmem>>, vector<16xi32>,
      %add3A_253 = arith.constant 96 : i32
      %add3A_254 = arith.addi %mul3A_170, %add3A_253 : i32
      %get3A_255 = arith.index_cast %add3A_254 : i32 to index
      %get3A_256 = tpu.vector_load %arg10[%get3A_255] {strides = array<i32>} : memref<6528xi32, #tpu.memory_space<vmem>>, vector<16xi32>,
      %swap3A_257 = arith.index_cast %while3A_168 : i32 to index
      %swap3A_258 = arith.constant 96 : index
      %swap3A_259 = tpu.vector_load %arg15[%swap3A_257, %swap3A_258] {strides = array<i32>} : memref<51x128xi32, #tpu.memory_space<vmem>>, vector<16xi32>,
      tpu.vector_store %arg15[%swap3A_257, %swap3A_258], %get3A_256 {strides = array<i32>} : memref<51x128xi32, #tpu.memory_space<vmem>>, vector<16xi32>,
      %add3A_260 = arith.constant 96 : i32
      %add3A_261 = arith.addi %mul3A_170, %add3A_260 : i32
      %get3A_262 = arith.index_cast %add3A_261 : i32 to index
      %get3A_263 = tpu.vector_load %arg9[%get3A_262] {strides = array<i32>} : memref<6528xi32, #tpu.memory_space<vmem>>, vector<16xi32>,
      %swap3A_264 = arith.index_cast %while3A_168 : i32 to index
      %swap3A_265 = arith.constant 96 : index
      %swap3A_266 = tpu.vector_load %arg16[%swap3A_264, %swap3A_265] {strides = array<i32>} : memref<51x128xi32, #tpu.memory_space<vmem>>, vector<16xi32>,
      tpu.vector_store %arg16[%swap3A_264, %swap3A_265], %get3A_263 {strides = array<i32>} : memref<51x128xi32, #tpu.memory_space<vmem>>, vector<16xi32>,
      %add3A_267 = arith.constant 112 : i32
      %add3A_268 = arith.addi %mul3A_170, %add3A_267 : i32
      %get3A_269 = arith.index_cast %add3A_268 : i32 to index
      %get3A_270 = tpu.vector_load %arg10[%get3A_269] {strides = array<i32>} : memref<6528xi32, #tpu.memory_space<vmem>>, vector<16xi32>,
      %swap3A_271 = arith.index_cast %while3A_168 : i32 to index
      %swap3A_272 = arith.constant 112 : index
      %swap3A_273 = tpu.vector_load %arg15[%swap3A_271, %swap3A_272] {strides = array<i32>} : memref<51x128xi32, #tpu.memory_space<vmem>>, vector<16xi32>,
      tpu.vector_store %arg15[%swap3A_271, %swap3A_272], %get3A_270 {strides = array<i32>} : memref<51x128xi32, #tpu.memory_space<vmem>>, vector<16xi32>,
      %add3A_274 = arith.constant 112 : i32
      %add3A_275 = arith.addi %mul3A_170, %add3A_274 : i32
      %get3A_276 = arith.index_cast %add3A_275 : i32 to index
      %get3A_277 = tpu.vector_load %arg9[%get3A_276] {strides = array<i32>} : memref<6528xi32, #tpu.memory_space<vmem>>, vector<16xi32>,
      %swap3A_278 = arith.index_cast %while3A_168 : i32 to index
      %swap3A_279 = arith.constant 112 : index
      %swap3A_280 = tpu.vector_load %arg16[%swap3A_278, %swap3A_279] {strides = array<i32>} : memref<51x128xi32, #tpu.memory_space<vmem>>, vector<16xi32>,
      tpu.vector_store %arg16[%swap3A_278, %swap3A_279], %get3A_277 {strides = array<i32>} : memref<51x128xi32, #tpu.memory_space<vmem>>, vector<16xi32>,
    }
    %while3A_162 = arith.constant 1 : i32
    scf.for %while3A_168 = %while3A_160 to %while3A_156 step %while3A_162  : i32 {
      %mul3A_169 = arith.constant 128 : i32
      %mul3A_170 = arith.muli %while3A_168, %mul3A_169 : i32
      %add3A_171 = arith.constant 0 : i32
      %add3A_172 = arith.addi %mul3A_170, %add3A_171 : i32
      %get3A = arith.index_cast %add3A_172 : i32 to index
      %get3A_173 = tpu.vector_load %arg10[%get3A] {strides = array<i32>} : memref<6528xi32, #tpu.memory_space<vmem>>, vector<16xi32>,
      %swap3A = arith.index_cast %while3A_168 : i32 to index
      %swap3A_174 = arith.constant 0 : index
      %swap3A_175 = tpu.vector_load %arg15[%swap3A, %swap3A_174] {strides = array<i32>} : memref<51x128xi32, #tpu.memory_space<vmem>>, vector<16xi32>,
      tpu.vector_store %arg15[%swap3A, %swap3A_174], %get3A_173 {strides = array<i32>} : memref<51x128xi32, #tpu.memory_space<vmem>>, vector<16xi32>,
      %add3A_176 = arith.constant 0 : i32
      %add3A_177 = arith.addi %mul3A_170, %add3A_176 : i32
      %get3A_178 = arith.index_cast %add3A_177 : i32 to index
      %get3A_179 = tpu.vector_load %arg9[%get3A_178] {strides = array<i32>} : memref<6528xi32, #tpu.memory_space<vmem>>, vector<16xi32>,
      %swap3A_180 = arith.index_cast %while3A_168 : i32 to index
      %swap3A_181 = arith.constant 0 : index
      %swap3A_182 = tpu.vector_load %arg16[%swap3A_180, %swap3A_181] {strides = array<i32>} : memref<51x128xi32, #tpu.memory_space<vmem>>, vector<16xi32>,
      tpu.vector_store %arg16[%swap3A_180, %swap3A_181], %get3A_179 {strides = array<i32>} : memref<51x128xi32, #tpu.memory_space<vmem>>, vector<16xi32>,
      %add3A_183 = arith.constant 16 : i32
      %add3A_184 = arith.addi %mul3A_170, %add3A_183 : i32
      %get3A_185 = arith.index_cast %add3A_184 : i32 to index
      %get3A_186 = tpu.vector_load %arg10[%get3A_185] {strides = array<i32>} : memref<6528xi32, #tpu.memory_space<vmem>>, vector<16xi32>,
      %swap3A_187 = arith.index_cast %while3A_168 : i32 to index
      %swap3A_188 = arith.constant 16 : index
      %swap3A_189 = tpu.vector_load %arg15[%swap3A_187, %swap3A_188] {strides = array<i32>} : memref<51x128xi32, #tpu.memory_space<vmem>>, vector<16xi32>,
      tpu.vector_store %arg15[%swap3A_187, %swap3A_188], %get3A_186 {strides = array<i32>} : memref<51x128xi32, #tpu.memory_space<vmem>>, vector<16xi32>,
      %add3A_190 = arith.constant 16 : i32
      %add3A_191 = arith.addi %mul3A_170, %add3A_190 : i32
      %get3A_192 = arith.index_cast %add3A_191 : i32 to index
      %get3A_193 = tpu.vector_load %arg9[%get3A_192] {strides = array<i32>} : memref<6528xi32, #tpu.memory_space<vmem>>, vector<16xi32>,
      %swap3A_194 = arith.index_cast %while3A_168 : i32 to index
      %swap3A_195 = arith.constant 16 : index
      %swap3A_196 = tpu.vector_load %arg16[%swap3A_194, %swap3A_195] {strides = array<i32>} : memref<51x128xi32, #tpu.memory_space<vmem>>, vector<16xi32>,
      tpu.vector_store %arg16[%swap3A_194, %swap3A_195], %get3A_193 {strides = array<i32>} : memref<51x128xi32, #tpu.memory_space<vmem>>, vector<16xi32>,
      %add3A_197 = arith.constant 32 : i32
      %add3A_198 = arith.addi %mul3A_170, %add3A_197 : i32
      %get3A_199 = arith.index_cast %add3A_198 : i32 to index
      %get3A_200 = tpu.vector_load %arg10[%get3A_199] {strides = array<i32>} : memref<6528xi32, #tpu.memory_space<vmem>>, vector<16xi32>,
      %swap3A_201 = arith.index_cast %while3A_168 : i32 to index
      %swap3A_202 = arith.constant 32 : index
      %swap3A_203 = tpu.vector_load %arg15[%swap3A_201, %swap3A_202] {strides = array<i32>} : memref<51x128xi32, #tpu.memory_space<vmem>>, vector<16xi32>,
      tpu.vector_store %arg15[%swap3A_201, %swap3A_202], %get3A_200 {strides = array<i32>} : memref<51x128xi32, #tpu.memory_space<vmem>>, vector<16xi32>,
      %add3A_204 = arith.constant 32 : i32
      %add3A_205 = arith.addi %mul3A_170, %add3A_204 : i32
      %get3A_206 = arith.index_cast %add3A_205 : i32 to index
      %get3A_207 = tpu.vector_load %arg9[%get3A_206] {strides = array<i32>} : memref<6528xi32, #tpu.memory_space<vmem>>, vector<16xi32>,
      %swap3A_208 = arith.index_cast %while3A_168 : i32 to index
      %swap3A_209 = arith.constant 32 : index
      %swap3A_210 = tpu.vector_load %arg16[%swap3A_208, %swap3A_209] {strides = array<i32>} : memref<51x128xi32, #tpu.memory_space<vmem>>, vector<16xi32>,
      tpu.vector_store %arg16[%swap3A_208, %swap3A_209], %get3A_207 {strides = array<i32>} : memref<51x128xi32, #tpu.memory_space<vmem>>, vector<16xi32>,
      %add3A_211 = arith.constant 48 : i32
      %add3A_212 = arith.addi %mul3A_170, %add3A_211 : i32
      %get3A_213 = arith.index_cast %add3A_212 : i32 to index
      %get3A_214 = tpu.vector_load %arg10[%get3A_213] {strides = array<i32>} : memref<6528xi32, #tpu.memory_space<vmem>>, vector<16xi32>,
      %swap3A_215 = arith.index_cast %while3A_168 : i32 to index
      %swap3A_216 = arith.constant 48 : index
      %swap3A_217 = tpu.vector_load %arg15[%swap3A_215, %swap3A_216] {strides = array<i32>} : memref<51x128xi32, #tpu.memory_space<vmem>>, vector<16xi32>,
      tpu.vector_store %arg15[%swap3A_215, %swap3A_216], %get3A_214 {strides = array<i32>} : memref<51x128xi32, #tpu.memory_space<vmem>>, vector<16xi32>,
      %add3A_218 = arith.constant 48 : i32
      %add3A_219 = arith.addi %mul3A_170, %add3A_218 : i32
      %get3A_220 = arith.index_cast %add3A_219 : i32 to index
      %get3A_221 = tpu.vector_load %arg9[%get3A_220] {strides = array<i32>} : memref<6528xi32, #tpu.memory_space<vmem>>, vector<16xi32>,
      %swap3A_222 = arith.index_cast %while3A_168 : i32 to index
      %swap3A_223 = arith.constant 48 : index
      %swap3A_224 = tpu.vector_load %arg16[%swap3A_222, %swap3A_223] {strides = array<i32>} : memref<51x128xi32, #tpu.memory_space<vmem>>, vector<16xi32>,
      tpu.vector_store %arg16[%swap3A_222, %swap3A_223], %get3A_221 {strides = array<i32>} : memref<51x128xi32, #tpu.memory_space<vmem>>, vector<16xi32>,
      %add3A_225 = arith.constant 64 : i32
      %add3A_226 = arith.addi %mul3A_170, %add3A_225 : i32
      %get3A_227 = arith.index_cast %add3A_226 : i32 to index
      %get3A_228 = tpu.vector_load %arg10[%get3A_227] {strides = array<i32>} : memref<6528xi32, #tpu.memory_space<vmem>>, vector<16xi32>,
      %swap3A_229 = arith.index_cast %while3A_168 : i32 to index
      %swap3A_230 = arith.constant 64 : index
      %swap3A_231 = tpu.vector_load %arg15[%swap3A_229, %swap3A_230] {strides = array<i32>} : memref<51x128xi32, #tpu.memory_space<vmem>>, vector<16xi32>,
      tpu.vector_store %arg15[%swap3A_229, %swap3A_230], %get3A_228 {strides = array<i32>} : memref<51x128xi32, #tpu.memory_space<vmem>>, vector<16xi32>,
      %add3A_232 = arith.constant 64 : i32
      %add3A_233 = arith.addi %mul3A_170, %add3A_232 : i32
      %get3A_234 = arith.index_cast %add3A_233 : i32 to index
      %get3A_235 = tpu.vector_load %arg9[%get3A_234] {strides = array<i32>} : memref<6528xi32, #tpu.memory_space<vmem>>, vector<16xi32>,
      %swap3A_236 = arith.index_cast %while3A_168 : i32 to index
      %swap3A_237 = arith.constant 64 : index
      %swap3A_238 = tpu.vector_load %arg16[%swap3A_236, %swap3A_237] {strides = array<i32>} : memref<51x128xi32, #tpu.memory_space<vmem>>, vector<16xi32>,
      tpu.vector_store %arg16[%swap3A_236, %swap3A_237], %get3A_235 {strides = array<i32>} : memref<51x128xi32, #tpu.memory_space<vmem>>, vector<16xi32>,
      %add3A_239 = arith.constant 80 : i32
      %add3A_240 = arith.addi %mul3A_170, %add3A_239 : i32
      %get3A_241 = arith.index_cast %add3A_240 : i32 to index
      %get3A_242 = tpu.vector_load %arg10[%get3A_241] {strides = array<i32>} : memref<6528xi32, #tpu.memory_space<vmem>>, vector<16xi32>,
      %swap3A_243 = arith.index_cast %while3A_168 : i32 to index
      %swap3A_244 = arith.constant 80 : index
      %swap3A_245 = tpu.vector_load %arg15[%swap3A_243, %swap3A_244] {strides = array<i32>} : memref<51x128xi32, #tpu.memory_space<vmem>>, vector<16xi32>,
      tpu.vector_store %arg15[%swap3A_243, %swap3A_244], %get3A_242 {strides = array<i32>} : memref<51x128xi32, #tpu.memory_space<vmem>>, vector<16xi32>,
      %add3A_246 = arith.constant 80 : i32
      %add3A_247 = arith.addi %mul3A_170, %add3A_246 : i32
      %get3A_248 = arith.index_cast %add3A_247 : i32 to index
      %get3A_249 = tpu.vector_load %arg9[%get3A_248] {strides = array<i32>} : memref<6528xi32, #tpu.memory_space<vmem>>, vector<16xi32>,
      %swap3A_250 = arith.index_cast %while3A_168 : i32 to index
      %swap3A_251 = arith.constant 80 : index
      %swap3A_252 = tpu.vector_load %arg16[%swap3A_250, %swap3A_251] {strides = array<i32>} : memref<51x128xi32, #tpu.memory_space<vmem>>, vector<16xi32>,
      tpu.vector_store %arg16[%swap3A_250, %swap3A_251], %get3A_249 {strides = array<i32>} : memref<51x128xi32, #tpu.memory_space<vmem>>, vector<16xi32>,
      %add3A_253 = arith.constant 96 : i32
      %add3A_254 = arith.addi %mul3A_170, %add3A_253 : i32
      %get3A_255 = arith.index_cast %add3A_254 : i32 to index
      %get3A_256 = tpu.vector_load %arg10[%get3A_255] {strides = array<i32>} : memref<6528xi32, #tpu.memory_space<vmem>>, vector<16xi32>,
      %swap3A_257 = arith.index_cast %while3A_168 : i32 to index
      %swap3A_258 = arith.constant 96 : index
      %swap3A_259 = tpu.vector_load %arg15[%swap3A_257, %swap3A_258] {strides = array<i32>} : memref<51x128xi32, #tpu.memory_space<vmem>>, vector<16xi32>,
      tpu.vector_store %arg15[%swap3A_257, %swap3A_258], %get3A_256 {strides = array<i32>} : memref<51x128xi32, #tpu.memory_space<vmem>>, vector<16xi32>,
      %add3A_260 = arith.constant 96 : i32
      %add3A_261 = arith.addi %mul3A_170, %add3A_260 : i32
      %get3A_262 = arith.index_cast %add3A_261 : i32 to index
      %get3A_263 = tpu.vector_load %arg9[%get3A_262] {strides = array<i32>} : memref<6528xi32, #tpu.memory_space<vmem>>, vector<16xi32>,
      %swap3A_264 = arith.index_cast %while3A_168 : i32 to index
      %swap3A_265 = arith.constant 96 : index
      %swap3A_266 = tpu.vector_load %arg16[%swap3A_264, %swap3A_265] {strides = array<i32>} : memref<51x128xi32, #tpu.memory_space<vmem>>, vector<16xi32>,
      tpu.vector_store %arg16[%swap3A_264, %swap3A_265], %get3A_263 {strides = array<i32>} : memref<51x128xi32, #tpu.memory_space<vmem>>, vector<16xi32>,
      %add3A_267 = arith.constant 112 : i32
      %add3A_268 = arith.addi %mul3A_170, %add3A_267 : i32
      %get3A_269 = arith.index_cast %add3A_268 : i32 to index
      %get3A_270 = tpu.vector_load %arg10[%get3A_269] {strides = array<i32>} : memref<6528xi32, #tpu.memory_space<vmem>>, vector<16xi32>,
      %swap3A_271 = arith.index_cast %while3A_168 : i32 to index
      %swap3A_272 = arith.constant 112 : index
      %swap3A_273 = tpu.vector_load %arg15[%swap3A_271, %swap3A_272] {strides = array<i32>} : memref<51x128xi32, #tpu.memory_space<vmem>>, vector<16xi32>,
      tpu.vector_store %arg15[%swap3A_271, %swap3A_272], %get3A_270 {strides = array<i32>} : memref<51x128xi32, #tpu.memory_space<vmem>>, vector<16xi32>,
      %add3A_274 = arith.constant 112 : i32
      %add3A_275 = arith.addi %mul3A_170, %add3A_274 : i32
      %get3A_276 = arith.index_cast %add3A_275 : i32 to index
      %get3A_277 = tpu.vector_load %arg9[%get3A_276] {strides = array<i32>} : memref<6528xi32, #tpu.memory_space<vmem>>, vector<16xi32>,
      %swap3A_278 = arith.index_cast %while3A_168 : i32 to index
      %swap3A_279 = arith.constant 112 : index
      %swap3A_280 = tpu.vector_load %arg16[%swap3A_278, %swap3A_279] {strides = array<i32>} : memref<51x128xi32, #tpu.memory_space<vmem>>, vector<16xi32>,
      tpu.vector_store %arg16[%swap3A_278, %swap3A_279], %get3A_277 {strides = array<i32>} : memref<51x128xi32, #tpu.memory_space<vmem>>, vector<16xi32>,
    }
    %gt3A_163 = arith.constant 0 : i32
    %gt3A_164 = arith.cmpi sgt, %select_n3A_152, %gt3A_163 : i32
    %convert_element_type3A_165 = arith.extui %gt3A_164 : i1 to i32
    %cond3A_166 = arith.constant 0 : i32
    %cond3A_167 = arith.cmpi ne, %convert_element_type3A_165, %cond3A_166 : i32
    scf.if %cond3A_167 {
      %dma_start3A = arith.constant 0 : i32
      %dma_start3A_168 = arith.constant 0 : i32
      %dma_start3A_169 = tpu.memref_slice %arg15[%dma_start3A, %dma_start3A_168] : memref<51x128xi32, #tpu.memory_space<vmem>> -> memref<1x128xi32, #tpu.memory_space<vmem>>
      %dma_start3A_170 = tpu.memref_squeeze %dma_start3A_169 : memref<1x128xi32, #tpu.memory_space<vmem>> -> memref<128xi32, #tpu.memory_space<vmem>>
      %dma_start3A_171 = arith.constant 0 : i32
      %dma_start3A_172 = arith.constant 0 : i32
      %dma_start3A_173 = tpu.memref_slice %arg3[%dma_start3A_171, %dma_start3A_172] : memref<20000x128xf32, #tpu.memory_space<hbm>> -> memref<20000x128xf32, #tpu.memory_space<hbm>>
      tpu.enqueue_indirect_dma source(%dma_start3A_173 : memref<20000x128xf32, #tpu.memory_space<hbm>>) target(%arg17 : memref<128x128xf32, #tpu.memory_space<vmem>>) offsets(%dma_start3A_170 : memref<128xi32, #tpu.memory_space<vmem>>) semaphore(%arg24 : memref<!tpu.dma_semaphore, #tpu.memory_space<semaphore_mem>>)
      %while3A_174 = arith.constant 0 : i32
      %while3A_175 = arith.constant 0 : i32
      %while3A_176 = arith.subi %select_n3A_152, %while3A_175 : i32
      %while3A_177 = arith.addi %while3A_175, %while3A_176 : i32
      %while3A_178 = arith.constant 1 : i32
      %while3A_179 = arith.divsi %while3A_176, %while3A_178 : i32
      %while3A_180 = arith.muli %while3A_179, %while3A_178 : i32
      %while3A_181 = arith.addi %while3A_175, %while3A_180 : i32
      %while3A_182 = arith.constant 1 : i32
      scf.for %while3A_197 = %while3A_175 to %while3A_181 step %while3A_182  : i32 {
        %dma_wait3A_198 = arith.constant 0 : i32
        %dma_wait3A_199 = arith.constant 0 : i32
        %dma_wait3A_200 = tpu.memref_slice %arg15[%dma_wait3A_198, %dma_wait3A_199] : memref<51x128xi32, #tpu.memory_space<vmem>> -> memref<1x128xi32, #tpu.memory_space<vmem>>
        %dma_wait3A_201 = tpu.memref_squeeze %dma_wait3A_200 : memref<1x128xi32, #tpu.memory_space<vmem>> -> memref<128xi32, #tpu.memory_space<vmem>>
        %dma_wait3A_202 = arith.constant 0 : i32
        %dma_wait3A_203 = arith.constant 0 : i32
        %dma_wait3A_204 = tpu.memref_slice %arg3[%dma_wait3A_202, %dma_wait3A_203] : memref<20000x128xf32, #tpu.memory_space<hbm>> -> memref<20000x128xf32, #tpu.memory_space<hbm>>
        tpu.wait_indirect_dma semaphore(%arg24 : memref<!tpu.dma_semaphore, #tpu.memory_space<semaphore_mem>>) src(%dma_wait3A_204 : memref<20000x128xf32, #tpu.memory_space<hbm>>) dst(%arg17 : memref<128x128xf32, #tpu.memory_space<vmem>>)
        %gt3A_205 = arith.constant 0 : i32
        %gt3A_206 = arith.cmpi sgt, %while3A_197, %gt3A_205 : i32
        %convert_element_type3A_207 = arith.extui %gt3A_206 : i1 to i32
        %cond3A_208 = arith.constant 0 : i32
        %cond3A_209 = arith.cmpi ne, %convert_element_type3A_207, %cond3A_208 : i32
        scf.if %cond3A_209 {
          %dma_wait3A_233 = arith.constant 0 : i32
          %dma_wait3A_234 = arith.constant 0 : i32
          %dma_wait3A_235 = tpu.memref_slice %arg16[%dma_wait3A_233, %dma_wait3A_234] : memref<51x128xi32, #tpu.memory_space<vmem>> -> memref<1x128xi32, #tpu.memory_space<vmem>>
          %dma_wait3A_236 = tpu.memref_squeeze %dma_wait3A_235 : memref<1x128xi32, #tpu.memory_space<vmem>> -> memref<128xi32, #tpu.memory_space<vmem>>
          %dma_wait3A_237 = arith.constant 0 : i32
          %dma_wait3A_238 = arith.constant 0 : i32
          %dma_wait3A_239 = tpu.memref_slice %arg6[%dma_wait3A_237, %dma_wait3A_238] : memref<208896x64xf32, #tpu.memory_space<hbm>> -> memref<208896x64xf32, #tpu.memory_space<hbm>>
          tpu.wait_indirect_dma semaphore(%arg25 : memref<!tpu.dma_semaphore, #tpu.memory_space<semaphore_mem>>) src(%arg20 : memref<128x64xf32, #tpu.memory_space<vmem>>) dst(%dma_wait3A_239 : memref<208896x64xf32, #tpu.memory_space<hbm>>)
          %dma_wait3A_240 = arith.constant 0 : i32
          %dma_wait3A_241 = arith.constant 0 : i32
          %dma_wait3A_242 = tpu.memref_slice %arg16[%dma_wait3A_240, %dma_wait3A_241] : memref<51x128xi32, #tpu.memory_space<vmem>> -> memref<1x128xi32, #tpu.memory_space<vmem>>
          %dma_wait3A_243 = tpu.memref_squeeze %dma_wait3A_242 : memref<1x128xi32, #tpu.memory_space<vmem>> -> memref<128xi32, #tpu.memory_space<vmem>>
          %dma_wait3A_244 = arith.constant 0 : i32
          %dma_wait3A_245 = arith.constant 0 : i32
          %dma_wait3A_246 = tpu.memref_slice %arg7[%dma_wait3A_244, %dma_wait3A_245] : memref<208896x64xf32, #tpu.memory_space<hbm>> -> memref<208896x64xf32, #tpu.memory_space<hbm>>
          tpu.wait_indirect_dma semaphore(%arg25 : memref<!tpu.dma_semaphore, #tpu.memory_space<semaphore_mem>>) src(%arg21 : memref<128x64xf32, #tpu.memory_space<vmem>>) dst(%dma_wait3A_246 : memref<208896x64xf32, #tpu.memory_space<hbm>>)
        } else {
        }
        %scan3A_210 = arith.constant 0 : i32
        %scan3A_211 = arith.constant 0 : i32
        %scan3A_212 = arith.constant 128 : i32
        %scan3A_213 = arith.addi %scan3A_211, %scan3A_212 : i32
        %scan3A_214 = arith.constant 1 : i32
        scf.for %scan3A_233 = %scan3A_211 to %scan3A_213 step %scan3A_214  : i32 {
          %get3A = arith.index_cast %scan3A_233 : i32 to index
          %get3A_234 = arith.constant 0 : index
          %get3A_235 = tpu.vector_load %arg17[%get3A, %get3A_234] {strides = array<i32>} : memref<128x128xf32, #tpu.memory_space<vmem>>, vector<16xf32>,
          %swap3A = arith.index_cast %scan3A_233 : i32 to index
          %swap3A_236 = arith.constant 0 : index
          %swap3A_237 = tpu.vector_load %arg20[%swap3A, %swap3A_236] {strides = array<i32>} : memref<128x64xf32, #tpu.memory_space<vmem>>, vector<16xf32>,
          tpu.vector_store %arg20[%swap3A, %swap3A_236], %get3A_235 {strides = array<i32>} : memref<128x64xf32, #tpu.memory_space<vmem>>, vector<16xf32>,
          %get3A_238 = arith.index_cast %scan3A_233 : i32 to index
          %get3A_239 = arith.constant 16 : index
          %get3A_240 = tpu.vector_load %arg17[%get3A_238, %get3A_239] {strides = array<i32>} : memref<128x128xf32, #tpu.memory_space<vmem>>, vector<16xf32>,
          %swap3A_241 = arith.index_cast %scan3A_233 : i32 to index
          %swap3A_242 = arith.constant 16 : index
          %swap3A_243 = tpu.vector_load %arg20[%swap3A_241, %swap3A_242] {strides = array<i32>} : memref<128x64xf32, #tpu.memory_space<vmem>>, vector<16xf32>,
          tpu.vector_store %arg20[%swap3A_241, %swap3A_242], %get3A_240 {strides = array<i32>} : memref<128x64xf32, #tpu.memory_space<vmem>>, vector<16xf32>,
          %get3A_244 = arith.index_cast %scan3A_233 : i32 to index
          %get3A_245 = arith.constant 32 : index
          %get3A_246 = tpu.vector_load %arg17[%get3A_244, %get3A_245] {strides = array<i32>} : memref<128x128xf32, #tpu.memory_space<vmem>>, vector<16xf32>,
          %swap3A_247 = arith.index_cast %scan3A_233 : i32 to index
          %swap3A_248 = arith.constant 32 : index
          %swap3A_249 = tpu.vector_load %arg20[%swap3A_247, %swap3A_248] {strides = array<i32>} : memref<128x64xf32, #tpu.memory_space<vmem>>, vector<16xf32>,
          tpu.vector_store %arg20[%swap3A_247, %swap3A_248], %get3A_246 {strides = array<i32>} : memref<128x64xf32, #tpu.memory_space<vmem>>, vector<16xf32>,
          %get3A_250 = arith.index_cast %scan3A_233 : i32 to index
          %get3A_251 = arith.constant 48 : index
          %get3A_252 = tpu.vector_load %arg17[%get3A_250, %get3A_251] {strides = array<i32>} : memref<128x128xf32, #tpu.memory_space<vmem>>, vector<16xf32>,
          %swap3A_253 = arith.index_cast %scan3A_233 : i32 to index
          %swap3A_254 = arith.constant 48 : index
          %swap3A_255 = tpu.vector_load %arg20[%swap3A_253, %swap3A_254] {strides = array<i32>} : memref<128x64xf32, #tpu.memory_space<vmem>>, vector<16xf32>,
          tpu.vector_store %arg20[%swap3A_253, %swap3A_254], %get3A_252 {strides = array<i32>} : memref<128x64xf32, #tpu.memory_space<vmem>>, vector<16xf32>,
          %get3A_256 = arith.index_cast %scan3A_233 : i32 to index
          %get3A_257 = arith.constant 64 : index
          %get3A_258 = tpu.vector_load %arg17[%get3A_256, %get3A_257] {strides = array<i32>} : memref<128x128xf32, #tpu.memory_space<vmem>>, vector<16xf32>,
          %swap3A_259 = arith.index_cast %scan3A_233 : i32 to index
          %swap3A_260 = arith.constant 0 : index
          %swap3A_261 = tpu.vector_load %arg21[%swap3A_259, %swap3A_260] {strides = array<i32>} : memref<128x64xf32, #tpu.memory_space<vmem>>, vector<16xf32>,
          tpu.vector_store %arg21[%swap3A_259, %swap3A_260], %get3A_258 {strides = array<i32>} : memref<128x64xf32, #tpu.memory_space<vmem>>, vector<16xf32>,
          %get3A_262 = arith.index_cast %scan3A_233 : i32 to index
          %get3A_263 = arith.constant 80 : index
          %get3A_264 = tpu.vector_load %arg17[%get3A_262, %get3A_263] {strides = array<i32>} : memref<128x128xf32, #tpu.memory_space<vmem>>, vector<16xf32>,
          %swap3A_265 = arith.index_cast %scan3A_233 : i32 to index
          %swap3A_266 = arith.constant 16 : index
          %swap3A_267 = tpu.vector_load %arg21[%swap3A_265, %swap3A_266] {strides = array<i32>} : memref<128x64xf32, #tpu.memory_space<vmem>>, vector<16xf32>,
          tpu.vector_store %arg21[%swap3A_265, %swap3A_266], %get3A_264 {strides = array<i32>} : memref<128x64xf32, #tpu.memory_space<vmem>>, vector<16xf32>,
          %get3A_268 = arith.index_cast %scan3A_233 : i32 to index
          %get3A_269 = arith.constant 96 : index
          %get3A_270 = tpu.vector_load %arg17[%get3A_268, %get3A_269] {strides = array<i32>} : memref<128x128xf32, #tpu.memory_space<vmem>>, vector<16xf32>,
          %swap3A_271 = arith.index_cast %scan3A_233 : i32 to index
          %swap3A_272 = arith.constant 32 : index
          %swap3A_273 = tpu.vector_load %arg21[%swap3A_271, %swap3A_272] {strides = array<i32>} : memref<128x64xf32, #tpu.memory_space<vmem>>, vector<16xf32>,
          tpu.vector_store %arg21[%swap3A_271, %swap3A_272], %get3A_270 {strides = array<i32>} : memref<128x64xf32, #tpu.memory_space<vmem>>, vector<16xf32>,
          %get3A_274 = arith.index_cast %scan3A_233 : i32 to index
          %get3A_275 = arith.constant 112 : index
          %get3A_276 = tpu.vector_load %arg17[%get3A_274, %get3A_275] {strides = array<i32>} : memref<128x128xf32, #tpu.memory_space<vmem>>, vector<16xf32>,
          %swap3A_277 = arith.index_cast %scan3A_233 : i32 to index
          %swap3A_278 = arith.constant 48 : index
          %swap3A_279 = tpu.vector_load %arg21[%swap3A_277, %swap3A_278] {strides = array<i32>} : memref<128x64xf32, #tpu.memory_space<vmem>>, vector<16xf32>,
          tpu.vector_store %arg21[%swap3A_277, %swap3A_278], %get3A_276 {strides = array<i32>} : memref<128x64xf32, #tpu.memory_space<vmem>>, vector<16xf32>,
        }
        %scan3A_215 = arith.constant 128 : i32
        %add3A_216 = arith.constant 1 : i32
        %add3A_217 = arith.addi %while3A_197, %add3A_216 : i32
        %lt3A = arith.cmpi slt, %add3A_217, %select_n3A_152 : i32
        %convert_element_type3A_218 = arith.extui %lt3A : i1 to i32
        %cond3A_219 = arith.constant 0 : i32
        %cond3A_220 = arith.cmpi ne, %convert_element_type3A_218, %cond3A_219 : i32
        scf.if %cond3A_220 {
          %add3A_233 = arith.constant 1 : i32
          %add3A_234 = arith.addi %while3A_197, %add3A_233 : i32
          %dma_start3A_235 = arith.constant 0 : i32
          %dma_start3A_236 = tpu.memref_slice %arg15[%add3A_234, %dma_start3A_235] : memref<51x128xi32, #tpu.memory_space<vmem>> -> memref<1x128xi32, #tpu.memory_space<vmem>>
          %dma_start3A_237 = tpu.memref_squeeze %dma_start3A_236 : memref<1x128xi32, #tpu.memory_space<vmem>> -> memref<128xi32, #tpu.memory_space<vmem>>
          %dma_start3A_238 = arith.constant 0 : i32
          %dma_start3A_239 = arith.constant 0 : i32
          %dma_start3A_240 = tpu.memref_slice %arg3[%dma_start3A_238, %dma_start3A_239] : memref<20000x128xf32, #tpu.memory_space<hbm>> -> memref<20000x128xf32, #tpu.memory_space<hbm>>
          tpu.enqueue_indirect_dma source(%dma_start3A_240 : memref<20000x128xf32, #tpu.memory_space<hbm>>) target(%arg17 : memref<128x128xf32, #tpu.memory_space<vmem>>) offsets(%dma_start3A_237 : memref<128xi32, #tpu.memory_space<vmem>>) semaphore(%arg24 : memref<!tpu.dma_semaphore, #tpu.memory_space<semaphore_mem>>)
        } else {
        }
        %dma_start3A_221 = arith.constant 0 : i32
        %dma_start3A_222 = tpu.memref_slice %arg16[%while3A_197, %dma_start3A_221] : memref<51x128xi32, #tpu.memory_space<vmem>> -> memref<1x128xi32, #tpu.memory_space<vmem>>
        %dma_start3A_223 = tpu.memref_squeeze %dma_start3A_222 : memref<1x128xi32, #tpu.memory_space<vmem>> -> memref<128xi32, #tpu.memory_space<vmem>>
        %dma_start3A_224 = arith.constant 0 : i32
        %dma_start3A_225 = arith.constant 0 : i32
        %dma_start3A_226 = tpu.memref_slice %arg6[%dma_start3A_224, %dma_start3A_225] : memref<208896x64xf32, #tpu.memory_space<hbm>> -> memref<208896x64xf32, #tpu.memory_space<hbm>>
        tpu.enqueue_indirect_dma source(%arg20 : memref<128x64xf32, #tpu.memory_space<vmem>>) target(%dma_start3A_226 : memref<208896x64xf32, #tpu.memory_space<hbm>>) offsets(%dma_start3A_223 : memref<128xi32, #tpu.memory_space<vmem>>) semaphore(%arg25 : memref<!tpu.dma_semaphore, #tpu.memory_space<semaphore_mem>>)
        %dma_start3A_227 = arith.constant 0 : i32
        %dma_start3A_228 = tpu.memref_slice %arg16[%while3A_197, %dma_start3A_227] : memref<51x128xi32, #tpu.memory_space<vmem>> -> memref<1x128xi32, #tpu.memory_space<vmem>>
        %dma_start3A_229 = tpu.memref_squeeze %dma_start3A_228 : memref<1x128xi32, #tpu.memory_space<vmem>> -> memref<128xi32, #tpu.memory_space<vmem>>
        %dma_start3A_230 = arith.constant 0 : i32
        %dma_start3A_231 = arith.constant 0 : i32
        %dma_start3A_232 = tpu.memref_slice %arg7[%dma_start3A_230, %dma_start3A_231] : memref<208896x64xf32, #tpu.memory_space<hbm>> -> memref<208896x64xf32, #tpu.memory_space<hbm>>
        tpu.enqueue_indirect_dma source(%arg21 : memref<128x64xf32, #tpu.memory_space<vmem>>) target(%dma_start3A_232 : memref<208896x64xf32, #tpu.memory_space<hbm>>) offsets(%dma_start3A_229 : memref<128xi32, #tpu.memory_space<vmem>>) semaphore(%arg25 : memref<!tpu.dma_semaphore, #tpu.memory_space<semaphore_mem>>)
      }
      %while3A_183 = arith.constant 1 : i32
      scf.for %while3A_197 = %while3A_181 to %while3A_177 step %while3A_183  : i32 {
        %dma_wait3A_198 = arith.constant 0 : i32
        %dma_wait3A_199 = arith.constant 0 : i32
        %dma_wait3A_200 = tpu.memref_slice %arg15[%dma_wait3A_198, %dma_wait3A_199] : memref<51x128xi32, #tpu.memory_space<vmem>> -> memref<1x128xi32, #tpu.memory_space<vmem>>
        %dma_wait3A_201 = tpu.memref_squeeze %dma_wait3A_200 : memref<1x128xi32, #tpu.memory_space<vmem>> -> memref<128xi32, #tpu.memory_space<vmem>>
        %dma_wait3A_202 = arith.constant 0 : i32
        %dma_wait3A_203 = arith.constant 0 : i32
        %dma_wait3A_204 = tpu.memref_slice %arg3[%dma_wait3A_202, %dma_wait3A_203] : memref<20000x128xf32, #tpu.memory_space<hbm>> -> memref<20000x128xf32, #tpu.memory_space<hbm>>
        tpu.wait_indirect_dma semaphore(%arg24 : memref<!tpu.dma_semaphore, #tpu.memory_space<semaphore_mem>>) src(%dma_wait3A_204 : memref<20000x128xf32, #tpu.memory_space<hbm>>) dst(%arg17 : memref<128x128xf32, #tpu.memory_space<vmem>>)
        %gt3A_205 = arith.constant 0 : i32
        %gt3A_206 = arith.cmpi sgt, %while3A_197, %gt3A_205 : i32
        %convert_element_type3A_207 = arith.extui %gt3A_206 : i1 to i32
        %cond3A_208 = arith.constant 0 : i32
        %cond3A_209 = arith.cmpi ne, %convert_element_type3A_207, %cond3A_208 : i32
        scf.if %cond3A_209 {
          %dma_wait3A_233 = arith.constant 0 : i32
          %dma_wait3A_234 = arith.constant 0 : i32
          %dma_wait3A_235 = tpu.memref_slice %arg16[%dma_wait3A_233, %dma_wait3A_234] : memref<51x128xi32, #tpu.memory_space<vmem>> -> memref<1x128xi32, #tpu.memory_space<vmem>>
          %dma_wait3A_236 = tpu.memref_squeeze %dma_wait3A_235 : memref<1x128xi32, #tpu.memory_space<vmem>> -> memref<128xi32, #tpu.memory_space<vmem>>
          %dma_wait3A_237 = arith.constant 0 : i32
          %dma_wait3A_238 = arith.constant 0 : i32
          %dma_wait3A_239 = tpu.memref_slice %arg6[%dma_wait3A_237, %dma_wait3A_238] : memref<208896x64xf32, #tpu.memory_space<hbm>> -> memref<208896x64xf32, #tpu.memory_space<hbm>>
          tpu.wait_indirect_dma semaphore(%arg25 : memref<!tpu.dma_semaphore, #tpu.memory_space<semaphore_mem>>) src(%arg20 : memref<128x64xf32, #tpu.memory_space<vmem>>) dst(%dma_wait3A_239 : memref<208896x64xf32, #tpu.memory_space<hbm>>)
          %dma_wait3A_240 = arith.constant 0 : i32
          %dma_wait3A_241 = arith.constant 0 : i32
          %dma_wait3A_242 = tpu.memref_slice %arg16[%dma_wait3A_240, %dma_wait3A_241] : memref<51x128xi32, #tpu.memory_space<vmem>> -> memref<1x128xi32, #tpu.memory_space<vmem>>
          %dma_wait3A_243 = tpu.memref_squeeze %dma_wait3A_242 : memref<1x128xi32, #tpu.memory_space<vmem>> -> memref<128xi32, #tpu.memory_space<vmem>>
          %dma_wait3A_244 = arith.constant 0 : i32
          %dma_wait3A_245 = arith.constant 0 : i32
          %dma_wait3A_246 = tpu.memref_slice %arg7[%dma_wait3A_244, %dma_wait3A_245] : memref<208896x64xf32, #tpu.memory_space<hbm>> -> memref<208896x64xf32, #tpu.memory_space<hbm>>
          tpu.wait_indirect_dma semaphore(%arg25 : memref<!tpu.dma_semaphore, #tpu.memory_space<semaphore_mem>>) src(%arg21 : memref<128x64xf32, #tpu.memory_space<vmem>>) dst(%dma_wait3A_246 : memref<208896x64xf32, #tpu.memory_space<hbm>>)
        } else {
        }
        %scan3A_210 = arith.constant 0 : i32
        %scan3A_211 = arith.constant 0 : i32
        %scan3A_212 = arith.constant 128 : i32
        %scan3A_213 = arith.addi %scan3A_211, %scan3A_212 : i32
        %scan3A_214 = arith.constant 1 : i32
        scf.for %scan3A_233 = %scan3A_211 to %scan3A_213 step %scan3A_214  : i32 {
          %get3A = arith.index_cast %scan3A_233 : i32 to index
          %get3A_234 = arith.constant 0 : index
          %get3A_235 = tpu.vector_load %arg17[%get3A, %get3A_234] {strides = array<i32>} : memref<128x128xf32, #tpu.memory_space<vmem>>, vector<16xf32>,
          %swap3A = arith.index_cast %scan3A_233 : i32 to index
          %swap3A_236 = arith.constant 0 : index
          %swap3A_237 = tpu.vector_load %arg20[%swap3A, %swap3A_236] {strides = array<i32>} : memref<128x64xf32, #tpu.memory_space<vmem>>, vector<16xf32>,
          tpu.vector_store %arg20[%swap3A, %swap3A_236], %get3A_235 {strides = array<i32>} : memref<128x64xf32, #tpu.memory_space<vmem>>, vector<16xf32>,
          %get3A_238 = arith.index_cast %scan3A_233 : i32 to index
          %get3A_239 = arith.constant 16 : index
          %get3A_240 = tpu.vector_load %arg17[%get3A_238, %get3A_239] {strides = array<i32>} : memref<128x128xf32, #tpu.memory_space<vmem>>, vector<16xf32>,
          %swap3A_241 = arith.index_cast %scan3A_233 : i32 to index
          %swap3A_242 = arith.constant 16 : index
          %swap3A_243 = tpu.vector_load %arg20[%swap3A_241, %swap3A_242] {strides = array<i32>} : memref<128x64xf32, #tpu.memory_space<vmem>>, vector<16xf32>,
          tpu.vector_store %arg20[%swap3A_241, %swap3A_242], %get3A_240 {strides = array<i32>} : memref<128x64xf32, #tpu.memory_space<vmem>>, vector<16xf32>,
          %get3A_244 = arith.index_cast %scan3A_233 : i32 to index
          %get3A_245 = arith.constant 32 : index
          %get3A_246 = tpu.vector_load %arg17[%get3A_244, %get3A_245] {strides = array<i32>} : memref<128x128xf32, #tpu.memory_space<vmem>>, vector<16xf32>,
          %swap3A_247 = arith.index_cast %scan3A_233 : i32 to index
          %swap3A_248 = arith.constant 32 : index
          %swap3A_249 = tpu.vector_load %arg20[%swap3A_247, %swap3A_248] {strides = array<i32>} : memref<128x64xf32, #tpu.memory_space<vmem>>, vector<16xf32>,
          tpu.vector_store %arg20[%swap3A_247, %swap3A_248], %get3A_246 {strides = array<i32>} : memref<128x64xf32, #tpu.memory_space<vmem>>, vector<16xf32>,
          %get3A_250 = arith.index_cast %scan3A_233 : i32 to index
          %get3A_251 = arith.constant 48 : index
          %get3A_252 = tpu.vector_load %arg17[%get3A_250, %get3A_251] {strides = array<i32>} : memref<128x128xf32, #tpu.memory_space<vmem>>, vector<16xf32>,
          %swap3A_253 = arith.index_cast %scan3A_233 : i32 to index
          %swap3A_254 = arith.constant 48 : index
          %swap3A_255 = tpu.vector_load %arg20[%swap3A_253, %swap3A_254] {strides = array<i32>} : memref<128x64xf32, #tpu.memory_space<vmem>>, vector<16xf32>,
          tpu.vector_store %arg20[%swap3A_253, %swap3A_254], %get3A_252 {strides = array<i32>} : memref<128x64xf32, #tpu.memory_space<vmem>>, vector<16xf32>,
          %get3A_256 = arith.index_cast %scan3A_233 : i32 to index
          %get3A_257 = arith.constant 64 : index
          %get3A_258 = tpu.vector_load %arg17[%get3A_256, %get3A_257] {strides = array<i32>} : memref<128x128xf32, #tpu.memory_space<vmem>>, vector<16xf32>,
          %swap3A_259 = arith.index_cast %scan3A_233 : i32 to index
          %swap3A_260 = arith.constant 0 : index
          %swap3A_261 = tpu.vector_load %arg21[%swap3A_259, %swap3A_260] {strides = array<i32>} : memref<128x64xf32, #tpu.memory_space<vmem>>, vector<16xf32>,
          tpu.vector_store %arg21[%swap3A_259, %swap3A_260], %get3A_258 {strides = array<i32>} : memref<128x64xf32, #tpu.memory_space<vmem>>, vector<16xf32>,
          %get3A_262 = arith.index_cast %scan3A_233 : i32 to index
          %get3A_263 = arith.constant 80 : index
          %get3A_264 = tpu.vector_load %arg17[%get3A_262, %get3A_263] {strides = array<i32>} : memref<128x128xf32, #tpu.memory_space<vmem>>, vector<16xf32>,
          %swap3A_265 = arith.index_cast %scan3A_233 : i32 to index
          %swap3A_266 = arith.constant 16 : index
          %swap3A_267 = tpu.vector_load %arg21[%swap3A_265, %swap3A_266] {strides = array<i32>} : memref<128x64xf32, #tpu.memory_space<vmem>>, vector<16xf32>,
          tpu.vector_store %arg21[%swap3A_265, %swap3A_266], %get3A_264 {strides = array<i32>} : memref<128x64xf32, #tpu.memory_space<vmem>>, vector<16xf32>,
          %get3A_268 = arith.index_cast %scan3A_233 : i32 to index
          %get3A_269 = arith.constant 96 : index
          %get3A_270 = tpu.vector_load %arg17[%get3A_268, %get3A_269] {strides = array<i32>} : memref<128x128xf32, #tpu.memory_space<vmem>>, vector<16xf32>,
          %swap3A_271 = arith.index_cast %scan3A_233 : i32 to index
          %swap3A_272 = arith.constant 32 : index
          %swap3A_273 = tpu.vector_load %arg21[%swap3A_271, %swap3A_272] {strides = array<i32>} : memref<128x64xf32, #tpu.memory_space<vmem>>, vector<16xf32>,
          tpu.vector_store %arg21[%swap3A_271, %swap3A_272], %get3A_270 {strides = array<i32>} : memref<128x64xf32, #tpu.memory_space<vmem>>, vector<16xf32>,
          %get3A_274 = arith.index_cast %scan3A_233 : i32 to index
          %get3A_275 = arith.constant 112 : index
          %get3A_276 = tpu.vector_load %arg17[%get3A_274, %get3A_275] {strides = array<i32>} : memref<128x128xf32, #tpu.memory_space<vmem>>, vector<16xf32>,
          %swap3A_277 = arith.index_cast %scan3A_233 : i32 to index
          %swap3A_278 = arith.constant 48 : index
          %swap3A_279 = tpu.vector_load %arg21[%swap3A_277, %swap3A_278] {strides = array<i32>} : memref<128x64xf32, #tpu.memory_space<vmem>>, vector<16xf32>,
          tpu.vector_store %arg21[%swap3A_277, %swap3A_278], %get3A_276 {strides = array<i32>} : memref<128x64xf32, #tpu.memory_space<vmem>>, vector<16xf32>,
        }
        %scan3A_215 = arith.constant 128 : i32
        %add3A_216 = arith.constant 1 : i32
        %add3A_217 = arith.addi %while3A_197, %add3A_216 : i32
        %lt3A = arith.cmpi slt, %add3A_217, %select_n3A_152 : i32
        %convert_element_type3A_218 = arith.extui %lt3A : i1 to i32
        %cond3A_219 = arith.constant 0 : i32
        %cond3A_220 = arith.cmpi ne, %convert_element_type3A_218, %cond3A_219 : i32
        scf.if %cond3A_220 {
          %add3A_233 = arith.constant 1 : i32
          %add3A_234 = arith.addi %while3A_197, %add3A_233 : i32
          %dma_start3A_235 = arith.constant 0 : i32
          %dma_start3A_236 = tpu.memref_slice %arg15[%add3A_234, %dma_start3A_235] : memref<51x128xi32, #tpu.memory_space<vmem>> -> memref<1x128xi32, #tpu.memory_space<vmem>>
          %dma_start3A_237 = tpu.memref_squeeze %dma_start3A_236 : memref<1x128xi32, #tpu.memory_space<vmem>> -> memref<128xi32, #tpu.memory_space<vmem>>
          %dma_start3A_238 = arith.constant 0 : i32
          %dma_start3A_239 = arith.constant 0 : i32
          %dma_start3A_240 = tpu.memref_slice %arg3[%dma_start3A_238, %dma_start3A_239] : memref<20000x128xf32, #tpu.memory_space<hbm>> -> memref<20000x128xf32, #tpu.memory_space<hbm>>
          tpu.enqueue_indirect_dma source(%dma_start3A_240 : memref<20000x128xf32, #tpu.memory_space<hbm>>) target(%arg17 : memref<128x128xf32, #tpu.memory_space<vmem>>) offsets(%dma_start3A_237 : memref<128xi32, #tpu.memory_space<vmem>>) semaphore(%arg24 : memref<!tpu.dma_semaphore, #tpu.memory_space<semaphore_mem>>)
        } else {
        }
        %dma_start3A_221 = arith.constant 0 : i32
        %dma_start3A_222 = tpu.memref_slice %arg16[%while3A_197, %dma_start3A_221] : memref<51x128xi32, #tpu.memory_space<vmem>> -> memref<1x128xi32, #tpu.memory_space<vmem>>
        %dma_start3A_223 = tpu.memref_squeeze %dma_start3A_222 : memref<1x128xi32, #tpu.memory_space<vmem>> -> memref<128xi32, #tpu.memory_space<vmem>>
        %dma_start3A_224 = arith.constant 0 : i32
        %dma_start3A_225 = arith.constant 0 : i32
        %dma_start3A_226 = tpu.memref_slice %arg6[%dma_start3A_224, %dma_start3A_225] : memref<208896x64xf32, #tpu.memory_space<hbm>> -> memref<208896x64xf32, #tpu.memory_space<hbm>>
        tpu.enqueue_indirect_dma source(%arg20 : memref<128x64xf32, #tpu.memory_space<vmem>>) target(%dma_start3A_226 : memref<208896x64xf32, #tpu.memory_space<hbm>>) offsets(%dma_start3A_223 : memref<128xi32, #tpu.memory_space<vmem>>) semaphore(%arg25 : memref<!tpu.dma_semaphore, #tpu.memory_space<semaphore_mem>>)
        %dma_start3A_227 = arith.constant 0 : i32
        %dma_start3A_228 = tpu.memref_slice %arg16[%while3A_197, %dma_start3A_227] : memref<51x128xi32, #tpu.memory_space<vmem>> -> memref<1x128xi32, #tpu.memory_space<vmem>>
        %dma_start3A_229 = tpu.memref_squeeze %dma_start3A_228 : memref<1x128xi32, #tpu.memory_space<vmem>> -> memref<128xi32, #tpu.memory_space<vmem>>
        %dma_start3A_230 = arith.constant 0 : i32
        %dma_start3A_231 = arith.constant 0 : i32
        %dma_start3A_232 = tpu.memref_slice %arg7[%dma_start3A_230, %dma_start3A_231] : memref<208896x64xf32, #tpu.memory_space<hbm>> -> memref<208896x64xf32, #tpu.memory_space<hbm>>
        tpu.enqueue_indirect_dma source(%arg21 : memref<128x64xf32, #tpu.memory_space<vmem>>) target(%dma_start3A_232 : memref<208896x64xf32, #tpu.memory_space<hbm>>) offsets(%dma_start3A_229 : memref<128xi32, #tpu.memory_space<vmem>>) semaphore(%arg25 : memref<!tpu.dma_semaphore, #tpu.memory_space<semaphore_mem>>)
      }
      %dma_wait3A = arith.constant 0 : i32
      %dma_wait3A_184 = arith.constant 0 : i32
      %dma_wait3A_185 = tpu.memref_slice %arg16[%dma_wait3A, %dma_wait3A_184] : memref<51x128xi32, #tpu.memory_space<vmem>> -> memref<1x128xi32, #tpu.memory_space<vmem>>
      %dma_wait3A_186 = tpu.memref_squeeze %dma_wait3A_185 : memref<1x128xi32, #tpu.memory_space<vmem>> -> memref<128xi32, #tpu.memory_space<vmem>>
      %dma_wait3A_187 = arith.constant 0 : i32
      %dma_wait3A_188 = arith.constant 0 : i32
      %dma_wait3A_189 = tpu.memref_slice %arg6[%dma_wait3A_187, %dma_wait3A_188] : memref<208896x64xf32, #tpu.memory_space<hbm>> -> memref<208896x64xf32, #tpu.memory_space<hbm>>
      tpu.wait_indirect_dma semaphore(%arg25 : memref<!tpu.dma_semaphore, #tpu.memory_space<semaphore_mem>>) src(%arg20 : memref<128x64xf32, #tpu.memory_space<vmem>>) dst(%dma_wait3A_189 : memref<208896x64xf32, #tpu.memory_space<hbm>>)
      %dma_wait3A_190 = arith.constant 0 : i32
      %dma_wait3A_191 = arith.constant 0 : i32
      %dma_wait3A_192 = tpu.memref_slice %arg16[%dma_wait3A_190, %dma_wait3A_191] : memref<51x128xi32, #tpu.memory_space<vmem>> -> memref<1x128xi32, #tpu.memory_space<vmem>>
      %dma_wait3A_193 = tpu.memref_squeeze %dma_wait3A_192 : memref<1x128xi32, #tpu.memory_space<vmem>> -> memref<128xi32, #tpu.memory_space<vmem>>
      %dma_wait3A_194 = arith.constant 0 : i32
      %dma_wait3A_195 = arith.constant 0 : i32
      %dma_wait3A_196 = tpu.memref_slice %arg7[%dma_wait3A_194, %dma_wait3A_195] : memref<208896x64xf32, #tpu.memory_space<hbm>> -> memref<208896x64xf32, #tpu.memory_space<hbm>>
      tpu.wait_indirect_dma semaphore(%arg25 : memref<!tpu.dma_semaphore, #tpu.memory_space<semaphore_mem>>) src(%arg21 : memref<128x64xf32, #tpu.memory_space<vmem>>) dst(%dma_wait3A_196 : memref<208896x64xf32, #tpu.memory_space<hbm>>)
    } else {
    }
    return
  }
}

module attributes {stable_mosaic.version = 14 : i64} {
  func.func @_tc_body(%arg0: i32, %arg1: memref<2x16x128xi32, #tpu.memory_space<vmem>>, %arg2: memref<2048x128xf32, #tpu.memory_space<vmem>>, %arg3: memref<2048x128xf32, #tpu.memory_space<vmem>>, %arg4: memref<64x128xf32, #tpu.memory_space<vmem>>, %arg5: memref<64x128xf32, #tpu.memory_space<vmem>>, %arg6: memref<2x2048x128xf32, #tpu.memory_space<vmem>>) attributes {dimension_semantics = [#tpu.dimension_semantics<arbitrary>], iteration_bounds = array<i64: 50>, scalar_prefetch = 0 : i64, scratch_operands = 0 : i64, tpu.core_type = #tpu.core_type<tc>, window_params = [{transform_indices = @transform_0, window_bounds = array<i64: 2, 16, 128>}, {transform_indices = @transform_1, window_bounds = array<i64: 2048, 128>}, {transform_indices = @transform_2, window_bounds = array<i64: 2048, 128>}, {pipeline_mode = #tpu.pipeline_mode<synchronous>, transform_indices = @transform_3, window_bounds = array<i64: 64, 128>}, {pipeline_mode = #tpu.pipeline_mode<synchronous>, transform_indices = @transform_4, window_bounds = array<i64: 64, 128>}, {transform_indices = @transform_5, window_bounds = array<i64: 2, 2048, 128>}]} {
    %get3A = arith.constant 0 : index
    %get3A_0 = arith.constant 0 : index
    %get3A_1 = vector.load %arg2[%get3A, %get3A_0] : memref<2048x128xf32, #tpu.memory_space<vmem>>, vector<2048x128xf32>
    %get3A_2 = arith.constant 0 : index
    %get3A_3 = arith.constant 0 : index
    %get3A_4 = vector.load %arg3[%get3A_2, %get3A_3] : memref<2048x128xf32, #tpu.memory_space<vmem>>, vector<2048x128xf32>
    %get3A_5 = arith.constant 0 : index
    %get3A_6 = arith.constant 0 : index
    %get3A_7 = vector.load %arg4[%get3A_5, %get3A_6] : memref<64x128xf32, #tpu.memory_space<vmem>>, vector<64x128xf32>
    %get3A_8 = arith.constant 0 : index
    %get3A_9 = arith.constant 0 : index
    %get3A_10 = vector.load %arg5[%get3A_8, %get3A_9] : memref<64x128xf32, #tpu.memory_space<vmem>>, vector<64x128xf32>
    %iota3A = tpu.iota {dimensions = array<i32: 0>} : vector<2048x16xi32>
    %jit3A = arith.constant 128 : i32
    %div3A = vector.broadcast %jit3A : i32 to vector<2048x16xi32>
    %div3A_11 = arith.divsi %iota3A, %div3A : vector<2048x16xi32>
    %sign3A = arith.constant 0 : i32
    %sign3A_12 = vector.broadcast %sign3A : i32 to vector<2048x16xi32>
    %sign3A_13 = arith.cmpi sgt, %iota3A, %sign3A_12 : vector<2048x16xi32>
    %sign3A_14 = arith.extui %sign3A_13 : vector<2048x16xi1> to vector<2048x16xi32>
    %sign3A_15 = arith.constant 0 : i32
    %sign3A_16 = vector.broadcast %sign3A_15 : i32 to vector<2048x16xi32>
    %sign3A_17 = arith.cmpi slt, %iota3A, %sign3A_16 : vector<2048x16xi32>
    %sign3A_18 = arith.extui %sign3A_17 : vector<2048x16xi1> to vector<2048x16xi32>
    %sign3A_19 = arith.subi %sign3A_14, %sign3A_18 : vector<2048x16xi32>
    %sign3A_20 = arith.constant 0 : i32
    %sign3A_21 = arith.cmpi sgt, %jit3A, %sign3A_20 : i32
    %sign3A_22 = arith.extui %sign3A_21 : i1 to i32
    %sign3A_23 = arith.constant 0 : i32
    %sign3A_24 = arith.cmpi slt, %jit3A, %sign3A_23 : i32
    %sign3A_25 = arith.extui %sign3A_24 : i1 to i32
    %sign3A_26 = arith.subi %sign3A_22, %sign3A_25 : i32
    %ne3A = vector.broadcast %sign3A_26 : i32 to vector<2048x16xi32>
    %ne3A_27 = arith.cmpi ne, %sign3A_19, %ne3A : vector<2048x16xi32>
    %rem3A = vector.broadcast %jit3A : i32 to vector<2048x16xi32>
    %rem3A_28 = arith.remsi %iota3A, %rem3A : vector<2048x16xi32>
    %ne3A_29 = arith.constant 0 : i32
    %ne3A_30 = vector.broadcast %ne3A_29 : i32 to vector<2048x16xi32>
    %ne3A_31 = arith.cmpi ne, %rem3A_28, %ne3A_30 : vector<2048x16xi32>
    %and3A = arith.andi %ne3A_27, %ne3A_31 : vector<2048x16xi1>
    %sub3A = arith.constant 1 : i32
    %sub3A_32 = vector.broadcast %sub3A : i32 to vector<2048x16xi32>
    %sub3A_33 = arith.subi %div3A_11, %sub3A_32 : vector<2048x16xi32>
    %select_n3A = arith.select %and3A, %sub3A_33, %div3A_11 : vector<2048x16xi1>, vector<2048x16xi32>
    %iota3A_34 = tpu.iota {dimensions = array<i32: 1>} : vector<2048x16xi32>
    %eq3A = arith.cmpi eq, %select_n3A, %iota3A_34 : vector<2048x16xi32>
    %convert_element_type3A = arith.extui %eq3A : vector<2048x16xi1> to vector<2048x16xi32>
    %convert_element_type3A_35 = arith.sitofp %convert_element_type3A : vector<2048x16xi32> to vector<2048x16xf32>
    %iota3A_36 = tpu.iota {dimensions = array<i32: 1>} : vector<2048x128xi32>
    %iota3A_37 = tpu.iota {dimensions = array<i32: 0>} : vector<2048x128xi32>
    %jit3A_38 = arith.constant 128 : i32
    %eq3A_39 = arith.constant 0 : i32
    %eq3A_40 = arith.cmpi eq, %jit3A_38, %eq3A_39 : i32
    %jit3A_41 = arith.constant 1 : i32
    %select_n3A_42 = arith.select %eq3A_40, %jit3A_41, %jit3A_38 : i32
    %rem3A_43 = vector.broadcast %select_n3A_42 : i32 to vector<2048x128xi32>
    %rem3A_44 = arith.remsi %iota3A_37, %rem3A_43 : vector<2048x128xi32>
    %ne3A_45 = arith.constant 0 : i32
    %ne3A_46 = vector.broadcast %ne3A_45 : i32 to vector<2048x128xi32>
    %ne3A_47 = arith.cmpi ne, %rem3A_44, %ne3A_46 : vector<2048x128xi32>
    %lt3A = arith.constant 0 : i32
    %lt3A_48 = vector.broadcast %lt3A : i32 to vector<2048x128xi32>
    %lt3A_49 = arith.cmpi slt, %rem3A_44, %lt3A_48 : vector<2048x128xi32>
    %lt3A_50 = arith.constant 0 : i32
    %lt3A_51 = arith.cmpi slt, %select_n3A_42, %lt3A_50 : i32
    %ne3A_52 = vector.broadcast %lt3A_51 : i1 to vector<2048x128xi1>
    %ne3A_53 = vector.broadcast %ne3A_52 : vector<2048x128xi1> to vector<2048x128xi1>
    %ne3A_54 = arith.xori %lt3A_49, %ne3A_53 : vector<2048x128xi1>
    %and3A_55 = arith.andi %ne3A_54, %ne3A_47 : vector<2048x128xi1>
    %add3A = vector.broadcast %select_n3A_42 : i32 to vector<2048x128xi32>
    %add3A_56 = arith.addi %rem3A_44, %add3A : vector<2048x128xi32>
    %select_n3A_57 = arith.select %and3A_55, %add3A_56, %rem3A_44 : vector<2048x128xi1>, vector<2048x128xi32>
    %eq3A_58 = arith.cmpi eq, %iota3A_36, %select_n3A_57 : vector<2048x128xi32>
    %convert_element_type3A_59 = arith.extui %eq3A_58 : vector<2048x128xi1> to vector<2048x128xi32>
    %convert_element_type3A_60 = arith.sitofp %convert_element_type3A_59 : vector<2048x128xi32> to vector<2048x128xf32>
    %slice3A = vector.extract_strided_slice %get3A_1 {offsets = [0, 0], sizes = [2048, 64], strides = [1, 1]} : vector<2048x128xf32> to vector<2048x64xf32>
    %dot_general3A = arith.constant dense<0.000000e+00> : vector<2048x128xf32>
    %dot_general3A_61 = tpu.matmul %slice3A, %get3A_7, %dot_general3A {dimension_numbers = #tpu.dot_dimension_numbers<[1], [0], [0], [1], [0, 0, 1, 1], [], []>, transpose_lhs_hint = false} : vector<2048x64xf32>, vector<64x128xf32>, vector<2048x128xf32> -> vector<2048x128xf32>
    %slice3A_62 = vector.extract_strided_slice %get3A_4 {offsets = [0, 0], sizes = [2048, 64], strides = [1, 1]} : vector<2048x128xf32> to vector<2048x64xf32>
    %dot_general3A_63 = arith.constant dense<0.000000e+00> : vector<2048x128xf32>
    %dot_general3A_64 = tpu.matmul %slice3A_62, %get3A_10, %dot_general3A_63 {dimension_numbers = #tpu.dot_dimension_numbers<[1], [0], [0], [1], [0, 0, 1, 1], [], []>, transpose_lhs_hint = false} : vector<2048x64xf32>, vector<64x128xf32>, vector<2048x128xf32> -> vector<2048x128xf32>
    %slice3A_65 = vector.extract_strided_slice %get3A_1 {offsets = [0, 0], sizes = [2048, 64], strides = [1, 1]} : vector<2048x128xf32> to vector<2048x64xf32>
    %slice3A_66 = vector.extract_strided_slice %get3A_4 {offsets = [0, 0], sizes = [2048, 64], strides = [1, 1]} : vector<2048x128xf32> to vector<2048x64xf32>
    %concatenate3A = tpu.concatenate %slice3A_65, %slice3A_66 in 1 : vector<2048x64xf32>, vector<2048x64xf32> -> vector<2048x128xf32>
    %get3A_67 = arith.constant 0 : index
    %get3A_68 = arith.constant 0 : index
    %get3A_69 = arith.constant 0 : index
    %get3A_70 = vector.load %arg1[%get3A_67, %get3A_68, %get3A_69] : memref<2x16x128xi32, #tpu.memory_space<vmem>>, vector<1x16x128xi32>
    %get3A_71 = vector.shape_cast %get3A_70 : vector<1x16x128xi32> to vector<16x128xi32>
    %lt3A_72 = arith.constant 20000 : i32
    %lt3A_73 = vector.broadcast %lt3A_72 : i32 to vector<16x128xi32>
    %lt3A_74 = arith.cmpi slt, %get3A_71, %lt3A_73 : vector<16x128xi32>
    %convert_element_type3A_75 = arith.extui %lt3A_74 : vector<16x128xi1> to vector<16x128xi32>
    %convert_element_type3A_76 = arith.sitofp %convert_element_type3A_75 : vector<16x128xi32> to vector<16x128xf32>
    %lt3A_77 = arith.constant 100000 : i32
    %lt3A_78 = vector.broadcast %lt3A_77 : i32 to vector<16x128xi32>
    %lt3A_79 = arith.cmpi slt, %get3A_71, %lt3A_78 : vector<16x128xi32>
    %convert_element_type3A_80 = arith.extui %lt3A_79 : vector<16x128xi1> to vector<16x128xi32>
    %convert_element_type3A_81 = arith.sitofp %convert_element_type3A_80 : vector<16x128xi32> to vector<16x128xf32>
    %dot_general3A_82 = arith.constant dense<0.000000e+00> : vector<2048x128xf32>
    %dot_general3A_83 = tpu.matmul %convert_element_type3A_35, %convert_element_type3A_76, %dot_general3A_82 {dimension_numbers = #tpu.dot_dimension_numbers<[1], [0], [0], [1], [0, 0, 1, 1], [], []>, transpose_lhs_hint = false} : vector<2048x16xf32>, vector<16x128xf32>, vector<2048x128xf32> -> vector<2048x128xf32>
    %dot_general3A_84 = arith.constant dense<0.000000e+00> : vector<2048x128xf32>
    %dot_general3A_85 = tpu.matmul %convert_element_type3A_35, %convert_element_type3A_81, %dot_general3A_84 {dimension_numbers = #tpu.dot_dimension_numbers<[1], [0], [0], [1], [0, 0, 1, 1], [], []>, transpose_lhs_hint = false} : vector<2048x16xf32>, vector<16x128xf32>, vector<2048x128xf32> -> vector<2048x128xf32>
    %mul3A = arith.mulf %dot_general3A_83, %convert_element_type3A_60 : vector<2048x128xf32>
    %reduce_sum3A = arith.constant dense<0.000000e+00> : vector<2048xf32>
    %reduce_sum3A_86 = vector.multi_reduction <add>, %mul3A, %reduce_sum3A [1] : vector<2048x128xf32> to vector<2048xf32>
    %broadcast_in_dim3A = vector.shape_cast %reduce_sum3A_86 : vector<2048xf32> to vector<2048x1xf32>
    %gt3A = arith.constant 5.000000e-01 : f32
    %gt3A_87 = vector.broadcast %gt3A : f32 to vector<2048x1xf32>
    %gt3A_88 = arith.cmpf ogt, %broadcast_in_dim3A, %gt3A_87 : vector<2048x1xf32>
    %mul3A_89 = arith.mulf %dot_general3A_85, %convert_element_type3A_60 : vector<2048x128xf32>
    %reduce_sum3A_90 = arith.constant dense<0.000000e+00> : vector<2048xf32>
    %reduce_sum3A_91 = vector.multi_reduction <add>, %mul3A_89, %reduce_sum3A_90 [1] : vector<2048x128xf32> to vector<2048xf32>
    %broadcast_in_dim3A_92 = vector.shape_cast %reduce_sum3A_91 : vector<2048xf32> to vector<2048x1xf32>
    %gt3A_93 = arith.constant 5.000000e-01 : f32
    %gt3A_94 = vector.broadcast %gt3A_93 : f32 to vector<2048x1xf32>
    %gt3A_95 = arith.cmpf ogt, %broadcast_in_dim3A_92, %gt3A_94 : vector<2048x1xf32>
    %broadcast_in_dim3A_96 = vector.shape_cast %gt3A_95 : vector<2048x1xi1> to vector<2048x1xi1>
    %broadcast_in_dim3A_97 = vector.broadcast %broadcast_in_dim3A_96 : vector<2048x1xi1> to vector<2048x128xi1>
    %select_n3A_98 = arith.select %broadcast_in_dim3A_97, %dot_general3A_61, %dot_general3A_64 : vector<2048x128xi1>, vector<2048x128xf32>
    %broadcast_in_dim3A_99 = vector.shape_cast %gt3A_88 : vector<2048x1xi1> to vector<2048x1xi1>
    %broadcast_in_dim3A_100 = vector.broadcast %broadcast_in_dim3A_99 : vector<2048x1xi1> to vector<2048x128xi1>
    %select_n3A_101 = arith.select %broadcast_in_dim3A_100, %concatenate3A, %select_n3A_98 : vector<2048x128xi1>, vector<2048x128xf32>
    %mul3A_102 = arith.constant 11.3137083 : f32
    %mul3A_103 = vector.broadcast %mul3A_102 : f32 to vector<2048x128xf32>
    %mul3A_104 = arith.mulf %select_n3A_101, %mul3A_103 : vector<2048x128xf32>
    %slice3A_105 = vector.extract_strided_slice %get3A_1 {offsets = [0, 64], sizes = [2048, 64], strides = [1, 1]} : vector<2048x128xf32> to vector<2048x64xf32>
    %dot_general3A_106 = arith.constant dense<0.000000e+00> : vector<2048x128xf32>
    %dot_general3A_107 = tpu.matmul %slice3A_105, %get3A_7, %dot_general3A_106 {dimension_numbers = #tpu.dot_dimension_numbers<[1], [0], [0], [1], [0, 0, 1, 1], [], []>, transpose_lhs_hint = false} : vector<2048x64xf32>, vector<64x128xf32>, vector<2048x128xf32> -> vector<2048x128xf32>
    %slice3A_108 = vector.extract_strided_slice %get3A_4 {offsets = [0, 64], sizes = [2048, 64], strides = [1, 1]} : vector<2048x128xf32> to vector<2048x64xf32>
    %dot_general3A_109 = arith.constant dense<0.000000e+00> : vector<2048x128xf32>
    %dot_general3A_110 = tpu.matmul %slice3A_108, %get3A_10, %dot_general3A_109 {dimension_numbers = #tpu.dot_dimension_numbers<[1], [0], [0], [1], [0, 0, 1, 1], [], []>, transpose_lhs_hint = false} : vector<2048x64xf32>, vector<64x128xf32>, vector<2048x128xf32> -> vector<2048x128xf32>
    %slice3A_111 = vector.extract_strided_slice %get3A_1 {offsets = [0, 64], sizes = [2048, 64], strides = [1, 1]} : vector<2048x128xf32> to vector<2048x64xf32>
    %slice3A_112 = vector.extract_strided_slice %get3A_4 {offsets = [0, 64], sizes = [2048, 64], strides = [1, 1]} : vector<2048x128xf32> to vector<2048x64xf32>
    %concatenate3A_113 = tpu.concatenate %slice3A_111, %slice3A_112 in 1 : vector<2048x64xf32>, vector<2048x64xf32> -> vector<2048x128xf32>
    %get3A_114 = arith.constant 1 : index
    %get3A_115 = arith.constant 0 : index
    %get3A_116 = arith.constant 0 : index
    %get3A_117 = vector.load %arg1[%get3A_114, %get3A_115, %get3A_116] : memref<2x16x128xi32, #tpu.memory_space<vmem>>, vector<1x16x128xi32>
    %get3A_118 = vector.shape_cast %get3A_117 : vector<1x16x128xi32> to vector<16x128xi32>
    %lt3A_119 = arith.constant 20000 : i32
    %lt3A_120 = vector.broadcast %lt3A_119 : i32 to vector<16x128xi32>
    %lt3A_121 = arith.cmpi slt, %get3A_118, %lt3A_120 : vector<16x128xi32>
    %convert_element_type3A_122 = arith.extui %lt3A_121 : vector<16x128xi1> to vector<16x128xi32>
    %convert_element_type3A_123 = arith.sitofp %convert_element_type3A_122 : vector<16x128xi32> to vector<16x128xf32>
    %lt3A_124 = arith.constant 100000 : i32
    %lt3A_125 = vector.broadcast %lt3A_124 : i32 to vector<16x128xi32>
    %lt3A_126 = arith.cmpi slt, %get3A_118, %lt3A_125 : vector<16x128xi32>
    %convert_element_type3A_127 = arith.extui %lt3A_126 : vector<16x128xi1> to vector<16x128xi32>
    %convert_element_type3A_128 = arith.sitofp %convert_element_type3A_127 : vector<16x128xi32> to vector<16x128xf32>
    %dot_general3A_129 = arith.constant dense<0.000000e+00> : vector<2048x128xf32>
    %dot_general3A_130 = tpu.matmul %convert_element_type3A_35, %convert_element_type3A_123, %dot_general3A_129 {dimension_numbers = #tpu.dot_dimension_numbers<[1], [0], [0], [1], [0, 0, 1, 1], [], []>, transpose_lhs_hint = false} : vector<2048x16xf32>, vector<16x128xf32>, vector<2048x128xf32> -> vector<2048x128xf32>
    %dot_general3A_131 = arith.constant dense<0.000000e+00> : vector<2048x128xf32>
    %dot_general3A_132 = tpu.matmul %convert_element_type3A_35, %convert_element_type3A_128, %dot_general3A_131 {dimension_numbers = #tpu.dot_dimension_numbers<[1], [0], [0], [1], [0, 0, 1, 1], [], []>, transpose_lhs_hint = false} : vector<2048x16xf32>, vector<16x128xf32>, vector<2048x128xf32> -> vector<2048x128xf32>
    %mul3A_133 = arith.mulf %dot_general3A_130, %convert_element_type3A_60 : vector<2048x128xf32>
    %reduce_sum3A_134 = arith.constant dense<0.000000e+00> : vector<2048xf32>
    %reduce_sum3A_135 = vector.multi_reduction <add>, %mul3A_133, %reduce_sum3A_134 [1] : vector<2048x128xf32> to vector<2048xf32>
    %broadcast_in_dim3A_136 = vector.shape_cast %reduce_sum3A_135 : vector<2048xf32> to vector<2048x1xf32>
    %gt3A_137 = arith.constant 5.000000e-01 : f32
    %gt3A_138 = vector.broadcast %gt3A_137 : f32 to vector<2048x1xf32>
    %gt3A_139 = arith.cmpf ogt, %broadcast_in_dim3A_136, %gt3A_138 : vector<2048x1xf32>
    %mul3A_140 = arith.mulf %dot_general3A_132, %convert_element_type3A_60 : vector<2048x128xf32>
    %reduce_sum3A_141 = arith.constant dense<0.000000e+00> : vector<2048xf32>
    %reduce_sum3A_142 = vector.multi_reduction <add>, %mul3A_140, %reduce_sum3A_141 [1] : vector<2048x128xf32> to vector<2048xf32>
    %broadcast_in_dim3A_143 = vector.shape_cast %reduce_sum3A_142 : vector<2048xf32> to vector<2048x1xf32>
    %gt3A_144 = arith.constant 5.000000e-01 : f32
    %gt3A_145 = vector.broadcast %gt3A_144 : f32 to vector<2048x1xf32>
    %gt3A_146 = arith.cmpf ogt, %broadcast_in_dim3A_143, %gt3A_145 : vector<2048x1xf32>
    %broadcast_in_dim3A_147 = vector.shape_cast %gt3A_146 : vector<2048x1xi1> to vector<2048x1xi1>
    %broadcast_in_dim3A_148 = vector.broadcast %broadcast_in_dim3A_147 : vector<2048x1xi1> to vector<2048x128xi1>
    %select_n3A_149 = arith.select %broadcast_in_dim3A_148, %dot_general3A_107, %dot_general3A_110 : vector<2048x128xi1>, vector<2048x128xf32>
    %broadcast_in_dim3A_150 = vector.shape_cast %gt3A_139 : vector<2048x1xi1> to vector<2048x1xi1>
    %broadcast_in_dim3A_151 = vector.broadcast %broadcast_in_dim3A_150 : vector<2048x1xi1> to vector<2048x128xi1>
    %select_n3A_152 = arith.select %broadcast_in_dim3A_151, %concatenate3A_113, %select_n3A_149 : vector<2048x128xi1>, vector<2048x128xf32>
    %mul3A_153 = arith.constant 11.3137083 : f32
    %mul3A_154 = vector.broadcast %mul3A_153 : f32 to vector<2048x128xf32>
    %mul3A_155 = arith.mulf %select_n3A_152, %mul3A_154 : vector<2048x128xf32>
    %stack3A = vector.shape_cast %mul3A_104 : vector<2048x128xf32> to vector<1x2048x128xf32>
    %stack3A_156 = vector.shape_cast %mul3A_155 : vector<2048x128xf32> to vector<1x2048x128xf32>
    %stack3A_157 = tpu.concatenate %stack3A, %stack3A_156 in 0 : vector<1x2048x128xf32>, vector<1x2048x128xf32> -> vector<2x2048x128xf32>
    %swap3A = arith.constant 0 : index
    %swap3A_158 = arith.constant 0 : index
    %swap3A_159 = arith.constant 0 : index
    %swap3A_160 = vector.load %arg6[%swap3A, %swap3A_158, %swap3A_159] : memref<2x2048x128xf32, #tpu.memory_space<vmem>>, vector<2x2048x128xf32>
    tpu.vector_store %arg6[%swap3A, %swap3A_158, %swap3A_159], %stack3A_157 {strides = array<i32>} : memref<2x2048x128xf32, #tpu.memory_space<vmem>>, vector<2x2048x128xf32>,
    return
  }
  func.func @transform_0(%arg0: i32) -> (i32, i32, i32) {
    %c0_i32 = arith.constant 0 : i32
    %c0_i32_0 = arith.constant 0 : i32
    %c0_i32_1 = arith.constant 0 : i32
    return %c0_i32, %arg0, %c0_i32_0 : i32, i32, i32
  }
  func.func @transform_1(%arg0: i32) -> (i32, i32) {
    %c0_i32 = arith.constant 0 : i32
    %c0_i32_0 = arith.constant 0 : i32
    return %arg0, %c0_i32 : i32, i32
  }
  func.func @transform_2(%arg0: i32) -> (i32, i32) {
    %c0_i32 = arith.constant 0 : i32
    %c0_i32_0 = arith.constant 0 : i32
    return %arg0, %c0_i32 : i32, i32
  }
  func.func @transform_3(%arg0: i32) -> (i32, i32) {
    %c0_i32 = arith.constant 0 : i32
    %c0_i32_0 = arith.constant 0 : i32
    %c0_i32_1 = arith.constant 0 : i32
    return %c0_i32, %c0_i32_0 : i32, i32
  }
  func.func @transform_4(%arg0: i32) -> (i32, i32) {
    %c0_i32 = arith.constant 0 : i32
    %c0_i32_0 = arith.constant 0 : i32
    %c0_i32_1 = arith.constant 0 : i32
    return %c0_i32, %c0_i32_0 : i32, i32
  }
  func.func @transform_5(%arg0: i32) -> (i32, i32, i32) {
    %c0_i32 = arith.constant 0 : i32
    %c0_i32_0 = arith.constant 0 : i32
    %c0_i32_1 = arith.constant 0 : i32
    return %c0_i32, %arg0, %c0_i32_0 : i32, i32, i32
  }
}

</mosaic_0001>

<sc_bundles>
// kernel: kernel.4.cloned.1.call-start
scs
__scs_entry_jumppad:
0x0: {  	(pc) =	sbr.rel $0x88, $3  }
0x1: {  	(tag) =	ssettag $0x0;
	lr =	simm.s32 $0x1  }
0x2: {  	[smem:$0x3F9B] =	sst lr;
	_ =	strace $0xD0000000  }
0x3: {  	_ = 	snop  }
0x4: {  	_ = 	snop  }
0x5: {  	_ = 	snop  }
0x6: {  	_ = 	snop  }
0x7: {  	_ = 	snop  }
__scs_overlays_trampoline_lowered:
0x8: {  	[smem:$0x3FAA] =	sst s0  }
0x9: {  	[smem:$0x3FAB] =	sst s1  }
0xa: {  	[smem:$0x3FAC] =	sst s2  }
0xb: {  	[smem:$0x3FAD] =	sst s3  }
0xc: {  	[smem:$0x3FAE] =	sst s4  }
0xd: {  	[smem:$0x3FAF] =	sst s5  }
0xe: {  	[smem:$0x3FB0] =	sst s6  }
0xf: {  	[smem:$0x3FB1] =	sst s7  }
0x10: {  	[smem:$0x3FB2] =	sst s8  }
0x11: {  	[smem:$0x3FB3] =	sst s9;
	s0 =	simm.s32 @!p0 $0x0  }
0x12: {  	s1 =	sld [smem:$0x3F99];
	s0 =	simm.s32 @p0 $0x1  }
0x13: {  	[smem:$0x3FB4] =	sst s0;
	s0 =	simm.s32 @!p1 $0x0  }
0x14: {  	s2 =	sld [smem:$0x3F98];
	s0 =	simm.s32 @p1 $0x1  }
0x15: {  	[smem:$0x3FB5] =	sst s0;
	s0 =	simm.s32 @!p2 $0x0  }
0x16: {  	s3 =	sld [smem:$0x3FDB];
	s0 =	simm.s32 @p2 $0x1  }
0x17: {  	s4 =	simm.s32 $0x1BF5;
	[smem:$0x3FB7] =	sst s0  }
0x18: {  	s0 =	sld [smem:$0x3F9A];
	_ =	swait.ge [sflag:s4], $0x0  }
0x19: {  	s7 =	sld [smem:$0x3F9B]  }
0x1a: {  	s8 =	sadd.s32 $0xFFFFE003, lr  }
0x1b: {  	s9 =	sadd.s32 $0xFFFFFEF7, lr;
	s5 =	simm.s32 $0xFFFFFFFF;
	p2 =	slt.u32 s8, $0xFFFFF086  }
0x1c: {  	p1 =	slt.u32 s9, $0xF7A;
	s5 =	simm.s32 @!p2 $0x0  }
0x1d: {  	s5 =	simm.s32 @p1 $0x1;
	p0 =	seq.s32 s7, s2  }
0x1e: {  	s7 =	smul.u32 @!p0 $0xF7A, s2;
	p2 =	seq.s32 @!p0 s5, $0x0  }
0x1f: {  	s9 =	smul.u32 $0xF7A, s1;
	s8 =	simm.s32 @!p0 $0x1BF5;
	p2 =	por !p2, p0  }
0x20: {  	[sflag:s8] =	ssyncset.s32 @!p0 $0xFFFFF086;
	s6 =	sadd.s32 @!p0 s3, s7;
	s7 =	simm.s32 @!p0 $0x108  }
0x21: {  	s3 =	sadd.s32 s3, s9;
	s6 =	sadd.s32 @!p0 $0x88, s6;
	s7 =	simm.s32 @p2 $0x1082  }
0x22: {  	[simem:s7], [sflag:s8] =	dma.local @!p0 [hbm:s6], $0xF7A  }
0x23: {  	s9 =	sor.u32 $0xD0000000, s2;
	s6 =	simm.s32 $0x108;
	_ =	swait.ge @!p0 [sflag:s8], $0x0  }
0x24: {  	s3 =	sadd.s32 $0x88, s3;
	s6 =	simm.s32 @!p1 $0x1082;
	[sflag:s4] =	ssyncset.s32 $0xFFFFF086  }
0x25: {  	[simem:s6], [sflag:s4] =	dma.local [hbm:s3], $0xF7A  }
0x26: {  	[smem:$0x3F9B] =	sst s1;
	(tag) =	ssettag s2;
	_ =	strace s9  }
0x27: {  	s1 =	sld [smem:$0x3FAB]  }
0x28: {  	s2 =	sld [smem:$0x3FAC]  }
0x29: {  	s4 =	sld [smem:$0x3FAE]  }
0x2a: {  	p0 =	seq.s32 s5, $0x0;
	s5 =	sld [smem:$0x3FAF]  }
0x2b: {  	s6 =	sld [smem:$0x3FB0]  }
0x2c: {  	s7 =	sld [smem:$0x3FB1]  }
0x2d: {  	s3 =	simm.s32 $0x108;
	s8 =	sld [smem:$0x3FB2]  }
0x2e: {  	s3 =	simm.s32 @!p0 $0x1082;
	s9 =	sld [smem:$0x3FB3]  }
0x2f: {  	lr =	sadd.s32 s0, s3;
	s0 =	sld [smem:$0x3FAA]  }
0x30: {  	s3 =	sld [smem:$0x3FAD]  }
0x31: {  	[smem:$0x3FB6] =	sst s10  }
0x32: {  	s10 =	sld [smem:$0x3FB4];
	_ =	sdelay $0x3  }
0x33: {  	p0 =	seq.s32 s10, $0x1;
	s10 =	sld [smem:$0x3FB6];
	_ =	sdelay $0x3  }
0x34: {  	[smem:$0x3FB6] =	sst s10  }
0x35: {  	s10 =	sld [smem:$0x3FB5];
	_ =	sdelay $0x3  }
0x36: {  	p1 =	seq.s32 s10, $0x1;
	s10 =	sld [smem:$0x3FB6];
	_ =	sdelay $0x3  }
0x37: {  	[smem:$0x3FB6] =	sst s10  }
0x38: {  	s10 =	sld [smem:$0x3FB7]  }
0x39: {  	_ = 	snop;
	(pc) =	sbr.ind lr, $3  }
0x3a: {  	_ = 	snop  }
0x3b: {  	_ = 	snop  }
0x3c: {  	p2 =	seq.s32 s10, $0x1;
	s10 =	sld [smem:$0x3FB6]  }
0x3d: {  	_ =	shalt  }
0x3e: {  	_ =	shalt  }
0x3f: {  	_ =	shalt  }
0x40: {  	_ =	shalt  }
0x41: {  	_ =	shalt  }
0x42: {  	_ =	shalt  }
0x43: {  	_ =	shalt  }
0x44: {  	_ =	shalt  }
0x45: {  	_ =	shalt  }
0x46: {  	_ =	shalt  }
0x47: {  	_ =	shalt  }
0x48: {  	_ =	shalt  }
0x49: {  	_ =	shalt  }
0x4a: {  	_ =	shalt  }
0x4b: {  	_ =	shalt  }
0x4c: {  	_ =	shalt  }
0x4d: {  	_ =	shalt  }
0x4e: {  	_ =	shalt  }
0x4f: {  	_ =	shalt  }
0x50: {  	_ =	shalt  }
0x51: {  	_ =	shalt  }
0x52: {  	_ =	shalt  }
0x53: {  	_ =	shalt  }
0x54: {  	_ =	shalt  }
0x55: {  	_ =	shalt  }
0x56: {  	_ =	shalt  }
0x57: {  	_ =	shalt  }
0x58: {  	_ =	shalt  }
0x59: {  	_ =	shalt  }
0x5a: {  	_ =	shalt  }
0x5b: {  	_ =	shalt  }
0x5c: {  	_ =	shalt  }
0x5d: {  	_ =	shalt  }
0x5e: {  	_ =	shalt  }
0x5f: {  	_ =	shalt  }
0x60: {  	_ =	shalt  }
0x61: {  	_ =	shalt  }
0x62: {  	_ =	shalt  }
0x63: {  	_ =	shalt  }
0x64: {  	_ =	shalt  }
0x65: {  	_ =	shalt  }
0x66: {  	_ =	shalt  }
0x67: {  	_ =	shalt  }
0x68: {  	_ =	shalt  }
0x69: {  	_ =	shalt  }
0x6a: {  	_ =	shalt  }
0x6b: {  	_ =	shalt  }
0x6c: {  	_ =	shalt  }
0x6d: {  	_ =	shalt  }
0x6e: {  	_ =	shalt  }
0x6f: {  	_ =	shalt  }
0x70: {  	_ =	shalt  }
0x71: {  	_ =	shalt  }
0x72: {  	_ =	shalt  }
0x73: {  	_ =	shalt  }
0x74: {  	_ =	shalt  }
0x75: {  	_ =	shalt  }
0x76: {  	_ =	shalt  }
0x77: {  	_ =	shalt  }
0x78: {  	_ =	shalt  }
0x79: {  	_ =	shalt  }
0x7a: {  	_ =	shalt  }
0x7b: {  	_ =	shalt  }
0x7c: {  	_ =	shalt  }
0x7d: {  	_ =	shalt  }
0x7e: {  	_ =	shalt  }
0x7f: {  	_ =	shalt  }
0x80: {  	_ =	shalt  }
0x81: {  	_ =	shalt  }
0x82: {  	_ =	shalt  }
0x83: {  	_ =	shalt  }
0x84: {  	_ =	shalt  }
0x85: {  	_ =	shalt  }
0x86: {  	_ =	shalt  }
0x87: {  	_ =	shalt  }
.Lfunc_end0:
.L_simem_size_0:
called_computation_lowered:
.L_overlay_start_0:
0x88: {  	s2 =	sld [smem:$0x3FD9]  }
0x89: {  	s3 =	sld [smem:$0x3FFE];
	_ =	sdelay $0x1  }
0x8a: {  	s1 =	srdreg.scid  }
0x8b: {  	s0 =	sand.u32 $0x1, s1  }
0x8c: {  	s17 =	sshll.u32 s0, $0xA;
	s2 =	sadd.s32 s3, s2  }
0x8d: {  	s2 =	sadd.s32 s2, s17  }
0x8e: {  	[smem:$0x3FC2] =	sst s2  }
0x8f: {  	_ = 	snop  }
0x90: {  	s2 =	sld [smem:$0x3FC8];
	(tm) =	ssettm $0x1  }
0x91: {  	s18 =	sld [smem:$0x3FFB];
	_ =	sdelay $0x3  }
0x92: {  	_ =	strace s18  }
0x93: {  	s3 =	sld [smem:$0x3FFC];
	_ =	sdelay $0x3  }
0x94: {  	_ =	strace s3  }
0x95: {  	s3 =	sld [smem:$0x3FFD];
	_ =	sdelay $0x3  }
0x96: {  	_ =	strace s3  }
0x97: {  	_ =	strace $0x8FFFFFFF  }
0x98: {  	s19 =	sld [smem:$0x3FDB];
	_ =	sdelay $0x1  }
0x99: {  	s4 =	simm.s32 $_scs_section_size  }
0x9a: {  	s5 =	simm.s32 $_size__tile_overlayer_lowered;
	s6 =	simm.s32 $_tile_overlayer_lowered  }
0x9b: {  	s22 =	simm.s32 $0x1BFF;
	s21 =	sshll.u32 s6, $0x1;
	s3 =	sadd.s32 s4, s19  }
0x9c: {  	s7 =	simm.s32 $0x0;
	s20 =	sshll.u32 s5, $0x1;
	s5 =	sadd.s32 s21, s3  }
0x9d: {  	[timem:s7], [sflag:s22] =	dma.local [hbm:s5], s20  }
0x9e: {  	_ =	swait.ge [sflag:s22], s20  }
0x9f: {  	s4 =	ssub.s32 $0x0, s20;
	[sflag:s22] =	ssyncset.done $0x0  }
0xa0: {  	[sflag:s22] =	ssyncadd.s32 s4;
	_ =	sdelay $0x1  }
0xa1: {  	s23 =	simm.s32 $0x1B8B  }
0xa2: {  	_ =	swait.ge [sflag:s23], $0x1  }
0xa3: {  	[sflag:s23] =	ssyncset.done $0x0  }
0xa4: {  	s25 =	simm.s32 $0x1B8E;
	s24 =	sld [smem:$0x3FFE];
	[sflag:s23] =	ssyncadd.s32 $0xFFFFFFFF  }
0xa5: {  	s26 =	simm.s32 $execute0_lowered;
	[smem:$0x3FD2] =	sst s25  }
0xa6: {  	s5 =	sshll.u32 s26, $0x1;
	_ =	strace $0x80000046;
	[dreg:$0x1] =	wrdreg $0xFFFFFFFF  }
0xa7: {  	s28 =	simm.s32 $_size_execute0_lowered;
	s3 =	sadd.s32 s3, s5;
	[dreg:$0x0] =	wrdreg $0x0  }
0xa8: {  	s5 =	sshll.u32 s28, $0x1;
	[dreg:$0x2] =	wrdreg s3  }
0xa9: {  	[dreg:$0x3] =	wrdreg s5  }
0xaa: {  	[dreg:$0x4] =	wrdreg $0xC0  }
0xab: {  	_ =	task [dreg:s7], $0x5FFFF  }
0xac: {  	[dreg:$0x1] =	wrdreg $0xFFFFFFFF  }
0xad: {  	[dreg:$0x0] =	wrdreg $0x60  }
0xae: {  	[dreg:$0x2] =	wrdreg s24  }
0xaf: {  	[dreg:$0x3] =	wrdreg s2  }
0xb0: {  	[dreg:$0x4] =	wrdreg $0x9  }
0xb1: {  	_ =	task.clear_ibuf [dreg:s7], $0x5FFFF;
	_ =	strace $0x90000046  }
0xb2: {  	s29 =	simm.s32 $0x9;
	_ =	strace $0x80000048  }
0xb3: {  	_ =	swait.ge [sflag:s29], $0x1  }
0xb4: {  	[sflag:s29] =	ssyncadd.s32 $0xFFFFFFFF  }
0xb5: {  	_ =	strace $0x90000048  }
0xb6: {  	_ =	sfence  }
0xb7: {  	s30 =	sld [smem:$0x0];
	_ =	sdelay $0x2  }
0xb8: {  	s31 =	sshll.u32 s1, $0xD;
	s1 =	sshrl.u32 s1, $0x2  }
0xb9: {  	s3 =	sand.u32 $0x4000, s31;
	s1 =	sadd.s32 s1, s30  }
0xba: {  	s0 =	sor.u32 s3, s0;
	s1 =	sshll.u32 s1, $0x11  }
0xbb: {  	s0 =	sor.u32 s1, s0  }
0xbc: {  	s0 =	sadd.s32 $0x8F2B, s0  }
0xbd: {  	[sflag:s0] =	ssyncadd.remote.s32 $0x1  }
0xbe: {  	_ =	sfence.sel $0xFFFF  }
0xbf: {  	[dreg:$0x0] =	wrdreg $0xFFFFFFFF;
	(pc) =	sbr.abs _section_cstart, $3  }
0xc0: {  	[dreg:$0x1] =	wrdreg $0xFFFFFFFF  }
0xc1: {  	_ =	task.clear_ibuf [dreg:s7], $0x2FFFF;
	_ =	strace $0x9FFFFFFF  }
0xc2: {  	(tm) =	ssettm $0x7FFFFFFF  }
0xc3: {  	_ =	shalt  }
tec
execute0_lowered:
.L_overlay_start_1:
0x0: {  	(tag) =	ssettag $0x1  }
0x1: {  	s0 =	srdreg.scid;
	s3 =	rddreg [dreg:$0x0]  }
0x2: {  	s9 =	stileid.u32;
	s2 =	rddreg [dreg:$0x1]  }
0x3: {  	s5 =	simm.s32 $0x0;
	s13 =	simm.s32 $0x1900;
	s14 =	simm.s32 $0x3280  }
0x4: {  	s15 =	simm.s32 $0x4C00;
	s16 =	simm.s32 $0x6580;
	s17 =	simm.s32 $0x7F00  }
0x5: {  	s18 =	simm.s32 $0x9880;
	s19 =	simm.s32 $0x1;
	s20 =	simm.s32 $0x80  }
0x6: {  	s28 =	simm.s32 $0xB200;
	s23 =	simm.s32 $0x19500;
	s29 =	simm.s32 $0x15500  }
0x7: {  	s30 =	simm.s32 $0x17500;
	s31 =	simm.s32 $0x0;
	s0 =	sand.u32 $0x1, s0  }
0x8: {  	s1 =	sshll.u32 s9, $0x1;
	[smem:$0x7FF] =	sst s5;
	s10 =	smul.u32 $0x3200, s9  }
0x9: {  	s1 =	sor.u32 s0, s1;
	s24 =	ssub.s32 $0x2, s0;
	s0 =	smul.u32 $0x1900, s0  }
0xa: {  	s5 =	sadd.s32 $0xDC2E00, s3;
	s6 =	sadd.s32 $0xA3800, s3;
	s4 =	smul.u32 $0x1900, s1  }
0xb: {  	s7 =	sadd.s32 $0x23B800, s3;
	_ =	strace $0x80000047;
	s25 =	sshrl.u32 s24, $0x1  }
.Ltmp0:
0xc: {  	s0 =	sadd.s32 s0, s10;
	s4 =	sshrl.u32 s4, $0x3;
	(pc) =	sbr.rel .LBB2_1-.Ltmp0, $4  }
0xd: {  	s1 =	sshll.u32 s1, $0x7;
	[dreg:$0x5] =	wrdreg s0;
	s8 =	sadd.s32 s4, s3  }
0xe: {  	s4 =	sadd.s32 $0x7400, s3;
	s3 =	ssub.s32 s24, s25;
	s8 =	sadd.s32 $0x1000, s8  }
0xf: {  	v0 =	vlaneseq.u32;
	v1 =	vimm.f32 $0.0e+00;
	v3 =	vimm.s32 $0xFFFCE001;
	s9 =	sor.u32 $0x32000, s1;
	s26 =	smax.u32 s3, $0x1;
	[dreg:$0x3] =	wrdreg s8  }
0x10: {  	v4 =	vimm.s32 $0x0;
	v2 =	vmul.u32 $0x2, v0;
	v5 =	vor.u32 $0x1970, v0;
	s24 =	simm.s32 $0x2;
	[dreg:$0x4] =	wrdreg s26;
	s26 =	simm.s32 $0x1B500  }
.LBB2_40:
0x11: {  	s31 =	sadd.s32 $0x1, s31;
	s0 =	rddreg [dreg:$0x4]  }
0x12: {  	p0 =	sne.s32 s31, s0  }
.Ltmp1:
0x13: {  	_ = 	snop;
	(pc) =	sbr.rel @!p0 .LBB2_41-.Ltmp1, $1  }
0x14: {  	_ =	sdelay $0x3  }
.LBB2_1:
0x15: {  	s0 =	simm.s32 $0x0;
	s1 =	rddreg [dreg:$0x3];
	s25 =	simm.s32 $0x3  }
0x16: {  	[tilespmem:s0], [sflag:$0x3] =	stream.linear.gather [hbm4b:s1+s0], $0x1900, $0x38;
	[tilespmem:$0x1D500] =	vst v63  }
0x17: {  	_ =	swait.ge [sflag:s25], $0x1900  }
0x18: {  	[sflag:s25] =	ssyncset.done $0x0  }
0x19: {  	s0 =	simm.s32 $0x0;
	[sflag:s25] =	ssyncadd.s32 $0xFFFFE700  }
.LBB2_2:
0x1a: {  	p0 =	sne.s32 s0, $0x7F00  }
.Ltmp2:
0x1b: {  	_ = 	snop;
	(pc) =	sbr.rel @p0 .LBB2_2-.Ltmp2, $4  }
0x1c: {  	_ = 	snop  }
0x1d: {  	s1 =	sshra.s32 s0, $0x2  }
0x1e: {  	[tilespmem:s1+$0x1B520] =	vst v1  }
0x1f: {  	s0 =	sadd.s32 $0x100, s0;
	[tilespmem:s1+$0x1B530] =	vst v1  }
0x20: {  	s0 =	simm.s32 $0x0  }
0x21: {  	s0 =	sand.u32 $0x70, s0  }
0x22: {  	s1 =	sor.u32 s9, s0  }
0x23: {  	s3 =	simm.s32 $0x1900;
	v6 =	vor.u32 s1, v0  }
0x24: {  	s11 =	simm.s32 $0x4C00;
	[tilespmem:s3+$0x0] =	vst v6  }
0x25: {  	s12 =	simm.s32 $0x7F00;
	[tilespmem:s11+$0x0] =	vst v6  }
0x26: {  	s21 =	simm.s32 $0x3280;
	s8 =	simm.s32 $0x10;
	v7 =	vor.u32 s0, v0;
	[tilespmem:s12+$0x0] =	vst v6  }
0x27: {  	s10 =	sand.u32 $0x70, s8;
	s0 =	simm.s32 $0x6580;
	[tilespmem:s21+$0x0] =	vst v7  }
0x28: {  	s22 =	simm.s32 $0x9880;
	s25 =	sor.u32 s9, s10;
	[tilespmem:s0+$0x0] =	vst v7  }
0x29: {  	v8 =	vor.u32 s25, v0;
	s1 =	simm.s32 $0x1910;
	[tilespmem:s22+$0x0] =	vst v7  }
0x2a: {  	s3 =	simm.s32 $0x4C10;
	[tilespmem:s1+$0x0] =	vst v8  }
0x2b: {  	s8 =	simm.s32 $0x7F10;
	[tilespmem:s3+$0x0] =	vst v8  }
0x2c: {  	s11 =	simm.s32 $0x3290;
	s12 =	simm.s32 $0x20;
	v6 =	vor.u32 s10, v0;
	s10 =	simm.s32 $0x9890;
	[tilespmem:s8+$0x0] =	vst v8  }
.LBB2_4:
0x2d: {  	s21 =	sand.u32 $0x70, s12;
	s22 =	smov.u32 s12  }
0x2e: {  	[tilespmem:s11+$0x0] =	vst v6;
	s0 =	sadd.s32 $0x10, s0;
	p0 =	sne.s32 s12, $0x1970;
	s22 =	sadd.s32 $0x10, s12  }
.Ltmp3:
0x2f: {  	s25 =	sor.u32 s9, s21;
	[tilespmem:s0+$0x0] =	vst v6;
	(pc) =	sbr.rel @p0 .LBB2_4-.Ltmp3, $4  }
0x30: {  	s1 =	sadd.s32 $0x10, s1;
	v7 =	vor.u32 s25, v0;
	[tilespmem:s10+$0x0] =	vst v6  }
0x31: {  	s3 =	sadd.s32 $0x10, s3;
	[tilespmem:s1+$0x0] =	vst v7  }
0x32: {  	s8 =	sadd.s32 $0x10, s8;
	[tilespmem:s3+$0x0] =	vst v7  }
0x33: {  	s11 =	sadd.s32 $0x10, s11;
	s12 =	smov.u32 s22;
	v6 =	vor.u32 s21, v0;
	s10 =	sadd.s32 $0x10, s10;
	[tilespmem:s8+$0x0] =	vst v7  }
0x34: {  	[tilespmem:s11+$0x0] =	vst v6;
	s0 =	sadd.s32 $0x10, s0  }
0x35: {  	[tilespmem:s0+$0x0] =	vst v6  }
0x36: {  	s25 =	simm.s32 $0x0;
	[tilespmem:s10+$0x0] =	vst v6  }
0x37: {  	v6 =	vld [tilespmem:s25+$0x0];
	_ =	sdelay $0x4  }
0x38: {  	vm0 =	vlt.s32 v6, $0x4E20  }
0x39: {  	vm1 =	vgt.s32 v6, $0x1869F;
	v8 =	vadd.s32 $0xFFFFB1E0, v6;
	v7 =	vsel vm0, $0x1, v4  }
0x3a: {  	v9 =	vsel vm1, $0x1, v4;
	vm2 =	vlt.u32 v8, $0x13880;
	(xrf0) =	vadd.scan.msk.s32 $0xffff, v7  }
0x3b: {  	v7 =	vsel vm2, $0x1, v4;
	(xrf0) =	vadd.scan.msk.s32 $0xffff, v9  }
0x3c: {  	(xrf0) =	vadd.scan.msk.s32 $0xffff, v7;
	_ =	sdelay $0x3  }
0x3d: {  	v9 =	vimm.s32 $0x0;
	v7, _, _ =	vpop (xrf0)  }
0x3e: {  	v7 =	vadd.s32 v7, v9;
	v10, _, _ =	vpop (xrf0)  }
0x3f: {  	s0 =	rddreg [dreg:$0x5];
	v7 =	vadd.s32 $0xFFFFFFFF, v7;
	v11, _, _ =	vpop (xrf0)  }
0x40: {  	v12 =	vmov s0;
	v7 =	vsel vm0, v7, v5;
	v11 =	vadd.s32 v11, v9  }
0x41: {  	v13 =	vshll.u32 v12, $0x1;
	v11 =	vadd.s32 $0xFFFFFFFF, v11  }
0x42: {  	vm3 =	vlt.u32 v12, $0x19000;
	v10 =	vadd.s32 v10, v9;
	v14 =	vsel vm2, v11, v5  }
0x43: {  	v12 =	vor.u32 v2, v13;
	v10 =	vadd.s32 $0xFFFFFFFF, v10;
	v11 =	vsel vm3, $0x0, v3  }
0x44: {  	v15 =	vadd.s32 v12, v11;
	v12 =	vsel vm1, v10, v5  }
0x45: {  	v10 =	vmpcnt.ones.xlane vm0;
	[tilespmem:v7+s13+$0x0] =	vst.idx.msk $0xffff, v15  }
0x46: {  	v13 =	vmpcnt.ones.xlane vm2;
	v11 =	vmpcnt.ones.xlane vm1;
	[tilespmem:v7+s14+$0x0] =	vst.idx.msk $0xffff, v6  }
0x47: {  	v10 =	vadd.s32 v9, v10;
	[tilespmem:v14+s15+$0x0] =	vst.idx.msk $0xffff, v15  }
0x48: {  	v7 =	vadd.s32 v9, v11;
	v11 =	vadd.s32 v9, v13;
	[tilespmem:v14+s16+$0x0] =	vst.idx.msk $0xffff, v8  }
0x49: {  	s1 =	simm.s32 $0x40;
	s8 =	simm.s32 $0x80;
	v13 =	vadd.s32 $0xFFFE7960, v6;
	v9 =	vmovc v10;
	v6 =	vmov v7;
	v8 =	vmov v11;
	[tilespmem:v12+s17+$0x0] =	vst.idx.msk $0xffff, v15  }
.LBB2_6:
0x4a: {  	s10 =	sshra.s32 s1, $0x2  }
0x4b: {  	[tilespmem:v12+s18+$0x0] =	vst.idx.msk $0xffff, v13;
	s0 =	sadd.s32 $0x10, s0;
	s1 =	smov.u32 s8;
	s3 =	sadd.s32 $0x40, s8  }
0x4c: {  	p0 =	sne.s32 s8, $0x63C0;
	v13 =	vld [tilespmem:s10+$0x0];
	_ =	sdelay $0x4  }
0x4d: {  	vm2 =	vlt.s32 v13, $0x4E20;
	vm0 =	vgt.s32 v13, $0x1869F  }
0x4e: {  	v14 =	vadd.s32 $0xFFFFB1E0, v13;
	v12 =	vsel vm2, $0x1, v4;
	v15 =	vsel vm0, $0x1, v4  }
0x4f: {  	vm1 =	vlt.u32 v14, $0x13880;
	v16 =	vmpcnt.ones.xlane vm2;
	v17 =	vmpcnt.ones.xlane vm0;
	(xrf0) =	vadd.scan.msk.s32 $0xffff, v12  }
0x50: {  	v12 =	vsel vm1, $0x1, v4;
	v18 =	vmpcnt.ones.xlane vm1;
	(xrf0) =	vadd.scan.msk.s32 $0xffff, v15  }
0x51: {  	v10 =	vadd.s32 v10, v16;
	v7 =	vadd.s32 v7, v17;
	(xrf0) =	vadd.scan.msk.s32 $0xffff, v12  }
0x52: {  	v11 =	vadd.s32 v11, v18;
	_ =	sdelay $0x2  }
0x53: {  	v12, _, _ =	vpop (xrf0)  }
0x54: {  	v12 =	vadd.s32 v12, v9;
	v15, _, _ =	vpop (xrf0);
	v9 =	vmov v10  }
0x55: {  	v12 =	vadd.s32 $0xFFFFFFFF, v12;
	v15 =	vadd.s32 v15, v6;
	v16, _, _ =	vpop (xrf0);
	v6 =	vmov v7  }
0x56: {  	v17 =	vsel vm2, v12, v5;
	v12 =	vadd.s32 v16, v8;
	v15 =	vadd.s32 $0xFFFFFFFF, v15;
	v8 =	vmovc v11  }
0x57: {  	v16 =	vmov s0;
	v12 =	vadd.s32 $0xFFFFFFFF, v12  }
0x58: {  	v18 =	vshll.u32 v16, $0x1;
	vm2 =	vlt.u32 v16, $0x19000;
	v16 =	vsel vm1, v12, v5  }
0x59: {  	v12 =	vor.u32 v2, v18;
	v18 =	vsel vm2, $0x0, v3  }
0x5a: {  	v18 =	vadd.s32 v12, v18;
	v12 =	vsel vm0, v15, v5  }
.Ltmp4:
0x5b: {  	[tilespmem:v17+s13+$0x0] =	vst.idx.msk $0xffff, v18;
	(pc) =	sbr.rel @p0 .LBB2_6-.Ltmp4, $4  }
0x5c: {  	[tilespmem:v17+s14+$0x0] =	vst.idx.msk $0xffff, v13  }
0x5d: {  	[tilespmem:v16+s15+$0x0] =	vst.idx.msk $0xffff, v18  }
0x5e: {  	[tilespmem:v16+s16+$0x0] =	vst.idx.msk $0xffff, v14  }
0x5f: {  	s8 =	smov.u32 s3;
	v13 =	vadd.s32 $0xFFFE7960, v13;
	[tilespmem:v12+s17+$0x0] =	vst.idx.msk $0xffff, v18  }
0x60: {  	_ =	sdelay $0x3  }
0x61: {  	s1 =	sshra.s32 s1, $0x2;
	[tilespmem:v12+s18+$0x0] =	vst.idx.msk $0xffff, v13  }
0x62: {  	v12 =	vld [tilespmem:s1+$0x0];
	_ =	sdelay $0x4  }
0x63: {  	vm2 =	vlt.s32 v12, $0x4E20;
	vm0 =	vgt.s32 v12, $0x1869F;
	v51 =	vadd.s32 $0xFFFFB1E0, v12  }
0x64: {  	v14 =	vsel vm2, $0x1, v4;
	vm1 =	vlt.u32 v51, $0x13880;
	v15 =	vmpcnt.ones.xlane vm2  }
0x65: {  	v16 =	vsel vm0, $0x1, v4;
	(xrf0) =	vadd.scan.msk.s32 $0xffff, v14;
	v52 =	vmpcnt.ones.xlane vm1  }
0x66: {  	v17 =	vsel vm1, $0x1, v4;
	(xrf0) =	vadd.scan.msk.s32 $0xffff, v16;
	v10 =	vadd.s32 v10, v15  }
0x67: {  	(xrf0) =	vadd.scan.msk.s32 $0xffff, v17;
	v11 =	vadd.s32 v11, v52;
	v10 =	vxor.u32 $0x80000000, v10  }
0x68: {  	(xrf0) =	vmax.scan.msk.u32 $0xffff, v10;
	v53 =	vxor.u32 $0x80000000, v11  }
0x69: {  	(xrf0) =	vmax.scan.msk.u32 $0xffff, v53;
	_ =	sdelay $0x1  }
0x6a: {  	v54, _, _ =	vpop (xrf0)  }
0x6b: {  	v55, _, _ =	vpop (xrf0)  }
0x6c: {  	v56, _, _ =	vpop (xrf0)  }
0x6d: {  	v58, _, _ =	vpop (xrf0)  }
0x6e: {  	(v2sf) =	vpush v58, $0xF;
	v59, _, _ =	vpop (xrf0)  }
0x6f: {  	(v2sf) =	vpush v59, $0xF;
	_ =	sdelay $0x1  }
0x70: {  	v57 =	vmpcnt.ones.xlane vm0;
	_ =	sdelay $0x1  }
0x71: {  	v7 =	vadd.s32 v7, v57  }
0x72: {  	v7 =	vxor.u32 $0x80000000, v7  }
0x73: {  	(xrf0) =	vmax.scan.msk.u32 $0xffff, v7;
	_ =	sdelay $0x5  }
0x74: {  	v7, _, _ =	vpop (xrf0)  }
0x75: {  	(v2sf) =	vpush v7, $0xF  }
0x76: {  	s1 =	spop (v2sf)  }
0x77: {  	s3 =	spop (v2sf)  }
0x78: {  	v7 =	vadd.s32 v54, v9;
	s22 =	sadd.s32 $0x8000007F, s3  }
0x79: {  	s0 =	sadd.s32 $0x10, s0;
	v7 =	vadd.s32 $0xFFFFFFFF, v7;
	s3 =	sand.u32 $0x7F, s22  }
0x7a: {  	v60 =	vmov s0;
	v8 =	vadd.s32 v56, v8;
	v7 =	vsel vm2, v7, v5;
	s8 =	sshra.s32 s22, $0x1F;
	p0 =	slt.s32 s22, $0x1;
	p1 =	sne.s32 s3, $0x0  }
0x7b: {  	v61 =	vshll.u32 v60, $0x1;
	v8 =	vadd.s32 $0xFFFFFFFF, v8;
	s25 =	sshrl.u32 s8, $0x19;
	p0 =	por !p0, !p1  }
0x7c: {  	vm15 =	vlt.u32 v60, $0x19000;
	v6 =	vadd.s32 v55, v6;
	v8 =	vsel vm1, v8, v5;
	s3 =	simm.s32 $0x1;
	s0 =	sadd.s32 s25, s22;
	p0 =	por !p0, !p0  }
0x7d: {  	v62 =	vor.u32 v2, v61;
	v63 =	vsel vm15, $0x0, v3;
	v6 =	vadd.s32 $0xFFFFFFFF, v6;
	s0 =	sshra.s32 s0, $0x7;
	s3 =	simm.s32 @!p0 $0x0  }
0x7e: {  	v6 =	vsel vm0, v6, v5;
	v9 =	vadd.s32 v62, v63;
	s22 =	ssub.s32 s0, s3  }
0x7f: {  	[tilespmem:v7+s13+$0x0] =	vst.idx.msk $0xffff, v9;
	p0 =	slt.s32 s22, $0x1  }
.Ltmp5:
0x80: {  	[tilespmem:v7+s14+$0x0] =	vst.idx.msk $0xffff, v12;
	(pc) =	sbr.rel @p0 .LBB2_18-.Ltmp5, $4  }
0x81: {  	[tilespmem:v8+s15+$0x0] =	vst.idx.msk $0xffff, v9  }
0x82: {  	[tilespmem:v8+s16+$0x0] =	vst.idx.msk $0xffff, v51  }
0x83: {  	v7 =	vadd.s32 $0xFFFE7960, v12;
	[tilespmem:v6+s17+$0x0] =	vst.idx.msk $0xffff, v9  }
0x84: {  	[tilespmem:v6+s18+$0x0] =	vst.idx.msk $0xffff, v7;
	s0 =	spop (v2sf)  }
0x85: {  	p1 =	sne.s32 s22, $0x1  }
.Ltmp6:
0x86: {  	_ = 	snop;
	(pc) =	sbr.rel @!p1 .LBB2_9-.Ltmp6, $3  }
0x87: {  	_ =	sdelay $0x1  }
0x88: {  	s21 =	simm.s32 $0x65C0;
	s25 =	simm.s32 $0x4C40;
	s28 =	simm.s32 $0xB240  }
0x89: {  	s3 =	simm.s32 $0xCBC0;
	s8 =	sadd.s32 $0xFFFFFFFF, s22;
	p0 =	por $0x0, $0x0;
	v6 =	vld [tilespmem:s21+$0xFFFFFFC0]  }
0x8a: {  	_ =	sdelay $0x3  }
0x8b: {  	[tilespmem:s28+$0xFFFFFFC0] =	vst v6  }
0x8c: {  	v6 =	vld [tilespmem:s25+$0xFFFFFFC0];
	_ =	sdelay $0x4  }
0x8d: {  	[tilespmem:s3+$0xFFFFFFC0] =	vst v6  }
0x8e: {  	v6 =	vld [tilespmem:s21+$0xFFFFFFD0];
	_ =	sdelay $0x4  }
0x8f: {  	[tilespmem:s28+$0xFFFFFFD0] =	vst v6  }
0x90: {  	v6 =	vld [tilespmem:s25+$0xFFFFFFD0];
	_ =	sdelay $0x4  }
0x91: {  	[tilespmem:s3+$0xFFFFFFD0] =	vst v6  }
0x92: {  	v6 =	vld [tilespmem:s21+$0xFFFFFFE0];
	_ =	sdelay $0x4  }
0x93: {  	[tilespmem:s28+$0xFFFFFFE0] =	vst v6  }
0x94: {  	v6 =	vld [tilespmem:s25+$0xFFFFFFE0];
	_ =	sdelay $0x4  }
0x95: {  	[tilespmem:s3+$0xFFFFFFE0] =	vst v6  }
0x96: {  	v6 =	vld [tilespmem:s21+$0xFFFFFFF0];
	_ =	sdelay $0x4  }
0x97: {  	[tilespmem:s28+$0xFFFFFFF0] =	vst v6  }
0x98: {  	v6 =	vld [tilespmem:s25+$0xFFFFFFF0];
	_ =	sdelay $0x4  }
0x99: {  	[tilespmem:s3+$0xFFFFFFF0] =	vst v6  }
0x9a: {  	v6 =	vld [tilespmem:s21+$0x0];
	_ =	sdelay $0x4  }
0x9b: {  	[tilespmem:s28+$0x0] =	vst v6  }
0x9c: {  	v6 =	vld [tilespmem:s25+$0x0];
	_ =	sdelay $0x4  }
0x9d: {  	[tilespmem:s3+$0x0] =	vst v6  }
0x9e: {  	v6 =	vld [tilespmem:s21+$0x10];
	_ =	sdelay $0x4  }
0x9f: {  	[tilespmem:s28+$0x10] =	vst v6  }
0xa0: {  	v6 =	vld [tilespmem:s25+$0x10];
	_ =	sdelay $0x4  }
0xa1: {  	[tilespmem:s3+$0x10] =	vst v6  }
0xa2: {  	v6 =	vld [tilespmem:s21+$0x20];
	_ =	sdelay $0x4  }
0xa3: {  	[tilespmem:s28+$0x20] =	vst v6  }
0xa4: {  	v6 =	vld [tilespmem:s25+$0x20];
	_ =	sdelay $0x4  }
0xa5: {  	[tilespmem:s3+$0x20] =	vst v6  }
0xa6: {  	v6 =	vld [tilespmem:s21+$0x30];
	_ =	sdelay $0x4  }
0xa7: {  	[tilespmem:s28+$0x30] =	vst v6  }
0xa8: {  	v6 =	vld [tilespmem:s25+$0x30]  }
0xa9: {  	p1 =	sne.s32 s8, $0x1  }
.Ltmp7:
0xaa: {  	_ = 	snop;
	(pc) =	sbr.rel @!p1 .LBB2_11-.Ltmp7, $3  }
0xab: {  	_ =	sdelay $0x1  }
0xac: {  	s11 =	sadd.s32 $0xFFFFFFFF, s8;
	p0 =	por $0x1, $0x1;
	s21 =	simm.s32 $0x6640;
	[tilespmem:s3+$0x30] =	vst v6  }
0xad: {  	s8 =	simm.s32 $0xB240;
	s12 =	simm.s32 $0x4C40;
	s10 =	simm.s32 $0xCBC0;
	v6 =	vld [tilespmem:s21+$0xFFFFFFC0]  }
.LBB2_12:
0xae: {  	p1 =	sne.s32 s11, $0x1;
	_ =	sdelay $0x2  }
0xaf: {  	s8 =	sadd.s32 $0x80, s8  }
0xb0: {  	s12 =	sadd.s32 $0x80, s12;
	[tilespmem:s8+$0xFFFFFFC0] =	vst v6  }
0xb1: {  	v6 =	vld [tilespmem:s12+$0xFFFFFFC0];
	_ =	sdelay $0x3  }
0xb2: {  	s10 =	sadd.s32 $0x80, s10  }
0xb3: {  	[tilespmem:s10+$0xFFFFFFC0] =	vst v6  }
0xb4: {  	v6 =	vld [tilespmem:s21+$0xFFFFFFD0];
	_ =	sdelay $0x4  }
0xb5: {  	[tilespmem:s8+$0xFFFFFFD0] =	vst v6  }
0xb6: {  	v6 =	vld [tilespmem:s12+$0xFFFFFFD0];
	_ =	sdelay $0x4  }
0xb7: {  	[tilespmem:s10+$0xFFFFFFD0] =	vst v6  }
0xb8: {  	v6 =	vld [tilespmem:s21+$0xFFFFFFE0];
	_ =	sdelay $0x4  }
0xb9: {  	[tilespmem:s8+$0xFFFFFFE0] =	vst v6  }
0xba: {  	v6 =	vld [tilespmem:s12+$0xFFFFFFE0];
	_ =	sdelay $0x4  }
0xbb: {  	[tilespmem:s10+$0xFFFFFFE0] =	vst v6  }
0xbc: {  	v6 =	vld [tilespmem:s21+$0xFFFFFFF0];
	_ =	sdelay $0x4  }
0xbd: {  	[tilespmem:s8+$0xFFFFFFF0] =	vst v6  }
0xbe: {  	v6 =	vld [tilespmem:s12+$0xFFFFFFF0];
	_ =	sdelay $0x4  }
0xbf: {  	[tilespmem:s10+$0xFFFFFFF0] =	vst v6  }
0xc0: {  	v6 =	vld [tilespmem:s21+$0x0];
	_ =	sdelay $0x4  }
0xc1: {  	[tilespmem:s8+$0x0] =	vst v6  }
0xc2: {  	v6 =	vld [tilespmem:s12+$0x0];
	_ =	sdelay $0x4  }
0xc3: {  	[tilespmem:s10+$0x0] =	vst v6  }
0xc4: {  	v6 =	vld [tilespmem:s21+$0x10];
	_ =	sdelay $0x4  }
0xc5: {  	[tilespmem:s8+$0x10] =	vst v6  }
0xc6: {  	v6 =	vld [tilespmem:s12+$0x10];
	_ =	sdelay $0x4  }
0xc7: {  	[tilespmem:s10+$0x10] =	vst v6  }
0xc8: {  	v6 =	vld [tilespmem:s21+$0x20];
	_ =	sdelay $0x4  }
0xc9: {  	[tilespmem:s8+$0x20] =	vst v6  }
0xca: {  	v6 =	vld [tilespmem:s12+$0x20];
	_ =	sdelay $0x4  }
0xcb: {  	[tilespmem:s10+$0x20] =	vst v6  }
0xcc: {  	v6 =	vld [tilespmem:s21+$0x30];
	_ =	sdelay $0x4  }
0xcd: {  	[tilespmem:s8+$0x30] =	vst v6  }
0xce: {  	v6 =	vld [tilespmem:s12+$0x30];
	_ =	sdelay $0x1  }
.Ltmp8:
0xcf: {  	(pc) =	sbr.rel @p1 .LBB2_12-.Ltmp8, $3  }
0xd0: {  	_ =	sdelay $0x1  }
0xd1: {  	s21 =	sadd.s32 $0x80, s21;
	[tilespmem:s10+$0x30] =	vst v6  }
0xd2: {  	s11 =	sadd.s32 $0xFFFFFFFF, s11;
	v6 =	vld [tilespmem:s21+$0xFFFFFFC0]  }
.LBB2_13:
0xd3: {  	_ =	sdelay $0x1  }
0xd4: {  	s8 =	sadd.s32 @p0 $0x80, s8  }
0xd5: {  	s28 =	smov.u32 @p0 s8;
	s8 =	sadd.s32 @p0 $0x80, s12  }
0xd6: {  	s25 =	smov.u32 @p0 s8;
	[tilespmem:s28+$0xFFFFFFC0] =	vst v6  }
0xd7: {  	v6 =	vld [tilespmem:s25+$0xFFFFFFC0];
	_ =	sdelay $0x2  }
0xd8: {  	s8 =	sadd.s32 @p0 $0x80, s10  }
0xd9: {  	s3 =	smov.u32 @p0 s8  }
0xda: {  	[tilespmem:s3+$0xFFFFFFC0] =	vst v6  }
0xdb: {  	v6 =	vld [tilespmem:s21+$0xFFFFFFD0];
	_ =	sdelay $0x4  }
0xdc: {  	[tilespmem:s28+$0xFFFFFFD0] =	vst v6  }
0xdd: {  	v6 =	vld [tilespmem:s25+$0xFFFFFFD0];
	_ =	sdelay $0x4  }
0xde: {  	[tilespmem:s3+$0xFFFFFFD0] =	vst v6  }
0xdf: {  	v6 =	vld [tilespmem:s21+$0xFFFFFFE0];
	_ =	sdelay $0x4  }
0xe0: {  	[tilespmem:s28+$0xFFFFFFE0] =	vst v6  }
0xe1: {  	v6 =	vld [tilespmem:s25+$0xFFFFFFE0];
	_ =	sdelay $0x4  }
0xe2: {  	[tilespmem:s3+$0xFFFFFFE0] =	vst v6  }
0xe3: {  	v6 =	vld [tilespmem:s21+$0xFFFFFFF0];
	_ =	sdelay $0x4  }
0xe4: {  	[tilespmem:s28+$0xFFFFFFF0] =	vst v6  }
0xe5: {  	v6 =	vld [tilespmem:s25+$0xFFFFFFF0];
	_ =	sdelay $0x4  }
0xe6: {  	[tilespmem:s3+$0xFFFFFFF0] =	vst v6  }
0xe7: {  	v6 =	vld [tilespmem:s21+$0x0];
	_ =	sdelay $0x4  }
0xe8: {  	[tilespmem:s28+$0x0] =	vst v6  }
0xe9: {  	v6 =	vld [tilespmem:s25+$0x0];
	_ =	sdelay $0x4  }
0xea: {  	[tilespmem:s3+$0x0] =	vst v6  }
0xeb: {  	v6 =	vld [tilespmem:s21+$0x10];
	_ =	sdelay $0x4  }
0xec: {  	[tilespmem:s28+$0x10] =	vst v6  }
0xed: {  	v6 =	vld [tilespmem:s25+$0x10];
	_ =	sdelay $0x4  }
0xee: {  	[tilespmem:s3+$0x10] =	vst v6  }
0xef: {  	v6 =	vld [tilespmem:s21+$0x20];
	_ =	sdelay $0x4  }
0xf0: {  	[tilespmem:s28+$0x20] =	vst v6  }
0xf1: {  	v6 =	vld [tilespmem:s25+$0x20];
	_ =	sdelay $0x4  }
0xf2: {  	[tilespmem:s3+$0x20] =	vst v6  }
0xf3: {  	v6 =	vld [tilespmem:s21+$0x30];
	_ =	sdelay $0x4  }
0xf4: {  	[tilespmem:s28+$0x30] =	vst v6  }
0xf5: {  	v6 =	vld [tilespmem:s25+$0x30];
	_ =	sdelay $0x4  }
0xf6: {  	s28 =	simm.s32 $0xB200;
	s25 =	simm.s32 $0x12500;
	[tilespmem:s3+$0x30] =	vst v6;
	s3 =	simm.s32 $0x0  }
0xf7: {  	[tilespmem:s25], [sflag:$0x1] =	stream.indirect.gather [hbm4b:s4+s20], $0x40, s28, s20, $0xb8;
	[tilespmem:$0x1D500] =	vst v63  }
.LBB2_14:
0xf8: {  	_ =	swait.ge [sflag:s19], $0x2000  }
0xf9: {  	p0 =	seq.s32 s3, $0x0;
	[sflag:s19] =	ssyncset.done $0x0  }
0xfa: {  	s8 =	simm.s32 @!p0 $0x2;
	[sflag:s19] =	ssyncadd.s32 $0xFFFFE000  }
0xfb: {  	_ =	swait.ge @!p0 [sflag:s8], $0x2000  }
0xfc: {  	[sflag:s8] =	ssyncset.done @!p0 $0x0  }
0xfd: {  	[sflag:s8] =	ssyncadd.s32 @!p0 $0xFFFFE000;
	s8 =	simm.s32 $0x0  }
0xfe: {  	v9 =	vld [tilespmem:s8+$0x12530]  }
0xff: {  	v7 =	vld [tilespmem:s8+$0x12500]  }
0x100: {  	v6 =	vld [tilespmem:s8+$0x12510]  }
0x101: {  	s10 =	simm.s32 $0x100;
	v8 =	vld [tilespmem:s8+$0x12520]  }
.LBB2_15:
0x102: {  	p0 =	sne.s32 s10, $0x7F00  }
.Ltmp9:
0x103: {  	s11 =	sshra.s32 s10, $0x2;
	s10 =	sadd.s32 $0x100, s10;
	[tilespmem:s8+$0x19530] =	vst v9;
	(pc) =	sbr.rel @p0 .LBB2_15-.Ltmp9, $4  }
0x104: {  	v9 =	vld [tilespmem:s11+$0x12530];
	[tilespmem:s8+$0x19500] =	vst v7  }
0x105: {  	v7 =	vld [tilespmem:s11+$0x12500];
	[tilespmem:s8+$0x19510] =	vst v6  }
0x106: {  	v6 =	vld [tilespmem:s11+$0x12510];
	[tilespmem:s8+$0x19520] =	vst v8;
	s8 =	smov.u32 s11  }
0x107: {  	v8 =	vld [tilespmem:s8+$0x12520]  }
0x108: {  	s10 =	sadd.s32 $0x1, s3  }
0x109: {  	[tilespmem:s8+$0x19530] =	vst v9;
	p0 =	sge.s32 s10, s22  }
0x10a: {  	[tilespmem:s8+$0x19500] =	vst v7;
	s11 =	sshll.u32 @!p0 s10, $0x9  }
0x10b: {  	[tilespmem:s8+$0x19510] =	vst v6;
	s11 =	sshra.s32 @!p0 s11, $0x2  }
0x10c: {  	s12 =	simm.s32 @!p0 $0x12500;
	[tilespmem:s8+$0x19520] =	vst v8;
	s8 =	sadd.s32 @!p0 $0xB200, s11;
	s11 =	simm.s32 @!p0 $0x80  }
0x10d: {  	[tilespmem:s12], [sflag:$0x1] =	stream.indirect.gather @!p0 [hbm4b:s4+s11], $0x40, s8, s11, $0xb8;
	[tilespmem:$0x1D500] =	vst v63  }
0x10e: {  	p0 =	sne.s32 s10, s22  }
.Ltmp10:
0x10f: {  	s25 =	sshll.u32 s3, $0x9;
	(pc) =	sbr.rel @p0 .LBB2_14-.Ltmp10, $4  }
0x110: {  	s3 =	sshra.s32 s25, $0x2  }
0x111: {  	s3 =	sadd.s32 $0xCB80, s3  }
0x112: {  	[hbm4b:s6+s20] =	stream.indirect.scatter [tilespmem:s23], [sflag:$0x2], $0x40, s3, s20, $0xb8;
	[tilespmem:$0x1D500] =	vst v63  }
0x113: {  	s3 =	smov.u32 s10  }
0x114: {  	_ =	swait.ge [sflag:s24], $0x2000  }
0x115: {  	[sflag:s24] =	ssyncset.done $0x0  }
0x116: {  	[sflag:s24] =	ssyncadd.s32 $0xFFFFE000  }
.LBB2_18:
0x117: {  	s0 =	sadd.s32 $0x8000007F, s0  }
0x118: {  	s3 =	sand.u32 $0x7F, s0  }
0x119: {  	s8 =	sshra.s32 s0, $0x1F;
	p0 =	slt.s32 s0, $0x1;
	p1 =	sne.s32 s3, $0x0  }
0x11a: {  	s25 =	sshrl.u32 s8, $0x19;
	p0 =	por !p0, !p1  }
0x11b: {  	s3 =	simm.s32 $0x1;
	s0 =	sadd.s32 s25, s0;
	p0 =	por !p0, !p0  }
0x11c: {  	s0 =	sshra.s32 s0, $0x7;
	s3 =	simm.s32 @!p0 $0x0  }
0x11d: {  	s0 =	ssub.s32 s0, s3  }
0x11e: {  	p0 =	slt.s32 s0, $0x1  }
.Ltmp11:
0x11f: {  	_ = 	snop;
	(pc) =	sbr.rel @p0 .LBB2_29-.Ltmp11, $1  }
0x120: {  	_ =	sdelay $0x3  }
0x121: {  	p1 =	sne.s32 s0, $0x1  }
.Ltmp12:
0x122: {  	_ = 	snop;
	(pc) =	sbr.rel @!p1 .LBB2_20-.Ltmp12, $3  }
0x123: {  	_ =	sdelay $0x1  }
0x124: {  	s21 =	simm.s32 $0x98C0;
	s22 =	simm.s32 $0x7F40;
	s3 =	simm.s32 $0xB240  }
0x125: {  	s25 =	simm.s32 $0xCBC0;
	s8 =	sadd.s32 $0xFFFFFFFF, s0;
	p0 =	por $0x0, $0x0;
	v6 =	vld [tilespmem:s21+$0xFFFFFFC0]  }
0x126: {  	_ =	sdelay $0x3  }
0x127: {  	[tilespmem:s3+$0xFFFFFFC0] =	vst v6  }
0x128: {  	v6 =	vld [tilespmem:s22+$0xFFFFFFC0];
	_ =	sdelay $0x4  }
0x129: {  	[tilespmem:s25+$0xFFFFFFC0] =	vst v6  }
0x12a: {  	v6 =	vld [tilespmem:s21+$0xFFFFFFD0];
	_ =	sdelay $0x4  }
0x12b: {  	[tilespmem:s3+$0xFFFFFFD0] =	vst v6  }
0x12c: {  	v6 =	vld [tilespmem:s22+$0xFFFFFFD0];
	_ =	sdelay $0x4  }
0x12d: {  	[tilespmem:s25+$0xFFFFFFD0] =	vst v6  }
0x12e: {  	v6 =	vld [tilespmem:s21+$0xFFFFFFE0];
	_ =	sdelay $0x4  }
0x12f: {  	[tilespmem:s3+$0xFFFFFFE0] =	vst v6  }
0x130: {  	v6 =	vld [tilespmem:s22+$0xFFFFFFE0];
	_ =	sdelay $0x4  }
0x131: {  	[tilespmem:s25+$0xFFFFFFE0] =	vst v6  }
0x132: {  	v6 =	vld [tilespmem:s21+$0xFFFFFFF0];
	_ =	sdelay $0x4  }
0x133: {  	[tilespmem:s3+$0xFFFFFFF0] =	vst v6  }
0x134: {  	v6 =	vld [tilespmem:s22+$0xFFFFFFF0];
	_ =	sdelay $0x4  }
0x135: {  	[tilespmem:s25+$0xFFFFFFF0] =	vst v6  }
0x136: {  	v6 =	vld [tilespmem:s21+$0x0];
	_ =	sdelay $0x4  }
0x137: {  	[tilespmem:s3+$0x0] =	vst v6  }
0x138: {  	v6 =	vld [tilespmem:s22+$0x0];
	_ =	sdelay $0x4  }
0x139: {  	[tilespmem:s25+$0x0] =	vst v6  }
0x13a: {  	v6 =	vld [tilespmem:s21+$0x10];
	_ =	sdelay $0x4  }
0x13b: {  	[tilespmem:s3+$0x10] =	vst v6  }
0x13c: {  	v6 =	vld [tilespmem:s22+$0x10];
	_ =	sdelay $0x4  }
0x13d: {  	[tilespmem:s25+$0x10] =	vst v6  }
0x13e: {  	v6 =	vld [tilespmem:s21+$0x20];
	_ =	sdelay $0x4  }
0x13f: {  	[tilespmem:s3+$0x20] =	vst v6  }
0x140: {  	v6 =	vld [tilespmem:s22+$0x20];
	_ =	sdelay $0x4  }
0x141: {  	[tilespmem:s25+$0x20] =	vst v6  }
0x142: {  	v6 =	vld [tilespmem:s21+$0x30];
	_ =	sdelay $0x4  }
0x143: {  	[tilespmem:s3+$0x30] =	vst v6  }
0x144: {  	v6 =	vld [tilespmem:s22+$0x30]  }
0x145: {  	p1 =	sne.s32 s8, $0x1  }
.Ltmp13:
0x146: {  	_ = 	snop;
	(pc) =	sbr.rel @!p1 .LBB2_22-.Ltmp13, $3  }
0x147: {  	_ =	sdelay $0x1  }
0x148: {  	s11 =	sadd.s32 $0xFFFFFFFF, s8;
	p0 =	por $0x1, $0x1;
	s21 =	simm.s32 $0x9940;
	[tilespmem:s25+$0x30] =	vst v6  }
0x149: {  	s8 =	simm.s32 $0xB240;
	s12 =	simm.s32 $0x7F40;
	s10 =	simm.s32 $0xCBC0;
	v6 =	vld [tilespmem:s21+$0xFFFFFFC0]  }
.LBB2_23:
0x14a: {  	p1 =	sne.s32 s11, $0x1;
	_ =	sdelay $0x2  }
0x14b: {  	s8 =	sadd.s32 $0x80, s8  }
0x14c: {  	s12 =	sadd.s32 $0x80, s12;
	[tilespmem:s8+$0xFFFFFFC0] =	vst v6  }
0x14d: {  	v6 =	vld [tilespmem:s12+$0xFFFFFFC0];
	_ =	sdelay $0x3  }
0x14e: {  	s10 =	sadd.s32 $0x80, s10  }
0x14f: {  	[tilespmem:s10+$0xFFFFFFC0] =	vst v6  }
0x150: {  	v6 =	vld [tilespmem:s21+$0xFFFFFFD0];
	_ =	sdelay $0x4  }
0x151: {  	[tilespmem:s8+$0xFFFFFFD0] =	vst v6  }
0x152: {  	v6 =	vld [tilespmem:s12+$0xFFFFFFD0];
	_ =	sdelay $0x4  }
0x153: {  	[tilespmem:s10+$0xFFFFFFD0] =	vst v6  }
0x154: {  	v6 =	vld [tilespmem:s21+$0xFFFFFFE0];
	_ =	sdelay $0x4  }
0x155: {  	[tilespmem:s8+$0xFFFFFFE0] =	vst v6  }
0x156: {  	v6 =	vld [tilespmem:s12+$0xFFFFFFE0];
	_ =	sdelay $0x4  }
0x157: {  	[tilespmem:s10+$0xFFFFFFE0] =	vst v6  }
0x158: {  	v6 =	vld [tilespmem:s21+$0xFFFFFFF0];
	_ =	sdelay $0x4  }
0x159: {  	[tilespmem:s8+$0xFFFFFFF0] =	vst v6  }
0x15a: {  	v6 =	vld [tilespmem:s12+$0xFFFFFFF0];
	_ =	sdelay $0x4  }
0x15b: {  	[tilespmem:s10+$0xFFFFFFF0] =	vst v6  }
0x15c: {  	v6 =	vld [tilespmem:s21+$0x0];
	_ =	sdelay $0x4  }
0x15d: {  	[tilespmem:s8+$0x0] =	vst v6  }
0x15e: {  	v6 =	vld [tilespmem:s12+$0x0];
	_ =	sdelay $0x4  }
0x15f: {  	[tilespmem:s10+$0x0] =	vst v6  }
0x160: {  	v6 =	vld [tilespmem:s21+$0x10];
	_ =	sdelay $0x4  }
0x161: {  	[tilespmem:s8+$0x10] =	vst v6  }
0x162: {  	v6 =	vld [tilespmem:s12+$0x10];
	_ =	sdelay $0x4  }
0x163: {  	[tilespmem:s10+$0x10] =	vst v6  }
0x164: {  	v6 =	vld [tilespmem:s21+$0x20];
	_ =	sdelay $0x4  }
0x165: {  	[tilespmem:s8+$0x20] =	vst v6  }
0x166: {  	v6 =	vld [tilespmem:s12+$0x20];
	_ =	sdelay $0x4  }
0x167: {  	[tilespmem:s10+$0x20] =	vst v6  }
0x168: {  	v6 =	vld [tilespmem:s21+$0x30];
	_ =	sdelay $0x4  }
0x169: {  	[tilespmem:s8+$0x30] =	vst v6  }
0x16a: {  	v6 =	vld [tilespmem:s12+$0x30];
	_ =	sdelay $0x1  }
.Ltmp14:
0x16b: {  	(pc) =	sbr.rel @p1 .LBB2_23-.Ltmp14, $3  }
0x16c: {  	_ =	sdelay $0x1  }
0x16d: {  	s21 =	sadd.s32 $0x80, s21;
	[tilespmem:s10+$0x30] =	vst v6  }
0x16e: {  	s11 =	sadd.s32 $0xFFFFFFFF, s11;
	v6 =	vld [tilespmem:s21+$0xFFFFFFC0]  }
.LBB2_24:
0x16f: {  	_ =	sdelay $0x1  }
0x170: {  	s8 =	sadd.s32 @p0 $0x80, s8  }
0x171: {  	s3 =	smov.u32 @p0 s8;
	s8 =	sadd.s32 @p0 $0x80, s12  }
0x172: {  	s22 =	smov.u32 @p0 s8;
	[tilespmem:s3+$0xFFFFFFC0] =	vst v6  }
0x173: {  	v6 =	vld [tilespmem:s22+$0xFFFFFFC0];
	_ =	sdelay $0x2  }
0x174: {  	s8 =	sadd.s32 @p0 $0x80, s10  }
0x175: {  	s25 =	smov.u32 @p0 s8  }
0x176: {  	[tilespmem:s25+$0xFFFFFFC0] =	vst v6  }
0x177: {  	v6 =	vld [tilespmem:s21+$0xFFFFFFD0];
	_ =	sdelay $0x4  }
0x178: {  	[tilespmem:s3+$0xFFFFFFD0] =	vst v6  }
0x179: {  	v6 =	vld [tilespmem:s22+$0xFFFFFFD0];
	_ =	sdelay $0x4  }
0x17a: {  	[tilespmem:s25+$0xFFFFFFD0] =	vst v6  }
0x17b: {  	v6 =	vld [tilespmem:s21+$0xFFFFFFE0];
	_ =	sdelay $0x4  }
0x17c: {  	[tilespmem:s3+$0xFFFFFFE0] =	vst v6  }
0x17d: {  	v6 =	vld [tilespmem:s22+$0xFFFFFFE0];
	_ =	sdelay $0x4  }
0x17e: {  	[tilespmem:s25+$0xFFFFFFE0] =	vst v6  }
0x17f: {  	v6 =	vld [tilespmem:s21+$0xFFFFFFF0];
	_ =	sdelay $0x4  }
0x180: {  	[tilespmem:s3+$0xFFFFFFF0] =	vst v6  }
0x181: {  	v6 =	vld [tilespmem:s22+$0xFFFFFFF0];
	_ =	sdelay $0x4  }
0x182: {  	[tilespmem:s25+$0xFFFFFFF0] =	vst v6  }
0x183: {  	v6 =	vld [tilespmem:s21+$0x0];
	_ =	sdelay $0x4  }
0x184: {  	[tilespmem:s3+$0x0] =	vst v6  }
0x185: {  	v6 =	vld [tilespmem:s22+$0x0];
	_ =	sdelay $0x4  }
0x186: {  	[tilespmem:s25+$0x0] =	vst v6  }
0x187: {  	v6 =	vld [tilespmem:s21+$0x10];
	_ =	sdelay $0x4  }
0x188: {  	[tilespmem:s3+$0x10] =	vst v6  }
0x189: {  	v6 =	vld [tilespmem:s22+$0x10];
	_ =	sdelay $0x4  }
0x18a: {  	[tilespmem:s25+$0x10] =	vst v6  }
0x18b: {  	v6 =	vld [tilespmem:s21+$0x20];
	_ =	sdelay $0x4  }
0x18c: {  	[tilespmem:s3+$0x20] =	vst v6  }
0x18d: {  	v6 =	vld [tilespmem:s22+$0x20];
	_ =	sdelay $0x4  }
0x18e: {  	[tilespmem:s25+$0x20] =	vst v6  }
0x18f: {  	v6 =	vld [tilespmem:s21+$0x30];
	_ =	sdelay $0x4  }
0x190: {  	[tilespmem:s3+$0x30] =	vst v6  }
0x191: {  	v6 =	vld [tilespmem:s22+$0x30];
	_ =	sdelay $0x4  }
0x192: {  	s3 =	simm.s32 $0x0;
	[tilespmem:s25+$0x30] =	vst v6;
	s25 =	simm.s32 $0x14500  }
0x193: {  	[tilespmem:s25], [sflag:$0x1] =	stream.indirect.gather [hbm4b:s5+s20], $0x20, s28, s20, $0xb8;
	[tilespmem:$0x1D500] =	vst v63  }
.LBB2_25:
0x194: {  	_ =	swait.ge [sflag:s19], $0x1000  }
0x195: {  	p0 =	seq.s32 s3, $0x0;
	[sflag:s19] =	ssyncset.done $0x0  }
0x196: {  	s8 =	simm.s32 @!p0 $0x2;
	[sflag:s19] =	ssyncadd.s32 $0xFFFFF000  }
0x197: {  	_ =	swait.ge @!p0 [sflag:s8], $0x2000  }
0x198: {  	[sflag:s8] =	ssyncset.done @!p0 $0x0  }
0x199: {  	s10 =	simm.s32 $0x0;
	[sflag:s8] =	ssyncadd.s32 @!p0 $0xFFFFE000  }
0x19a: {  	v6 =	vld [tilespmem:s10+$0x14500];
	_ =	sdelay $0x3  }
0x19b: {  	s8 =	simm.s32 $0x1B510  }
0x19c: {  	[tilespmem:s8+$0xFFFFFFF0] =	vst v6  }
0x19d: {  	v6 =	vld [tilespmem:s10+$0x14510];
	_ =	sdelay $0x4  }
0x19e: {  	s11 =	simm.s32 $0x20;
	s10 =	simm.s32 $0x100;
	[tilespmem:s8+$0x0] =	vst v6  }
.LBB2_26:
0x19f: {  	p0 =	sne.s32 s10, $0x3F80;
	v6 =	vld [tilespmem:s11+$0x14500];
	_ =	sdelay $0x3  }
0x1a0: {  	s8 =	sadd.s32 $0x40, s8  }
0x1a1: {  	[tilespmem:s8+$0xFFFFFFF0] =	vst v6  }
0x1a2: {  	v6 =	vld [tilespmem:s11+$0x14510]  }
.Ltmp15:
0x1a3: {  	(pc) =	sbr.rel @p0 .LBB2_26-.Ltmp15, $2  }
0x1a4: {  	_ =	sdelay $0x2  }
0x1a5: {  	s11 =	sshra.s32 s10, $0x2;
	s10 =	sadd.s32 $0x80, s10;
	[tilespmem:s8+$0x0] =	vst v6  }
0x1a6: {  	v6 =	vld [tilespmem:s11+$0x14500];
	_ =	sdelay $0x3  }
0x1a7: {  	s8 =	sadd.s32 $0x40, s8  }
0x1a8: {  	[tilespmem:s8+$0xFFFFFFF0] =	vst v6  }
0x1a9: {  	v6 =	vld [tilespmem:s11+$0x14510]  }
0x1aa: {  	s10 =	sadd.s32 $0x1, s3  }
0x1ab: {  	p0 =	sge.s32 s10, s0  }
0x1ac: {  	s11 =	sshll.u32 @!p0 s10, $0x9  }
0x1ad: {  	s11 =	sshra.s32 @!p0 s11, $0x2  }
0x1ae: {  	s12 =	simm.s32 @!p0 $0x14500;
	[tilespmem:s8+$0x0] =	vst v6;
	s8 =	sadd.s32 @!p0 $0xB200, s11;
	s11 =	simm.s32 @!p0 $0x80  }
0x1af: {  	[tilespmem:s12], [sflag:$0x1] =	stream.indirect.gather @!p0 [hbm4b:s5+s11], $0x20, s8, s11, $0xb8;
	[tilespmem:$0x1D500] =	vst v63  }
0x1b0: {  	p0 =	sne.s32 s10, s0  }
.Ltmp16:
0x1b1: {  	s25 =	sshll.u32 s3, $0x9;
	(pc) =	sbr.rel @p0 .LBB2_25-.Ltmp16, $4  }
0x1b2: {  	s3 =	sshra.s32 s25, $0x2  }
0x1b3: {  	s3 =	sadd.s32 $0xCB80, s3  }
0x1b4: {  	[hbm4b:s7+s20] =	stream.indirect.scatter [tilespmem:s26], [sflag:$0x2], $0x40, s3, s20, $0xb8;
	[tilespmem:$0x1D500] =	vst v63  }
0x1b5: {  	s3 =	smov.u32 s10  }
0x1b6: {  	_ =	swait.ge [sflag:s24], $0x2000  }
0x1b7: {  	[sflag:s24] =	ssyncset.done $0x0  }
0x1b8: {  	[sflag:s24] =	ssyncadd.s32 $0xFFFFE000  }
.LBB2_29:
0x1b9: {  	s0 =	sadd.s32 $0x8000007F, s1  }
0x1ba: {  	s1 =	sand.u32 $0x7F, s0  }
0x1bb: {  	s3 =	sshra.s32 s0, $0x1F;
	p0 =	slt.s32 s0, $0x1;
	p1 =	sne.s32 s1, $0x0  }
0x1bc: {  	s25 =	sshrl.u32 s3, $0x19;
	p0 =	por !p0, !p1  }
0x1bd: {  	s1 =	simm.s32 $0x1;
	s0 =	sadd.s32 s25, s0;
	p0 =	por !p0, !p0  }
0x1be: {  	s0 =	sshra.s32 s0, $0x7;
	s1 =	simm.s32 @!p0 $0x0  }
0x1bf: {  	s1 =	ssub.s32 s0, s1  }
0x1c0: {  	p0 =	slt.s32 s1, $0x1  }
.Ltmp17:
0x1c1: {  	_ = 	snop;
	(pc) =	sbr.rel @p0 .LBB2_40-.Ltmp17, $1  }
0x1c2: {  	_ =	sdelay $0x3  }
0x1c3: {  	p1 =	sne.s32 s1, $0x1  }
.Ltmp18:
0x1c4: {  	_ = 	snop;
	(pc) =	sbr.rel @!p1 .LBB2_31-.Ltmp18, $3  }
0x1c5: {  	_ =	sdelay $0x1  }
0x1c6: {  	s21 =	simm.s32 $0x32C0;
	s0 =	simm.s32 $0x1940;
	s3 =	simm.s32 $0xB240  }
0x1c7: {  	s22 =	simm.s32 $0xCBC0;
	s8 =	sadd.s32 $0xFFFFFFFF, s1;
	p0 =	por $0x0, $0x0;
	v6 =	vld [tilespmem:s21+$0xFFFFFFC0]  }
0x1c8: {  	_ =	sdelay $0x3  }
0x1c9: {  	[tilespmem:s3+$0xFFFFFFC0] =	vst v6  }
0x1ca: {  	v6 =	vld [tilespmem:s0+$0xFFFFFFC0];
	_ =	sdelay $0x4  }
0x1cb: {  	[tilespmem:s22+$0xFFFFFFC0] =	vst v6  }
0x1cc: {  	v6 =	vld [tilespmem:s21+$0xFFFFFFD0];
	_ =	sdelay $0x4  }
0x1cd: {  	[tilespmem:s3+$0xFFFFFFD0] =	vst v6  }
0x1ce: {  	v6 =	vld [tilespmem:s0+$0xFFFFFFD0];
	_ =	sdelay $0x4  }
0x1cf: {  	[tilespmem:s22+$0xFFFFFFD0] =	vst v6  }
0x1d0: {  	v6 =	vld [tilespmem:s21+$0xFFFFFFE0];
	_ =	sdelay $0x4  }
0x1d1: {  	[tilespmem:s3+$0xFFFFFFE0] =	vst v6  }
0x1d2: {  	v6 =	vld [tilespmem:s0+$0xFFFFFFE0];
	_ =	sdelay $0x4  }
0x1d3: {  	[tilespmem:s22+$0xFFFFFFE0] =	vst v6  }
0x1d4: {  	v6 =	vld [tilespmem:s21+$0xFFFFFFF0];
	_ =	sdelay $0x4  }
0x1d5: {  	[tilespmem:s3+$0xFFFFFFF0] =	vst v6  }
0x1d6: {  	v6 =	vld [tilespmem:s0+$0xFFFFFFF0];
	_ =	sdelay $0x4  }
0x1d7: {  	[tilespmem:s22+$0xFFFFFFF0] =	vst v6  }
0x1d8: {  	v6 =	vld [tilespmem:s21+$0x0];
	_ =	sdelay $0x4  }
0x1d9: {  	[tilespmem:s3+$0x0] =	vst v6  }
0x1da: {  	v6 =	vld [tilespmem:s0+$0x0];
	_ =	sdelay $0x4  }
0x1db: {  	[tilespmem:s22+$0x0] =	vst v6  }
0x1dc: {  	v6 =	vld [tilespmem:s21+$0x10];
	_ =	sdelay $0x4  }
0x1dd: {  	[tilespmem:s3+$0x10] =	vst v6  }
0x1de: {  	v6 =	vld [tilespmem:s0+$0x10];
	_ =	sdelay $0x4  }
0x1df: {  	[tilespmem:s22+$0x10] =	vst v6  }
0x1e0: {  	v6 =	vld [tilespmem:s21+$0x20];
	_ =	sdelay $0x4  }
0x1e1: {  	[tilespmem:s3+$0x20] =	vst v6  }
0x1e2: {  	v6 =	vld [tilespmem:s0+$0x20];
	_ =	sdelay $0x4  }
0x1e3: {  	[tilespmem:s22+$0x20] =	vst v6  }
0x1e4: {  	v6 =	vld [tilespmem:s21+$0x30];
	_ =	sdelay $0x4  }
0x1e5: {  	[tilespmem:s3+$0x30] =	vst v6  }
0x1e6: {  	v6 =	vld [tilespmem:s0+$0x30]  }
0x1e7: {  	p1 =	sne.s32 s8, $0x1  }
.Ltmp19:
0x1e8: {  	_ = 	snop;
	(pc) =	sbr.rel @!p1 .LBB2_33-.Ltmp19, $3  }
0x1e9: {  	_ =	sdelay $0x1  }
0x1ea: {  	s11 =	sadd.s32 $0xFFFFFFFF, s8;
	p0 =	por $0x1, $0x1;
	s21 =	simm.s32 $0x3340;
	[tilespmem:s22+$0x30] =	vst v6  }
0x1eb: {  	s8 =	simm.s32 $0xB240;
	s12 =	simm.s32 $0x1940;
	s10 =	simm.s32 $0xCBC0;
	v6 =	vld [tilespmem:s21+$0xFFFFFFC0]  }
.LBB2_34:
0x1ec: {  	p1 =	sne.s32 s11, $0x1;
	_ =	sdelay $0x2  }
0x1ed: {  	s8 =	sadd.s32 $0x80, s8  }
0x1ee: {  	s12 =	sadd.s32 $0x80, s12;
	[tilespmem:s8+$0xFFFFFFC0] =	vst v6  }
0x1ef: {  	v6 =	vld [tilespmem:s12+$0xFFFFFFC0];
	_ =	sdelay $0x3  }
0x1f0: {  	s10 =	sadd.s32 $0x80, s10  }
0x1f1: {  	[tilespmem:s10+$0xFFFFFFC0] =	vst v6  }
0x1f2: {  	v6 =	vld [tilespmem:s21+$0xFFFFFFD0];
	_ =	sdelay $0x4  }
0x1f3: {  	[tilespmem:s8+$0xFFFFFFD0] =	vst v6  }
0x1f4: {  	v6 =	vld [tilespmem:s12+$0xFFFFFFD0];
	_ =	sdelay $0x4  }
0x1f5: {  	[tilespmem:s10+$0xFFFFFFD0] =	vst v6  }
0x1f6: {  	v6 =	vld [tilespmem:s21+$0xFFFFFFE0];
	_ =	sdelay $0x4  }
0x1f7: {  	[tilespmem:s8+$0xFFFFFFE0] =	vst v6  }
0x1f8: {  	v6 =	vld [tilespmem:s12+$0xFFFFFFE0];
	_ =	sdelay $0x4  }
0x1f9: {  	[tilespmem:s10+$0xFFFFFFE0] =	vst v6  }
0x1fa: {  	v6 =	vld [tilespmem:s21+$0xFFFFFFF0];
	_ =	sdelay $0x4  }
0x1fb: {  	[tilespmem:s8+$0xFFFFFFF0] =	vst v6  }
0x1fc: {  	v6 =	vld [tilespmem:s12+$0xFFFFFFF0];
	_ =	sdelay $0x4  }
0x1fd: {  	[tilespmem:s10+$0xFFFFFFF0] =	vst v6  }
0x1fe: {  	v6 =	vld [tilespmem:s21+$0x0];
	_ =	sdelay $0x4  }
0x1ff: {  	[tilespmem:s8+$0x0] =	vst v6  }
0x200: {  	v6 =	vld [tilespmem:s12+$0x0];
	_ =	sdelay $0x4  }
0x201: {  	[tilespmem:s10+$0x0] =	vst v6  }
0x202: {  	v6 =	vld [tilespmem:s21+$0x10];
	_ =	sdelay $0x4  }
0x203: {  	[tilespmem:s8+$0x10] =	vst v6  }
0x204: {  	v6 =	vld [tilespmem:s12+$0x10];
	_ =	sdelay $0x4  }
0x205: {  	[tilespmem:s10+$0x10] =	vst v6  }
0x206: {  	v6 =	vld [tilespmem:s21+$0x20];
	_ =	sdelay $0x4  }
0x207: {  	[tilespmem:s8+$0x20] =	vst v6  }
0x208: {  	v6 =	vld [tilespmem:s12+$0x20];
	_ =	sdelay $0x4  }
0x209: {  	[tilespmem:s10+$0x20] =	vst v6  }
0x20a: {  	v6 =	vld [tilespmem:s21+$0x30];
	_ =	sdelay $0x4  }
0x20b: {  	[tilespmem:s8+$0x30] =	vst v6  }
0x20c: {  	v6 =	vld [tilespmem:s12+$0x30];
	_ =	sdelay $0x1  }
.Ltmp20:
0x20d: {  	(pc) =	sbr.rel @p1 .LBB2_34-.Ltmp20, $3  }
0x20e: {  	_ =	sdelay $0x1  }
0x20f: {  	s21 =	sadd.s32 $0x80, s21;
	[tilespmem:s10+$0x30] =	vst v6  }
0x210: {  	s11 =	sadd.s32 $0xFFFFFFFF, s11;
	v6 =	vld [tilespmem:s21+$0xFFFFFFC0]  }
.LBB2_35:
0x211: {  	_ =	sdelay $0x1  }
0x212: {  	s8 =	sadd.s32 @p0 $0x80, s8  }
0x213: {  	s3 =	smov.u32 @p0 s8;
	s8 =	sadd.s32 @p0 $0x80, s12  }
0x214: {  	s0 =	smov.u32 @p0 s8;
	[tilespmem:s3+$0xFFFFFFC0] =	vst v6  }
0x215: {  	v6 =	vld [tilespmem:s0+$0xFFFFFFC0];
	_ =	sdelay $0x2  }
0x216: {  	s8 =	sadd.s32 @p0 $0x80, s10  }
0x217: {  	s22 =	smov.u32 @p0 s8  }
0x218: {  	[tilespmem:s22+$0xFFFFFFC0] =	vst v6  }
0x219: {  	v6 =	vld [tilespmem:s21+$0xFFFFFFD0];
	_ =	sdelay $0x4  }
0x21a: {  	[tilespmem:s3+$0xFFFFFFD0] =	vst v6  }
0x21b: {  	v6 =	vld [tilespmem:s0+$0xFFFFFFD0];
	_ =	sdelay $0x4  }
0x21c: {  	[tilespmem:s22+$0xFFFFFFD0] =	vst v6  }
0x21d: {  	v6 =	vld [tilespmem:s21+$0xFFFFFFE0];
	_ =	sdelay $0x4  }
0x21e: {  	[tilespmem:s3+$0xFFFFFFE0] =	vst v6  }
0x21f: {  	v6 =	vld [tilespmem:s0+$0xFFFFFFE0];
	_ =	sdelay $0x4  }
0x220: {  	[tilespmem:s22+$0xFFFFFFE0] =	vst v6  }
0x221: {  	v6 =	vld [tilespmem:s21+$0xFFFFFFF0];
	_ =	sdelay $0x4  }
0x222: {  	[tilespmem:s3+$0xFFFFFFF0] =	vst v6  }
0x223: {  	v6 =	vld [tilespmem:s0+$0xFFFFFFF0];
	_ =	sdelay $0x4  }
0x224: {  	[tilespmem:s22+$0xFFFFFFF0] =	vst v6  }
0x225: {  	v6 =	vld [tilespmem:s21+$0x0];
	_ =	sdelay $0x4  }
0x226: {  	[tilespmem:s3+$0x0] =	vst v6  }
0x227: {  	v6 =	vld [tilespmem:s0+$0x0];
	_ =	sdelay $0x4  }
0x228: {  	[tilespmem:s22+$0x0] =	vst v6  }
0x229: {  	v6 =	vld [tilespmem:s21+$0x10];
	_ =	sdelay $0x4  }
0x22a: {  	[tilespmem:s3+$0x10] =	vst v6  }
0x22b: {  	v6 =	vld [tilespmem:s0+$0x10];
	_ =	sdelay $0x4  }
0x22c: {  	[tilespmem:s22+$0x10] =	vst v6  }
0x22d: {  	v6 =	vld [tilespmem:s21+$0x20];
	_ =	sdelay $0x4  }
0x22e: {  	[tilespmem:s3+$0x20] =	vst v6  }
0x22f: {  	v6 =	vld [tilespmem:s0+$0x20];
	_ =	sdelay $0x4  }
0x230: {  	[tilespmem:s22+$0x20] =	vst v6  }
0x231: {  	v6 =	vld [tilespmem:s21+$0x30];
	_ =	sdelay $0x4  }
0x232: {  	[tilespmem:s3+$0x30] =	vst v6  }
0x233: {  	v6 =	vld [tilespmem:s0+$0x30];
	_ =	sdelay $0x4  }
0x234: {  	s25 =	simm.s32 $0xE500;
	s0 =	simm.s32 $0x0;
	[tilespmem:s22+$0x30] =	vst v6  }
0x235: {  	[tilespmem:s25], [sflag:$0x1] =	stream.indirect.gather [hbm4b:s2+s20], $0x80, s28, s20, $0xb8;
	[tilespmem:$0x1D500] =	vst v63  }
.LBB2_36:
0x236: {  	_ =	swait.ge [sflag:s19], $0x4000  }
0x237: {  	p0 =	seq.s32 s0, $0x0;
	[sflag:s19] =	ssyncset.done $0x0  }
0x238: {  	s3 =	simm.s32 @!p0 $0x2;
	[sflag:s19] =	ssyncadd.s32 $0xFFFFC000  }
0x239: {  	_ =	swait.ge @!p0 [sflag:s3], $0x2000  }
0x23a: {  	[sflag:s3] =	ssyncset.done @!p0 $0x0  }
0x23b: {  	[sflag:s3] =	ssyncadd.s32 @!p0 $0xFFFFE000  }
0x23c: {  	_ =	swait.ge @!p0 [sflag:s3], $0x2000  }
0x23d: {  	[sflag:s3] =	ssyncset.done @!p0 $0x0  }
0x23e: {  	[sflag:s3] =	ssyncadd.s32 @!p0 $0xFFFFE000;
	s3 =	simm.s32 $0xE540  }
0x23f: {  	s8 =	simm.s32 $0x100;
	s10 =	simm.s32 $0x0;
	v6 =	vld [tilespmem:s3+$0xFFFFFFC0]  }
.LBB2_37:
0x240: {  	p0 =	sne.s32 s8, $0x7F00;
	_ =	sdelay $0x2  }
0x241: {  	s11 =	sshra.s32 s10, $0x2;
	s10 =	smov.u32 s8  }
0x242: {  	[tilespmem:s11+$0x15500] =	vst v6  }
0x243: {  	v6 =	vld [tilespmem:s3+$0xFFFFFFD0];
	_ =	sdelay $0x4  }
0x244: {  	[tilespmem:s11+$0x15510] =	vst v6  }
0x245: {  	v6 =	vld [tilespmem:s3+$0xFFFFFFE0];
	_ =	sdelay $0x4  }
0x246: {  	[tilespmem:s11+$0x15520] =	vst v6  }
0x247: {  	v6 =	vld [tilespmem:s3+$0xFFFFFFF0];
	_ =	sdelay $0x4  }
0x248: {  	[tilespmem:s11+$0x15530] =	vst v6  }
0x249: {  	v6 =	vld [tilespmem:s3+$0x0];
	_ =	sdelay $0x4  }
0x24a: {  	[tilespmem:s11+$0x17500] =	vst v6  }
0x24b: {  	v6 =	vld [tilespmem:s3+$0x10];
	_ =	sdelay $0x4  }
0x24c: {  	[tilespmem:s11+$0x17510] =	vst v6  }
0x24d: {  	v6 =	vld [tilespmem:s3+$0x20];
	_ =	sdelay $0x4  }
0x24e: {  	[tilespmem:s11+$0x17520] =	vst v6  }
0x24f: {  	v6 =	vld [tilespmem:s3+$0x30];
	_ =	sdelay $0x1  }
.Ltmp21:
0x250: {  	(pc) =	sbr.rel @p0 .LBB2_37-.Ltmp21, $3  }
0x251: {  	_ =	sdelay $0x1  }
0x252: {  	s3 =	sadd.s32 $0x80, s3;
	[tilespmem:s11+$0x17530] =	vst v6  }
0x253: {  	s8 =	sadd.s32 $0x100, s8;
	v6 =	vld [tilespmem:s3+$0xFFFFFFC0]  }
0x254: {  	_ =	sdelay $0x2  }
0x255: {  	s8 =	sshra.s32 s10, $0x2  }
0x256: {  	[tilespmem:s8+$0x15500] =	vst v6  }
0x257: {  	v6 =	vld [tilespmem:s3+$0xFFFFFFD0];
	_ =	sdelay $0x4  }
0x258: {  	[tilespmem:s8+$0x15510] =	vst v6  }
0x259: {  	v6 =	vld [tilespmem:s3+$0xFFFFFFE0];
	_ =	sdelay $0x4  }
0x25a: {  	[tilespmem:s8+$0x15520] =	vst v6  }
0x25b: {  	v6 =	vld [tilespmem:s3+$0xFFFFFFF0];
	_ =	sdelay $0x4  }
0x25c: {  	[tilespmem:s8+$0x15530] =	vst v6  }
0x25d: {  	v6 =	vld [tilespmem:s3+$0x0];
	_ =	sdelay $0x4  }
0x25e: {  	[tilespmem:s8+$0x17500] =	vst v6  }
0x25f: {  	v6 =	vld [tilespmem:s3+$0x10];
	_ =	sdelay $0x4  }
0x260: {  	[tilespmem:s8+$0x17510] =	vst v6  }
0x261: {  	v6 =	vld [tilespmem:s3+$0x20];
	_ =	sdelay $0x4  }
0x262: {  	[tilespmem:s8+$0x17520] =	vst v6  }
0x263: {  	v6 =	vld [tilespmem:s3+$0x30]  }
0x264: {  	s3 =	sadd.s32 $0x1, s0  }
0x265: {  	p0 =	sge.s32 s3, s1  }
0x266: {  	s10 =	sshll.u32 @!p0 s3, $0x9  }
0x267: {  	s25 =	sshll.u32 s0, $0x9;
	s10 =	sshra.s32 @!p0 s10, $0x2  }
0x268: {  	s11 =	simm.s32 @!p0 $0xE500;
	[tilespmem:s8+$0x17530] =	vst v6;
	s8 =	sadd.s32 @!p0 $0xB200, s10;
	s10 =	simm.s32 @!p0 $0x80  }
0x269: {  	[tilespmem:s11], [sflag:$0x1] =	stream.indirect.gather @!p0 [hbm4b:s2+s10], $0x80, s8, s10, $0xb8;
	[tilespmem:$0x1D500] =	vst v63  }
0x26a: {  	s0 =	sshra.s32 s25, $0x2;
	p0 =	sne.s32 s3, s1  }
.Ltmp22:
0x26b: {  	s0 =	sadd.s32 $0xCB80, s0;
	(pc) =	sbr.rel @p0 .LBB2_36-.Ltmp22, $4  }
0x26c: {  	[hbm4b:s6+s20] =	stream.indirect.scatter [tilespmem:s29], [sflag:$0x2], $0x40, s0, s20, $0xb8;
	[tilespmem:$0x1D500] =	vst v63  }
0x26d: {  	_ = 	snop  }
0x26e: {  	[hbm4b:s7+s20] =	stream.indirect.scatter [tilespmem:s30], [sflag:$0x2], $0x40, s0, s20, $0xb8;
	[tilespmem:$0x1D500] =	vst v63  }
0x26f: {  	s0 =	smov.u32 s3  }
0x270: {  	_ =	swait.ge [sflag:s24], $0x2000  }
.Ltmp23:
0x271: {  	[sflag:s24] =	ssyncset.done $0x0;
	(pc) =	sbr.rel .LBB2_40-.Ltmp23, $4  }
0x272: {  	[sflag:s24] =	ssyncadd.s32 $0xFFFFE000  }
0x273: {  	_ =	swait.ge [sflag:s24], $0x2000  }
0x274: {  	[sflag:s24] =	ssyncset.done $0x0  }
0x275: {  	[sflag:s24] =	ssyncadd.s32 $0xFFFFE000  }
.LBB2_9:
.Ltmp24:
0x276: {  	(pc) =	sbr.rel .LBB2_13-.Ltmp24, $2  }
0x277: {  	_ =	sdelay $0x2  }
0x278: {  	s8 =	simm.s32 $0xB240;
	s12 =	simm.s32 $0x4C40;
	s10 =	simm.s32 $0xCBC0  }
.LBB2_20:
.Ltmp25:
0x279: {  	(pc) =	sbr.rel .LBB2_24-.Ltmp25, $2  }
0x27a: {  	_ =	sdelay $0x2  }
0x27b: {  	s8 =	simm.s32 $0xB240;
	s12 =	simm.s32 $0x7F40;
	s10 =	simm.s32 $0xCBC0  }
.LBB2_31:
.Ltmp26:
0x27c: {  	(pc) =	sbr.rel .LBB2_35-.Ltmp26, $2  }
0x27d: {  	_ =	sdelay $0x2  }
0x27e: {  	s8 =	simm.s32 $0xB240;
	s12 =	simm.s32 $0x1940;
	s10 =	simm.s32 $0xCBC0  }
.LBB2_11:
.Ltmp27:
0x27f: {  	(pc) =	sbr.rel .LBB2_13-.Ltmp27, $2  }
0x280: {  	_ =	sdelay $0x2  }
0x281: {  	s8 =	simm.s32 $0xB240;
	s12 =	simm.s32 $0x4C40;
	s10 =	simm.s32 $0xCBC0  }
.LBB2_22:
.Ltmp28:
0x282: {  	(pc) =	sbr.rel .LBB2_24-.Ltmp28, $2  }
0x283: {  	_ =	sdelay $0x2  }
0x284: {  	s8 =	simm.s32 $0xB240;
	s12 =	simm.s32 $0x7F40;
	s10 =	simm.s32 $0xCBC0  }
.LBB2_33:
.Ltmp29:
0x285: {  	(pc) =	sbr.rel .LBB2_35-.Ltmp29, $2  }
0x286: {  	_ =	sdelay $0x2  }
0x287: {  	s8 =	simm.s32 $0xB240;
	s12 =	simm.s32 $0x1940;
	s10 =	simm.s32 $0xCBC0  }
.LBB2_41:
0x288: {  	_ =	sfence.sel $0x180000  }
0x289: {  	[bflag:$0x0] =	sbarrier.arrive $0xFFFF  }
0x28a: {  	_ =	strace $0x90000047  }
0x28b: {  	s0 =	stileid.u32;
	[bflag:$0x2] =	sbarrier.arrive $0xFFFF  }
0x28c: {  	p0 =	sne.s32 s0, $0x0;
	s0 =	rddreg [dreg:$0x2]  }
0x28d: {  	s0 =	sadd.s32 @!p0 $0x100000, s0  }
0x28e: {  	[sflag:s0] =	ssyncadd.tile.s32 @!p0 $0x1;
	_ =	shalt  }
.Lfunc_end2:
_tile_overlayer_lowered:
.L_overlay_start_2:
0x28f: {  	(tag) =	ssettag $0x2  }
0x290: {  	s0 =	rddreg [dreg:$0x0];
	s2 =	stileid.u32  }
0x291: {  	s1 =	rddreg [dreg:$0x1];
	p0 =	sne.s32 s2, $0x0  }
0x292: {  	s3 =	rddreg [dreg:$0x2];
	[bflag:$0x3] =	sbarrier.arrive $0xFFFF;
	s2 =	simm.s32 @!p0 $0x1C03  }
0x293: {  	[timem:s3], [sflag:s2] =	dma.local @!p0 [hbm:s0], s1  }
0x294: {  	s0 =	simm.s32 @!p0 $0x3  }
0x295: {  	_ =	swait.ge @!p0 [sflag:s0], s1  }
0x296: {  	s1 =	ssub.s32 @!p0 $0x0, s1;
	[sflag:s0] =	ssyncset.done @!p0 $0x0  }
0x297: {  	[sflag:s0] =	ssyncadd.s32 @!p0 s1  }
0x298: {  	[bflag:$0x3] =	sbarrier.arrive $0xFFFF  }
0x299: {  	_ =	shalt  }

</sc_bundles>
